<compile_context>
chip_gen: v7x
topology: tpu7x:2x2x1
jax: 0.10.2.dev20260603
libtpu: 0.0.44.dev20260713+nightly
codegen_flags: <defaults>
</compile_context>

<pallas_src>
import functools

import jax
import jax.numpy as jnp
from jax import lax
from jax.experimental import pallas as pl
from jax.experimental.pallas import tpu as pltpu
from jax.experimental.pallas import tpu_sc as plsc

N = 10000
F = 128
C = 16
NC = 2
NS = 16
NW = NC * NS
EPT = 10000
CHUNK = 128
NCH = 78
TAIL = EPT - NCH * CHUNK
NPAD = 10240
RPT = NPAD // NS
NLAST = N - (NS - 1) * RPT
BLK = 2000
GRID = N // BLK

_mesh = plsc.VectorSubcoreMesh(core_axis_name="c", subcore_axis_name="s")
_sc_params = pltpu.CompilerParams(use_tc_tiling_on_sc=False,
                                  needs_layout_passes=False)


@functools.partial(
    pl.kernel,
    mesh=_mesh,
    out_type=jax.ShapeDtypeStruct((NC, NPAD), jnp.float32),
    compiler_params=_sc_params,
    scratch_types=[
        pltpu.VMEM((EPT,), jnp.int32),
        pltpu.VMEM((160,), jnp.float32),
        pltpu.VMEM((CHUNK,), jnp.float32),
        pltpu.VMEM_SHARED((NPAD,), jnp.float32),
    ] + [pltpu.SemaphoreType.DMA] * 8,
)
def _degree_kernel(e_hbm, z_hbm, o_hbm, out_hbm, dst_v, zbuf_v, ones_v, acc_sh, *sems):
    cid = lax.axis_index("c")
    sid = lax.axis_index("s")
    wid = cid * NS + sid
    pltpu.sync_copy(z_hbm, zbuf_v)
    for k in range(RPT // 160):
        pltpu.sync_copy(zbuf_v, acc_sh.at[pl.ds(sid * RPT + k * 160, 160)])
    pltpu.sync_copy(o_hbm, ones_v)
    pltpu.sync_copy(e_hbm.at[1, pl.ds(wid * EPT, EPT)], dst_v)
    plsc.subcore_barrier()

    def body(i, carry):
        for b in range(8):
            j = i * 8 + b
            @pl.when(j >= 8)
            def _drain():
                pltpu.make_async_copy(
                    ones_v, acc_sh.at[dst_v.at[pl.ds((j - 8) * CHUNK, CHUNK)]],
                    sems[b]).wait()
            pltpu.async_copy(
                ones_v, acc_sh.at[dst_v.at[pl.ds(j * CHUNK, CHUNK)]],
                sems[b], add=True)
        return carry

    lax.fori_loop(0, 9, body, 0)
    for jj in range(72, NCH):
        pltpu.make_async_copy(
            ones_v, acc_sh.at[dst_v.at[pl.ds((jj - 8) * CHUNK, CHUNK)]],
            sems[jj % 8]).wait()
        pltpu.async_copy(
            ones_v, acc_sh.at[dst_v.at[pl.ds(jj * CHUNK, CHUNK)]],
            sems[jj % 8], add=True)
    for jj in range(NCH - 8, NCH):
        pltpu.make_async_copy(
            ones_v, acc_sh.at[dst_v.at[pl.ds(jj * CHUNK, CHUNK)]],
            sems[jj % 8]).wait()
    pltpu.async_copy(
        ones_v.at[pl.ds(0, TAIL)],
        acc_sh.at[dst_v.at[pl.ds(NCH * CHUNK, TAIL)]], sems[0], add=True).wait()
    plsc.subcore_barrier()
    pltpu.sync_copy(acc_sh.at[pl.ds(sid * RPT, RPT)],
                    out_hbm.at[cid, pl.ds(sid * RPT, RPT)])


def _rsqrt_newton(d):
    i = plsc.bitcast(d, jnp.int32)
    i = jnp.int32(0x5F3759DF) - lax.shift_right_arithmetic(i, 1)
    y = plsc.bitcast(i, jnp.float32)
    for _ in range(3):
        y = y * (1.5 - 0.5 * d * y * y)
    return y


@functools.partial(
    pl.kernel,
    mesh=_mesh,
    out_type=jax.ShapeDtypeStruct((NC, N, C), jnp.float32),
    compiler_params=_sc_params,
    scratch_types=[
        pltpu.VMEM((EPT,), jnp.int32),
        pltpu.VMEM((EPT,), jnp.int32),
        pltpu.VMEM((8, CHUNK, C), jnp.float32),
        pltpu.VMEM((RPT, C), jnp.float32),
        pltpu.VMEM((RPT, C), jnp.float32),
        pltpu.VMEM((RPT,), jnp.float32),
        pltpu.VMEM((RPT,), jnp.float32),
        pltpu.VMEM((RPT,), jnp.float32),
        pltpu.VMEM_SHARED((N, C), jnp.float32),
        pltpu.VMEM_SHARED((N, C), jnp.float32),
    ] + [pltpu.SemaphoreType.DMA] * 16,
)
def _propagate_kernel(e_hbm, h_hbm, deg_hbm, z_hbm, out_hbm,
                      src_v, dst_v, rows_v, stage_v, s_v,
                      deg0_v, deg1_v, dis_v, g_sh, acc_sh, *sems):
    cid = lax.axis_index("c")
    sid = lax.axis_index("s")
    wid = cid * NS + sid
    sem_g = sems[:8]
    sem_s = sems[8:]

    @pl.when(sid < NS - 1)
    def _full():
        pltpu.sync_copy(h_hbm.at[pl.ds(sid * RPT, RPT)], stage_v)
    @pl.when(sid == NS - 1)
    def _tail():
        pltpu.sync_copy(h_hbm.at[pl.ds((NS - 1) * RPT, NLAST)],
                        stage_v.at[pl.ds(0, NLAST)])
    pltpu.sync_copy(deg_hbm.at[0, pl.ds(sid * RPT, RPT)], deg0_v)
    pltpu.sync_copy(deg_hbm.at[1, pl.ds(sid * RPT, RPT)], deg1_v)

    @pl.when(sid < NS - 1)
    def _zfull():
        pltpu.sync_copy(z_hbm, acc_sh.at[pl.ds(sid * RPT, RPT)])
    @pl.when(sid == NS - 1)
    def _ztail():
        pltpu.sync_copy(z_hbm.at[pl.ds(0, NLAST)],
                        acc_sh.at[pl.ds((NS - 1) * RPT, NLAST)])

    def dbody(k, carry):
        d = deg0_v[pl.ds(k * C, C)] + deg1_v[pl.ds(k * C, C)] + 1.0
        dis_v[pl.ds(k * C, C)] = _rsqrt_newton(d)
        return carry
    lax.fori_loop(0, RPT // C, dbody, 0)

    def gbody(k, carry):
        for u in range(4):
            i = k * 4 + u
            sp = plsc.load_gather(dis_v, [jnp.full((C,), i, jnp.int32)])
            stage_v[i, :] = stage_v[i, :] * sp
        return carry
    lax.fori_loop(0, RPT // 4, gbody, 0)
    @pl.when(sid < NS - 1)
    def _gfull():
        pltpu.sync_copy(stage_v, g_sh.at[pl.ds(sid * RPT, RPT)])
    @pl.when(sid == NS - 1)
    def _gtail():
        pltpu.sync_copy(stage_v.at[pl.ds(0, NLAST)],
                        g_sh.at[pl.ds((NS - 1) * RPT, NLAST)])

    pltpu.sync_copy(e_hbm.at[0, pl.ds(wid * EPT, EPT)], src_v)
    pltpu.sync_copy(e_hbm.at[1, pl.ds(wid * EPT, EPT)], dst_v)
    plsc.subcore_barrier()

    def sidx(j):
        return src_v.at[pl.ds(j * CHUNK, CHUNK)]
    def didx(j):
        return dst_v.at[pl.ds(j * CHUNK, CHUNK)]

    for b in range(4):
        pltpu.async_copy(g_sh.at[sidx(b)], rows_v.at[b], sem_g[b])

    def body(i, carry):
        for b in range(8):
            j = i * 8 + b
            bp = (b + 4) % 8
            pltpu.make_async_copy(g_sh.at[sidx(j)], rows_v.at[b], sem_g[b]).wait()
            pltpu.async_copy(rows_v.at[b], acc_sh.at[didx(j)], sem_s[b], add=True)
            @pl.when(j >= 4)
            def _drain():
                pltpu.make_async_copy(rows_v.at[bp], acc_sh.at[didx(j - 4)], sem_s[bp]).wait()
            pltpu.async_copy(g_sh.at[sidx(j + 4)], rows_v.at[bp], sem_g[bp])
        return carry

    lax.fori_loop(0, 9, body, 0)
    for jj in range(72, NCH):
        b = jj % 8
        bp = (b + 4) % 8
        pltpu.make_async_copy(g_sh.at[sidx(jj)], rows_v.at[b], sem_g[b]).wait()
        pltpu.async_copy(rows_v.at[b], acc_sh.at[didx(jj)], sem_s[b], add=True)
        pltpu.make_async_copy(rows_v.at[bp], acc_sh.at[didx(jj - 4)], sem_s[bp]).wait()
        if jj + 4 < NCH:
            pltpu.async_copy(g_sh.at[sidx(jj + 4)], rows_v.at[bp], sem_g[bp])
    for jj in range(NCH - 4, NCH):
        b = jj % 8
        pltpu.make_async_copy(rows_v.at[b], acc_sh.at[didx(jj)], sem_s[b]).wait()
    pltpu.async_copy(g_sh.at[src_v.at[pl.ds(NCH * CHUNK, TAIL)]],
                     rows_v.at[0, pl.ds(0, TAIL)], sem_g[0]).wait()
    pltpu.async_copy(rows_v.at[0, pl.ds(0, TAIL)],
                     acc_sh.at[dst_v.at[pl.ds(NCH * CHUNK, TAIL)]],
                     sem_s[0], add=True).wait()
    plsc.subcore_barrier()

    @pl.when(sid < NS - 1)
    def _sfull():
        pltpu.sync_copy(acc_sh.at[pl.ds(sid * RPT, RPT)], s_v)
    @pl.when(sid == NS - 1)
    def _stail():
        pltpu.sync_copy(acc_sh.at[pl.ds((NS - 1) * RPT, NLAST)],
                        s_v.at[pl.ds(0, NLAST)])
    w = jnp.where(cid == 0, 1.0, 0.0).astype(jnp.float32)
    def obody(k, carry):
        for u in range(4):
            i = k * 4 + u
            sp = plsc.load_gather(dis_v, [jnp.full((C,), i, jnp.int32)])
            s_v[i, :] = (s_v[i, :] + w * stage_v[i, :]) * sp
        return carry
    lax.fori_loop(0, RPT // 4, obody, 0)
    @pl.when(sid < NS - 1)
    def _ofull():
        pltpu.sync_copy(s_v, out_hbm.at[cid, pl.ds(sid * RPT, RPT)])
    @pl.when(sid == NS - 1)
    def _otail():
        pltpu.sync_copy(s_v.at[pl.ds(0, NLAST)],
                        out_hbm.at[cid, pl.ds((NS - 1) * RPT, NLAST)])


def _matmul_h_body(x_ref, w2_ref, h_ref):
    h_ref[...] = jnp.dot(x_ref[...], w2_ref[...], preferred_element_type=jnp.float32)


_matmul_h = pl.pallas_call(
    _matmul_h_body,
    grid=(GRID,),
    in_specs=[
        pl.BlockSpec((BLK, F), lambda j: (j, 0)),
        pl.BlockSpec((F, C), lambda j: (0, 0)),
    ],
    out_specs=pl.BlockSpec((BLK, C), lambda j: (j, 0)),
    out_shape=jax.ShapeDtypeStruct((N, C), jnp.float32),
)


def _dense_out_body(z_ref, b2_ref, wl_ref, bl_ref, o_ref):
    t = jnp.maximum(z_ref[0] + z_ref[1] + b2_ref[...], 0.0)
    o_ref[...] = jnp.dot(t, wl_ref[...], preferred_element_type=jnp.float32) + bl_ref[...]


_dense_out = pl.pallas_call(
    _dense_out_body,
    out_shape=jax.ShapeDtypeStruct((N * C // 128, 128), jnp.float32),
)


def kernel(x, edge_index, W2, b2, Wl, bl):
    e32 = edge_index.astype(jnp.int32)
    deg2 = _degree_kernel(e32, jnp.zeros((160,), jnp.float32),
                          jnp.ones((CHUNK,), jnp.float32))
    h = _matmul_h(x, W2)
    z2 = _propagate_kernel(e32, h, deg2, jnp.zeros((RPT, C), jnp.float32))
    z2p = z2.reshape(NC, N * C // 128, 128)
    wlk = jnp.kron(jnp.eye(8, dtype=jnp.float32), Wl)
    b2p = jnp.tile(b2, 8).reshape(1, 128)
    blp = jnp.tile(bl, 8).reshape(1, 128)
    outw = _dense_out(z2p, b2p, wlk, blp)
    return outw.reshape(N, C)

# --- scband reference (transcript-rebuilt; emitter-appended) ---
"""Pipeline reference for scband-net-71210557767875 (READ-ONLY COPY).

The authoritative reference and input builder live on the scoring server;
editing this copy changes nothing except your own understanding.
"""

import jax, jax.numpy as jnp
import numpy as np

N = 10000
E = 320000
F = 128
C = 16

def setup_inputs(seed: int = 0) -> dict:
    key = jax.random.key(seed)
    k1, k2, k3, k4, k5, k6 = jax.random.split(key, 6)
    x = jax.random.normal(k1, (N, F), dtype=jnp.float32)
    edge_index = jax.random.randint(k2, (2, E), 0, N, dtype=jnp.int64)
    # GCNConv conv2: num_features -> num_class (glorot init)
    W2 = jax.random.normal(k3, (F, C), dtype=jnp.float32) * (1.0 / np.sqrt(F))
    b2 = jnp.zeros((C,), dtype=jnp.float32)
    # Linear: num_class -> num_class
    Wl = jax.random.normal(k4, (C, C), dtype=jnp.float32) * (1.0 / np.sqrt(C))
    bl = jax.random.normal(k5, (C,), dtype=jnp.float32) * (1.0 / np.sqrt(C))
    return {"x": x, "edge_index": edge_index, "W2": W2, "b2": b2, "Wl": Wl, "bl": bl}

def _gcn_conv(x, edge_index, W, b):
    # GCNConv: add self-loops, symmetric normalization, linear-then-propagate
    src, dst = edge_index[0], edge_index[1]
    loop = jnp.arange(N, dtype=src.dtype)
    src2 = jnp.concatenate([src, loop])
    dst2 = jnp.concatenate([dst, loop])
    ones = jnp.ones((src2.shape[0],), dtype=x.dtype)
    deg = jax.ops.segment_sum(ones, dst2, num_segments=N)
    deg_inv_sqrt = jnp.where(deg > 0, jax.lax.rsqrt(deg), 0.0)
    norm = deg_inv_sqrt[src2] * deg_inv_sqrt[dst2]
    h = x @ W  # [N, C]
    msg = h[src2] * norm[:, None]  # gather (memory-bound)
    out = jnp.zeros((N, W.shape[1]), dtype=x.dtype).at[dst2].add(msg)  # scatter-add
    return out + b

def reference(x, edge_index, W2, b2, Wl, bl):
    h = _gcn_conv(x, edge_index, W2, b2)
    h = jax.nn.relu(h)
    return h @ Wl + bl

if __name__ == "__main__":
    import jax
    _d = setup_inputs()
    print(jax.jit(kernel)(*tuple(_d.values())))

</pallas_src>

<mosaic_0001>
#map = affine_map<(d0, d1) -> (0, 0)>
#map1 = affine_map<(d0, d1) -> (0)>
module attributes {stable_mosaic.version = 14 : i64} {
  func.func @_degree_kernel(%arg0: i32, %arg1: i32, %arg2: memref<2x320000xi32, #tpu.memory_space<hbm>>, %arg3: memref<160xf32, #tpu.memory_space<hbm>>, %arg4: memref<128xf32, #tpu.memory_space<hbm>>, %arg5: memref<2x10240xf32, #tpu.memory_space<hbm>>, %arg6: memref<10000xi32, #tpu.memory_space<vmem>>, %arg7: memref<160xf32, #tpu.memory_space<vmem>>, %arg8: memref<128xf32, #tpu.memory_space<vmem>>, %arg9: memref<10240xf32, #tpu.memory_space<vmem_shared>>, %arg10: memref<!tpu.dma_semaphore, #tpu.memory_space<semaphore_mem>>, %arg11: memref<!tpu.dma_semaphore, #tpu.memory_space<semaphore_mem>>, %arg12: memref<!tpu.dma_semaphore, #tpu.memory_space<semaphore_mem>>, %arg13: memref<!tpu.dma_semaphore, #tpu.memory_space<semaphore_mem>>, %arg14: memref<!tpu.dma_semaphore, #tpu.memory_space<semaphore_mem>>, %arg15: memref<!tpu.dma_semaphore, #tpu.memory_space<semaphore_mem>>, %arg16: memref<!tpu.dma_semaphore, #tpu.memory_space<semaphore_mem>>, %arg17: memref<!tpu.dma_semaphore, #tpu.memory_space<semaphore_mem>>) attributes {dimension_semantics = [#tpu.dimension_semantics<core_parallel>, #tpu.dimension_semantics<subcore_parallel>], iteration_bounds = array<i64: 2, 16>, scalar_prefetch = 0 : i64, scratch_operands = 12 : i64, tpu.core_type = #tpu.core_type<sc_vector_subcore>, window_params = [{transform_indices = #map}, {transform_indices = #map1}, {transform_indices = #map1}, {transform_indices = #map}]} {
    %mul3A = arith.constant 16 : i32
    %mul3A_0 = arith.muli %arg0, %mul3A : i32
    %add3A = arith.addi %mul3A_0, %arg1 : i32
    "tpu.region"() ({
      %run_scoped3A_119 = tpu.sem_alloc : memref<!tpu.dma_semaphore, #tpu.memory_space<semaphore_mem>>
      tpu.enqueue_dma source(%arg3 : memref<160xf32, #tpu.memory_space<hbm>>) target(%arg7 : memref<160xf32, #tpu.memory_space<vmem>>) target_semaphore(%run_scoped3A_119 : memref<!tpu.dma_semaphore, #tpu.memory_space<semaphore_mem>>)
      tpu.wait_dma2 semaphore(%run_scoped3A_119 : memref<!tpu.dma_semaphore, #tpu.memory_space<semaphore_mem>>) src(%arg3 : memref<160xf32, #tpu.memory_space<hbm>>) dst(%arg7 : memref<160xf32, #tpu.memory_space<vmem>>)
      tpu.yield
    }) : () -> ()
    %mul3A_1 = arith.constant 640 : i32
    %mul3A_2 = arith.muli %arg1, %mul3A_1 : i32
    %add3A_3 = arith.constant 0 : i32
    %add3A_4 = arith.addi %mul3A_2, %add3A_3 : i32
    "tpu.region"() ({
      %run_scoped3A_119 = tpu.sem_alloc : memref<!tpu.dma_semaphore, #tpu.memory_space<semaphore_mem>>
      %dma_start3A_120 = tpu.memref_slice %arg9[%add3A_4] : memref<10240xf32, #tpu.memory_space<vmem_shared>> -> memref<160xf32, #tpu.memory_space<vmem_shared>>
      %dma_start3A_121 = tpu.memref_slice %arg9[%add3A_4] : memref<10240xf32, #tpu.memory_space<vmem_shared>> -> memref<160xf32, #tpu.memory_space<vmem_shared>>
      tpu.enqueue_dma source(%arg7 : memref<160xf32, #tpu.memory_space<vmem>>) target(%dma_start3A_121 : memref<160xf32, #tpu.memory_space<vmem_shared>>) target_semaphore(%run_scoped3A_119 : memref<!tpu.dma_semaphore, #tpu.memory_space<semaphore_mem>>)
      %dma_wait3A_122 = tpu.memref_slice %arg9[%add3A_4] : memref<10240xf32, #tpu.memory_space<vmem_shared>> -> memref<160xf32, #tpu.memory_space<vmem_shared>>
      %dma_wait3A_123 = tpu.memref_slice %arg9[%add3A_4] : memref<10240xf32, #tpu.memory_space<vmem_shared>> -> memref<160xf32, #tpu.memory_space<vmem_shared>>
      tpu.wait_dma2 semaphore(%run_scoped3A_119 : memref<!tpu.dma_semaphore, #tpu.memory_space<semaphore_mem>>) src(%arg7 : memref<160xf32, #tpu.memory_space<vmem>>) dst(%dma_wait3A_123 : memref<160xf32, #tpu.memory_space<vmem_shared>>)
      tpu.yield
    }) : () -> ()
    %mul3A_5 = arith.constant 640 : i32
    %mul3A_6 = arith.muli %arg1, %mul3A_5 : i32
    %add3A_7 = arith.constant 160 : i32
    %add3A_8 = arith.addi %mul3A_6, %add3A_7 : i32
    "tpu.region"() ({
      %run_scoped3A_119 = tpu.sem_alloc : memref<!tpu.dma_semaphore, #tpu.memory_space<semaphore_mem>>
      %dma_start3A_120 = tpu.memref_slice %arg9[%add3A_8] : memref<10240xf32, #tpu.memory_space<vmem_shared>> -> memref<160xf32, #tpu.memory_space<vmem_shared>>
      %dma_start3A_121 = tpu.memref_slice %arg9[%add3A_8] : memref<10240xf32, #tpu.memory_space<vmem_shared>> -> memref<160xf32, #tpu.memory_space<vmem_shared>>
      tpu.enqueue_dma source(%arg7 : memref<160xf32, #tpu.memory_space<vmem>>) target(%dma_start3A_121 : memref<160xf32, #tpu.memory_space<vmem_shared>>) target_semaphore(%run_scoped3A_119 : memref<!tpu.dma_semaphore, #tpu.memory_space<semaphore_mem>>)
      %dma_wait3A_122 = tpu.memref_slice %arg9[%add3A_8] : memref<10240xf32, #tpu.memory_space<vmem_shared>> -> memref<160xf32, #tpu.memory_space<vmem_shared>>
      %dma_wait3A_123 = tpu.memref_slice %arg9[%add3A_8] : memref<10240xf32, #tpu.memory_space<vmem_shared>> -> memref<160xf32, #tpu.memory_space<vmem_shared>>
      tpu.wait_dma2 semaphore(%run_scoped3A_119 : memref<!tpu.dma_semaphore, #tpu.memory_space<semaphore_mem>>) src(%arg7 : memref<160xf32, #tpu.memory_space<vmem>>) dst(%dma_wait3A_123 : memref<160xf32, #tpu.memory_space<vmem_shared>>)
      tpu.yield
    }) : () -> ()
    %mul3A_9 = arith.constant 640 : i32
    %mul3A_10 = arith.muli %arg1, %mul3A_9 : i32
    %add3A_11 = arith.constant 320 : i32
    %add3A_12 = arith.addi %mul3A_10, %add3A_11 : i32
    "tpu.region"() ({
      %run_scoped3A_119 = tpu.sem_alloc : memref<!tpu.dma_semaphore, #tpu.memory_space<semaphore_mem>>
      %dma_start3A_120 = tpu.memref_slice %arg9[%add3A_12] : memref<10240xf32, #tpu.memory_space<vmem_shared>> -> memref<160xf32, #tpu.memory_space<vmem_shared>>
      %dma_start3A_121 = tpu.memref_slice %arg9[%add3A_12] : memref<10240xf32, #tpu.memory_space<vmem_shared>> -> memref<160xf32, #tpu.memory_space<vmem_shared>>
      tpu.enqueue_dma source(%arg7 : memref<160xf32, #tpu.memory_space<vmem>>) target(%dma_start3A_121 : memref<160xf32, #tpu.memory_space<vmem_shared>>) target_semaphore(%run_scoped3A_119 : memref<!tpu.dma_semaphore, #tpu.memory_space<semaphore_mem>>)
      %dma_wait3A_122 = tpu.memref_slice %arg9[%add3A_12] : memref<10240xf32, #tpu.memory_space<vmem_shared>> -> memref<160xf32, #tpu.memory_space<vmem_shared>>
      %dma_wait3A_123 = tpu.memref_slice %arg9[%add3A_12] : memref<10240xf32, #tpu.memory_space<vmem_shared>> -> memref<160xf32, #tpu.memory_space<vmem_shared>>
      tpu.wait_dma2 semaphore(%run_scoped3A_119 : memref<!tpu.dma_semaphore, #tpu.memory_space<semaphore_mem>>) src(%arg7 : memref<160xf32, #tpu.memory_space<vmem>>) dst(%dma_wait3A_123 : memref<160xf32, #tpu.memory_space<vmem_shared>>)
      tpu.yield
    }) : () -> ()
    %mul3A_13 = arith.constant 640 : i32
    %mul3A_14 = arith.muli %arg1, %mul3A_13 : i32
    %add3A_15 = arith.constant 480 : i32
    %add3A_16 = arith.addi %mul3A_14, %add3A_15 : i32
    "tpu.region"() ({
      %run_scoped3A_119 = tpu.sem_alloc : memref<!tpu.dma_semaphore, #tpu.memory_space<semaphore_mem>>
      %dma_start3A_120 = tpu.memref_slice %arg9[%add3A_16] : memref<10240xf32, #tpu.memory_space<vmem_shared>> -> memref<160xf32, #tpu.memory_space<vmem_shared>>
      %dma_start3A_121 = tpu.memref_slice %arg9[%add3A_16] : memref<10240xf32, #tpu.memory_space<vmem_shared>> -> memref<160xf32, #tpu.memory_space<vmem_shared>>
      tpu.enqueue_dma source(%arg7 : memref<160xf32, #tpu.memory_space<vmem>>) target(%dma_start3A_121 : memref<160xf32, #tpu.memory_space<vmem_shared>>) target_semaphore(%run_scoped3A_119 : memref<!tpu.dma_semaphore, #tpu.memory_space<semaphore_mem>>)
      %dma_wait3A_122 = tpu.memref_slice %arg9[%add3A_16] : memref<10240xf32, #tpu.memory_space<vmem_shared>> -> memref<160xf32, #tpu.memory_space<vmem_shared>>
      %dma_wait3A_123 = tpu.memref_slice %arg9[%add3A_16] : memref<10240xf32, #tpu.memory_space<vmem_shared>> -> memref<160xf32, #tpu.memory_space<vmem_shared>>
      tpu.wait_dma2 semaphore(%run_scoped3A_119 : memref<!tpu.dma_semaphore, #tpu.memory_space<semaphore_mem>>) src(%arg7 : memref<160xf32, #tpu.memory_space<vmem>>) dst(%dma_wait3A_123 : memref<160xf32, #tpu.memory_space<vmem_shared>>)
      tpu.yield
    }) : () -> ()
    "tpu.region"() ({
      %run_scoped3A_119 = tpu.sem_alloc : memref<!tpu.dma_semaphore, #tpu.memory_space<semaphore_mem>>
      tpu.enqueue_dma source(%arg4 : memref<128xf32, #tpu.memory_space<hbm>>) target(%arg8 : memref<128xf32, #tpu.memory_space<vmem>>) target_semaphore(%run_scoped3A_119 : memref<!tpu.dma_semaphore, #tpu.memory_space<semaphore_mem>>)
      tpu.wait_dma2 semaphore(%run_scoped3A_119 : memref<!tpu.dma_semaphore, #tpu.memory_space<semaphore_mem>>) src(%arg4 : memref<128xf32, #tpu.memory_space<hbm>>) dst(%arg8 : memref<128xf32, #tpu.memory_space<vmem>>)
      tpu.yield
    }) : () -> ()
    %mul3A_17 = arith.constant 10000 : i32
    %mul3A_18 = arith.muli %add3A, %mul3A_17 : i32
    %run_scoped3A = arith.constant 1 : i32
    "tpu.region"() ({
      %run_scoped3A_119 = tpu.sem_alloc : memref<!tpu.dma_semaphore, #tpu.memory_space<semaphore_mem>>
      %dma_start3A_120 = tpu.memref_slice %arg2[%run_scoped3A, %mul3A_18] : memref<2x320000xi32, #tpu.memory_space<hbm>> -> memref<1x10000xi32, #tpu.memory_space<hbm>>
      %dma_start3A_121 = tpu.memref_squeeze %dma_start3A_120 : memref<1x10000xi32, #tpu.memory_space<hbm>> -> memref<10000xi32, #tpu.memory_space<hbm>>
      %dma_start3A_122 = tpu.memref_slice %arg2[%run_scoped3A, %mul3A_18] : memref<2x320000xi32, #tpu.memory_space<hbm>> -> memref<1x10000xi32, #tpu.memory_space<hbm>>
      %dma_start3A_123 = tpu.memref_squeeze %dma_start3A_122 : memref<1x10000xi32, #tpu.memory_space<hbm>> -> memref<10000xi32, #tpu.memory_space<hbm>>
      tpu.enqueue_dma source(%dma_start3A_123 : memref<10000xi32, #tpu.memory_space<hbm>>) target(%arg6 : memref<10000xi32, #tpu.memory_space<vmem>>) target_semaphore(%run_scoped3A_119 : memref<!tpu.dma_semaphore, #tpu.memory_space<semaphore_mem>>)
      %dma_wait3A_124 = tpu.memref_slice %arg2[%run_scoped3A, %mul3A_18] : memref<2x320000xi32, #tpu.memory_space<hbm>> -> memref<1x10000xi32, #tpu.memory_space<hbm>>
      %dma_wait3A_125 = tpu.memref_squeeze %dma_wait3A_124 : memref<1x10000xi32, #tpu.memory_space<hbm>> -> memref<10000xi32, #tpu.memory_space<hbm>>
      %dma_wait3A_126 = tpu.memref_slice %arg2[%run_scoped3A, %mul3A_18] : memref<2x320000xi32, #tpu.memory_space<hbm>> -> memref<1x10000xi32, #tpu.memory_space<hbm>>
      %dma_wait3A_127 = tpu.memref_squeeze %dma_wait3A_126 : memref<1x10000xi32, #tpu.memory_space<hbm>> -> memref<10000xi32, #tpu.memory_space<hbm>>
      tpu.wait_dma2 semaphore(%run_scoped3A_119 : memref<!tpu.dma_semaphore, #tpu.memory_space<semaphore_mem>>) src(%dma_wait3A_127 : memref<10000xi32, #tpu.memory_space<hbm>>) dst(%arg6 : memref<10000xi32, #tpu.memory_space<vmem>>)
      tpu.yield
    }) : () -> ()
    %barrier3A = arith.constant 0 : index
    tpu.barrier barrier_id(%barrier3A)
    %scan3A = arith.constant 0 : i32
    %scan3A_19 = arith.constant 0 : i32
    %scan3A_20 = arith.constant 9 : i32
    %scan3A_21 = arith.addi %scan3A_19, %scan3A_20 : i32
    %scan3A_22 = arith.constant 1 : i32
    scf.for %scan3A_119 = %scan3A_19 to %scan3A_21 step %scan3A_22  : i32 {
      %mul3A_120 = arith.constant 8 : i32
      %mul3A_121 = arith.muli %scan3A_119, %mul3A_120 : i32
      %add3A_122 = arith.constant 0 : i32
      %add3A_123 = arith.addi %mul3A_121, %add3A_122 : i32
      %ge3A = arith.constant 8 : i32
      %ge3A_124 = arith.cmpi sge, %add3A_123, %ge3A : i32
      %convert_element_type3A = arith.extui %ge3A_124 : i1 to i32
      %cond3A = arith.constant 0 : i32
      %cond3A_125 = arith.cmpi ne, %convert_element_type3A, %cond3A : i32
      scf.if %cond3A_125 {
        %sub3A = arith.constant 8 : i32
        %sub3A_229 = arith.subi %add3A_123, %sub3A : i32
        %mul3A_230 = arith.constant 128 : i32
        %mul3A_231 = arith.muli %sub3A_229, %mul3A_230 : i32
        %dma_wait3A_232 = tpu.memref_slice %arg6[%mul3A_231] : memref<10000xi32, #tpu.memory_space<vmem>> -> memref<128xi32, #tpu.memory_space<vmem>>
        %dma_wait3A_233 = arith.constant 0 : i32
        %dma_wait3A_234 = tpu.memref_slice %arg9[%dma_wait3A_233] : memref<10240xf32, #tpu.memory_space<vmem_shared>> -> memref<10240xf32, #tpu.memory_space<vmem_shared>>
        tpu.wait_indirect_dma semaphore(%arg10 : memref<!tpu.dma_semaphore, #tpu.memory_space<semaphore_mem>>) src(%arg8 : memref<128xf32, #tpu.memory_space<vmem>>) dst(%dma_wait3A_234 : memref<10240xf32, #tpu.memory_space<vmem_shared>>)
      } else {
      }
      %mul3A_126 = arith.constant 128 : i32
      %mul3A_127 = arith.muli %add3A_123, %mul3A_126 : i32
      %dma_start3A_128 = tpu.memref_slice %arg6[%mul3A_127] : memref<10000xi32, #tpu.memory_space<vmem>> -> memref<128xi32, #tpu.memory_space<vmem>>
      %dma_start3A_129 = arith.constant 0 : i32
      %dma_start3A_130 = tpu.memref_slice %arg9[%dma_start3A_129] : memref<10240xf32, #tpu.memory_space<vmem_shared>> -> memref<10240xf32, #tpu.memory_space<vmem_shared>>
      tpu.enqueue_indirect_dma source(%arg8 : memref<128xf32, #tpu.memory_space<vmem>>) target(%dma_start3A_130 : memref<10240xf32, #tpu.memory_space<vmem_shared>>) offsets(%dma_start3A_128 : memref<128xi32, #tpu.memory_space<vmem>>) semaphore(%arg10 : memref<!tpu.dma_semaphore, #tpu.memory_space<semaphore_mem>>) {add = true}
      %mul3A_131 = arith.constant 8 : i32
      %mul3A_132 = arith.muli %scan3A_119, %mul3A_131 : i32
      %add3A_133 = arith.constant 1 : i32
      %add3A_134 = arith.addi %mul3A_132, %add3A_133 : i32
      %ge3A_135 = arith.constant 8 : i32
      %ge3A_136 = arith.cmpi sge, %add3A_134, %ge3A_135 : i32
      %convert_element_type3A_137 = arith.extui %ge3A_136 : i1 to i32
      %cond3A_138 = arith.constant 0 : i32
      %cond3A_139 = arith.cmpi ne, %convert_element_type3A_137, %cond3A_138 : i32
      scf.if %cond3A_139 {
        %sub3A = arith.constant 8 : i32
        %sub3A_229 = arith.subi %add3A_134, %sub3A : i32
        %mul3A_230 = arith.constant 128 : i32
        %mul3A_231 = arith.muli %sub3A_229, %mul3A_230 : i32
        %dma_wait3A_232 = tpu.memref_slice %arg6[%mul3A_231] : memref<10000xi32, #tpu.memory_space<vmem>> -> memref<128xi32, #tpu.memory_space<vmem>>
        %dma_wait3A_233 = arith.constant 0 : i32
        %dma_wait3A_234 = tpu.memref_slice %arg9[%dma_wait3A_233] : memref<10240xf32, #tpu.memory_space<vmem_shared>> -> memref<10240xf32, #tpu.memory_space<vmem_shared>>
        tpu.wait_indirect_dma semaphore(%arg11 : memref<!tpu.dma_semaphore, #tpu.memory_space<semaphore_mem>>) src(%arg8 : memref<128xf32, #tpu.memory_space<vmem>>) dst(%dma_wait3A_234 : memref<10240xf32, #tpu.memory_space<vmem_shared>>)
      } else {
      }
      %mul3A_140 = arith.constant 128 : i32
      %mul3A_141 = arith.muli %add3A_134, %mul3A_140 : i32
      %dma_start3A_142 = tpu.memref_slice %arg6[%mul3A_141] : memref<10000xi32, #tpu.memory_space<vmem>> -> memref<128xi32, #tpu.memory_space<vmem>>
      %dma_start3A_143 = arith.constant 0 : i32
      %dma_start3A_144 = tpu.memref_slice %arg9[%dma_start3A_143] : memref<10240xf32, #tpu.memory_space<vmem_shared>> -> memref<10240xf32, #tpu.memory_space<vmem_shared>>
      tpu.enqueue_indirect_dma source(%arg8 : memref<128xf32, #tpu.memory_space<vmem>>) target(%dma_start3A_144 : memref<10240xf32, #tpu.memory_space<vmem_shared>>) offsets(%dma_start3A_142 : memref<128xi32, #tpu.memory_space<vmem>>) semaphore(%arg11 : memref<!tpu.dma_semaphore, #tpu.memory_space<semaphore_mem>>) {add = true}
      %mul3A_145 = arith.constant 8 : i32
      %mul3A_146 = arith.muli %scan3A_119, %mul3A_145 : i32
      %add3A_147 = arith.constant 2 : i32
      %add3A_148 = arith.addi %mul3A_146, %add3A_147 : i32
      %ge3A_149 = arith.constant 8 : i32
      %ge3A_150 = arith.cmpi sge, %add3A_148, %ge3A_149 : i32
      %convert_element_type3A_151 = arith.extui %ge3A_150 : i1 to i32
      %cond3A_152 = arith.constant 0 : i32
      %cond3A_153 = arith.cmpi ne, %convert_element_type3A_151, %cond3A_152 : i32
      scf.if %cond3A_153 {
        %sub3A = arith.constant 8 : i32
        %sub3A_229 = arith.subi %add3A_148, %sub3A : i32
        %mul3A_230 = arith.constant 128 : i32
        %mul3A_231 = arith.muli %sub3A_229, %mul3A_230 : i32
        %dma_wait3A_232 = tpu.memref_slice %arg6[%mul3A_231] : memref<10000xi32, #tpu.memory_space<vmem>> -> memref<128xi32, #tpu.memory_space<vmem>>
        %dma_wait3A_233 = arith.constant 0 : i32
        %dma_wait3A_234 = tpu.memref_slice %arg9[%dma_wait3A_233] : memref<10240xf32, #tpu.memory_space<vmem_shared>> -> memref<10240xf32, #tpu.memory_space<vmem_shared>>
        tpu.wait_indirect_dma semaphore(%arg12 : memref<!tpu.dma_semaphore, #tpu.memory_space<semaphore_mem>>) src(%arg8 : memref<128xf32, #tpu.memory_space<vmem>>) dst(%dma_wait3A_234 : memref<10240xf32, #tpu.memory_space<vmem_shared>>)
      } else {
      }
      %mul3A_154 = arith.constant 128 : i32
      %mul3A_155 = arith.muli %add3A_148, %mul3A_154 : i32
      %dma_start3A_156 = tpu.memref_slice %arg6[%mul3A_155] : memref<10000xi32, #tpu.memory_space<vmem>> -> memref<128xi32, #tpu.memory_space<vmem>>
      %dma_start3A_157 = arith.constant 0 : i32
      %dma_start3A_158 = tpu.memref_slice %arg9[%dma_start3A_157] : memref<10240xf32, #tpu.memory_space<vmem_shared>> -> memref<10240xf32, #tpu.memory_space<vmem_shared>>
      tpu.enqueue_indirect_dma source(%arg8 : memref<128xf32, #tpu.memory_space<vmem>>) target(%dma_start3A_158 : memref<10240xf32, #tpu.memory_space<vmem_shared>>) offsets(%dma_start3A_156 : memref<128xi32, #tpu.memory_space<vmem>>) semaphore(%arg12 : memref<!tpu.dma_semaphore, #tpu.memory_space<semaphore_mem>>) {add = true}
      %mul3A_159 = arith.constant 8 : i32
      %mul3A_160 = arith.muli %scan3A_119, %mul3A_159 : i32
      %add3A_161 = arith.constant 3 : i32
      %add3A_162 = arith.addi %mul3A_160, %add3A_161 : i32
      %ge3A_163 = arith.constant 8 : i32
      %ge3A_164 = arith.cmpi sge, %add3A_162, %ge3A_163 : i32
      %convert_element_type3A_165 = arith.extui %ge3A_164 : i1 to i32
      %cond3A_166 = arith.constant 0 : i32
      %cond3A_167 = arith.cmpi ne, %convert_element_type3A_165, %cond3A_166 : i32
      scf.if %cond3A_167 {
        %sub3A = arith.constant 8 : i32
        %sub3A_229 = arith.subi %add3A_162, %sub3A : i32
        %mul3A_230 = arith.constant 128 : i32
        %mul3A_231 = arith.muli %sub3A_229, %mul3A_230 : i32
        %dma_wait3A_232 = tpu.memref_slice %arg6[%mul3A_231] : memref<10000xi32, #tpu.memory_space<vmem>> -> memref<128xi32, #tpu.memory_space<vmem>>
        %dma_wait3A_233 = arith.constant 0 : i32
        %dma_wait3A_234 = tpu.memref_slice %arg9[%dma_wait3A_233] : memref<10240xf32, #tpu.memory_space<vmem_shared>> -> memref<10240xf32, #tpu.memory_space<vmem_shared>>
        tpu.wait_indirect_dma semaphore(%arg13 : memref<!tpu.dma_semaphore, #tpu.memory_space<semaphore_mem>>) src(%arg8 : memref<128xf32, #tpu.memory_space<vmem>>) dst(%dma_wait3A_234 : memref<10240xf32, #tpu.memory_space<vmem_shared>>)
      } else {
      }
      %mul3A_168 = arith.constant 128 : i32
      %mul3A_169 = arith.muli %add3A_162, %mul3A_168 : i32
      %dma_start3A_170 = tpu.memref_slice %arg6[%mul3A_169] : memref<10000xi32, #tpu.memory_space<vmem>> -> memref<128xi32, #tpu.memory_space<vmem>>
      %dma_start3A_171 = arith.constant 0 : i32
      %dma_start3A_172 = tpu.memref_slice %arg9[%dma_start3A_171] : memref<10240xf32, #tpu.memory_space<vmem_shared>> -> memref<10240xf32, #tpu.memory_space<vmem_shared>>
      tpu.enqueue_indirect_dma source(%arg8 : memref<128xf32, #tpu.memory_space<vmem>>) target(%dma_start3A_172 : memref<10240xf32, #tpu.memory_space<vmem_shared>>) offsets(%dma_start3A_170 : memref<128xi32, #tpu.memory_space<vmem>>) semaphore(%arg13 : memref<!tpu.dma_semaphore, #tpu.memory_space<semaphore_mem>>) {add = true}
      %mul3A_173 = arith.constant 8 : i32
      %mul3A_174 = arith.muli %scan3A_119, %mul3A_173 : i32
      %add3A_175 = arith.constant 4 : i32
      %add3A_176 = arith.addi %mul3A_174, %add3A_175 : i32
      %ge3A_177 = arith.constant 8 : i32
      %ge3A_178 = arith.cmpi sge, %add3A_176, %ge3A_177 : i32
      %convert_element_type3A_179 = arith.extui %ge3A_178 : i1 to i32
      %cond3A_180 = arith.constant 0 : i32
      %cond3A_181 = arith.cmpi ne, %convert_element_type3A_179, %cond3A_180 : i32
      scf.if %cond3A_181 {
        %sub3A = arith.constant 8 : i32
        %sub3A_229 = arith.subi %add3A_176, %sub3A : i32
        %mul3A_230 = arith.constant 128 : i32
        %mul3A_231 = arith.muli %sub3A_229, %mul3A_230 : i32
        %dma_wait3A_232 = tpu.memref_slice %arg6[%mul3A_231] : memref<10000xi32, #tpu.memory_space<vmem>> -> memref<128xi32, #tpu.memory_space<vmem>>
        %dma_wait3A_233 = arith.constant 0 : i32
        %dma_wait3A_234 = tpu.memref_slice %arg9[%dma_wait3A_233] : memref<10240xf32, #tpu.memory_space<vmem_shared>> -> memref<10240xf32, #tpu.memory_space<vmem_shared>>
        tpu.wait_indirect_dma semaphore(%arg14 : memref<!tpu.dma_semaphore, #tpu.memory_space<semaphore_mem>>) src(%arg8 : memref<128xf32, #tpu.memory_space<vmem>>) dst(%dma_wait3A_234 : memref<10240xf32, #tpu.memory_space<vmem_shared>>)
      } else {
      }
      %mul3A_182 = arith.constant 128 : i32
      %mul3A_183 = arith.muli %add3A_176, %mul3A_182 : i32
      %dma_start3A_184 = tpu.memref_slice %arg6[%mul3A_183] : memref<10000xi32, #tpu.memory_space<vmem>> -> memref<128xi32, #tpu.memory_space<vmem>>
      %dma_start3A_185 = arith.constant 0 : i32
      %dma_start3A_186 = tpu.memref_slice %arg9[%dma_start3A_185] : memref<10240xf32, #tpu.memory_space<vmem_shared>> -> memref<10240xf32, #tpu.memory_space<vmem_shared>>
      tpu.enqueue_indirect_dma source(%arg8 : memref<128xf32, #tpu.memory_space<vmem>>) target(%dma_start3A_186 : memref<10240xf32, #tpu.memory_space<vmem_shared>>) offsets(%dma_start3A_184 : memref<128xi32, #tpu.memory_space<vmem>>) semaphore(%arg14 : memref<!tpu.dma_semaphore, #tpu.memory_space<semaphore_mem>>) {add = true}
      %mul3A_187 = arith.constant 8 : i32
      %mul3A_188 = arith.muli %scan3A_119, %mul3A_187 : i32
      %add3A_189 = arith.constant 5 : i32
      %add3A_190 = arith.addi %mul3A_188, %add3A_189 : i32
      %ge3A_191 = arith.constant 8 : i32
      %ge3A_192 = arith.cmpi sge, %add3A_190, %ge3A_191 : i32
      %convert_element_type3A_193 = arith.extui %ge3A_192 : i1 to i32
      %cond3A_194 = arith.constant 0 : i32
      %cond3A_195 = arith.cmpi ne, %convert_element_type3A_193, %cond3A_194 : i32
      scf.if %cond3A_195 {
        %sub3A = arith.constant 8 : i32
        %sub3A_229 = arith.subi %add3A_190, %sub3A : i32
        %mul3A_230 = arith.constant 128 : i32
        %mul3A_231 = arith.muli %sub3A_229, %mul3A_230 : i32
        %dma_wait3A_232 = tpu.memref_slice %arg6[%mul3A_231] : memref<10000xi32, #tpu.memory_space<vmem>> -> memref<128xi32, #tpu.memory_space<vmem>>
        %dma_wait3A_233 = arith.constant 0 : i32
        %dma_wait3A_234 = tpu.memref_slice %arg9[%dma_wait3A_233] : memref<10240xf32, #tpu.memory_space<vmem_shared>> -> memref<10240xf32, #tpu.memory_space<vmem_shared>>
        tpu.wait_indirect_dma semaphore(%arg15 : memref<!tpu.dma_semaphore, #tpu.memory_space<semaphore_mem>>) src(%arg8 : memref<128xf32, #tpu.memory_space<vmem>>) dst(%dma_wait3A_234 : memref<10240xf32, #tpu.memory_space<vmem_shared>>)
      } else {
      }
      %mul3A_196 = arith.constant 128 : i32
      %mul3A_197 = arith.muli %add3A_190, %mul3A_196 : i32
      %dma_start3A_198 = tpu.memref_slice %arg6[%mul3A_197] : memref<10000xi32, #tpu.memory_space<vmem>> -> memref<128xi32, #tpu.memory_space<vmem>>
      %dma_start3A_199 = arith.constant 0 : i32
      %dma_start3A_200 = tpu.memref_slice %arg9[%dma_start3A_199] : memref<10240xf32, #tpu.memory_space<vmem_shared>> -> memref<10240xf32, #tpu.memory_space<vmem_shared>>
      tpu.enqueue_indirect_dma source(%arg8 : memref<128xf32, #tpu.memory_space<vmem>>) target(%dma_start3A_200 : memref<10240xf32, #tpu.memory_space<vmem_shared>>) offsets(%dma_start3A_198 : memref<128xi32, #tpu.memory_space<vmem>>) semaphore(%arg15 : memref<!tpu.dma_semaphore, #tpu.memory_space<semaphore_mem>>) {add = true}
      %mul3A_201 = arith.constant 8 : i32
      %mul3A_202 = arith.muli %scan3A_119, %mul3A_201 : i32
      %add3A_203 = arith.constant 6 : i32
      %add3A_204 = arith.addi %mul3A_202, %add3A_203 : i32
      %ge3A_205 = arith.constant 8 : i32
      %ge3A_206 = arith.cmpi sge, %add3A_204, %ge3A_205 : i32
      %convert_element_type3A_207 = arith.extui %ge3A_206 : i1 to i32
      %cond3A_208 = arith.constant 0 : i32
      %cond3A_209 = arith.cmpi ne, %convert_element_type3A_207, %cond3A_208 : i32
      scf.if %cond3A_209 {
        %sub3A = arith.constant 8 : i32
        %sub3A_229 = arith.subi %add3A_204, %sub3A : i32
        %mul3A_230 = arith.constant 128 : i32
        %mul3A_231 = arith.muli %sub3A_229, %mul3A_230 : i32
        %dma_wait3A_232 = tpu.memref_slice %arg6[%mul3A_231] : memref<10000xi32, #tpu.memory_space<vmem>> -> memref<128xi32, #tpu.memory_space<vmem>>
        %dma_wait3A_233 = arith.constant 0 : i32
        %dma_wait3A_234 = tpu.memref_slice %arg9[%dma_wait3A_233] : memref<10240xf32, #tpu.memory_space<vmem_shared>> -> memref<10240xf32, #tpu.memory_space<vmem_shared>>
        tpu.wait_indirect_dma semaphore(%arg16 : memref<!tpu.dma_semaphore, #tpu.memory_space<semaphore_mem>>) src(%arg8 : memref<128xf32, #tpu.memory_space<vmem>>) dst(%dma_wait3A_234 : memref<10240xf32, #tpu.memory_space<vmem_shared>>)
      } else {
      }
      %mul3A_210 = arith.constant 128 : i32
      %mul3A_211 = arith.muli %add3A_204, %mul3A_210 : i32
      %dma_start3A_212 = tpu.memref_slice %arg6[%mul3A_211] : memref<10000xi32, #tpu.memory_space<vmem>> -> memref<128xi32, #tpu.memory_space<vmem>>
      %dma_start3A_213 = arith.constant 0 : i32
      %dma_start3A_214 = tpu.memref_slice %arg9[%dma_start3A_213] : memref<10240xf32, #tpu.memory_space<vmem_shared>> -> memref<10240xf32, #tpu.memory_space<vmem_shared>>
      tpu.enqueue_indirect_dma source(%arg8 : memref<128xf32, #tpu.memory_space<vmem>>) target(%dma_start3A_214 : memref<10240xf32, #tpu.memory_space<vmem_shared>>) offsets(%dma_start3A_212 : memref<128xi32, #tpu.memory_space<vmem>>) semaphore(%arg16 : memref<!tpu.dma_semaphore, #tpu.memory_space<semaphore_mem>>) {add = true}
      %mul3A_215 = arith.constant 8 : i32
      %mul3A_216 = arith.muli %scan3A_119, %mul3A_215 : i32
      %add3A_217 = arith.constant 7 : i32
      %add3A_218 = arith.addi %mul3A_216, %add3A_217 : i32
      %ge3A_219 = arith.constant 8 : i32
      %ge3A_220 = arith.cmpi sge, %add3A_218, %ge3A_219 : i32
      %convert_element_type3A_221 = arith.extui %ge3A_220 : i1 to i32
      %cond3A_222 = arith.constant 0 : i32
      %cond3A_223 = arith.cmpi ne, %convert_element_type3A_221, %cond3A_222 : i32
      scf.if %cond3A_223 {
        %sub3A = arith.constant 8 : i32
        %sub3A_229 = arith.subi %add3A_218, %sub3A : i32
        %mul3A_230 = arith.constant 128 : i32
        %mul3A_231 = arith.muli %sub3A_229, %mul3A_230 : i32
        %dma_wait3A_232 = tpu.memref_slice %arg6[%mul3A_231] : memref<10000xi32, #tpu.memory_space<vmem>> -> memref<128xi32, #tpu.memory_space<vmem>>
        %dma_wait3A_233 = arith.constant 0 : i32
        %dma_wait3A_234 = tpu.memref_slice %arg9[%dma_wait3A_233] : memref<10240xf32, #tpu.memory_space<vmem_shared>> -> memref<10240xf32, #tpu.memory_space<vmem_shared>>
        tpu.wait_indirect_dma semaphore(%arg17 : memref<!tpu.dma_semaphore, #tpu.memory_space<semaphore_mem>>) src(%arg8 : memref<128xf32, #tpu.memory_space<vmem>>) dst(%dma_wait3A_234 : memref<10240xf32, #tpu.memory_space<vmem_shared>>)
      } else {
      }
      %mul3A_224 = arith.constant 128 : i32
      %mul3A_225 = arith.muli %add3A_218, %mul3A_224 : i32
      %dma_start3A_226 = tpu.memref_slice %arg6[%mul3A_225] : memref<10000xi32, #tpu.memory_space<vmem>> -> memref<128xi32, #tpu.memory_space<vmem>>
      %dma_start3A_227 = arith.constant 0 : i32
      %dma_start3A_228 = tpu.memref_slice %arg9[%dma_start3A_227] : memref<10240xf32, #tpu.memory_space<vmem_shared>> -> memref<10240xf32, #tpu.memory_space<vmem_shared>>
      tpu.enqueue_indirect_dma source(%arg8 : memref<128xf32, #tpu.memory_space<vmem>>) target(%dma_start3A_228 : memref<10240xf32, #tpu.memory_space<vmem_shared>>) offsets(%dma_start3A_226 : memref<128xi32, #tpu.memory_space<vmem>>) semaphore(%arg17 : memref<!tpu.dma_semaphore, #tpu.memory_space<semaphore_mem>>) {add = true}
    }
    %scan3A_23 = arith.constant 9 : i32
    %dma_wait3A = arith.constant 8192 : i32
    %dma_wait3A_24 = tpu.memref_slice %arg6[%dma_wait3A] : memref<10000xi32, #tpu.memory_space<vmem>> -> memref<128xi32, #tpu.memory_space<vmem>>
    %dma_wait3A_25 = arith.constant 0 : i32
    %dma_wait3A_26 = tpu.memref_slice %arg9[%dma_wait3A_25] : memref<10240xf32, #tpu.memory_space<vmem_shared>> -> memref<10240xf32, #tpu.memory_space<vmem_shared>>
    tpu.wait_indirect_dma semaphore(%arg10 : memref<!tpu.dma_semaphore, #tpu.memory_space<semaphore_mem>>) src(%arg8 : memref<128xf32, #tpu.memory_space<vmem>>) dst(%dma_wait3A_26 : memref<10240xf32, #tpu.memory_space<vmem_shared>>)
    %dma_start3A = arith.constant 9216 : i32
    %dma_start3A_27 = tpu.memref_slice %arg6[%dma_start3A] : memref<10000xi32, #tpu.memory_space<vmem>> -> memref<128xi32, #tpu.memory_space<vmem>>
    %dma_start3A_28 = arith.constant 0 : i32
    %dma_start3A_29 = tpu.memref_slice %arg9[%dma_start3A_28] : memref<10240xf32, #tpu.memory_space<vmem_shared>> -> memref<10240xf32, #tpu.memory_space<vmem_shared>>
    tpu.enqueue_indirect_dma source(%arg8 : memref<128xf32, #tpu.memory_space<vmem>>) target(%dma_start3A_29 : memref<10240xf32, #tpu.memory_space<vmem_shared>>) offsets(%dma_start3A_27 : memref<128xi32, #tpu.memory_space<vmem>>) semaphore(%arg10 : memref<!tpu.dma_semaphore, #tpu.memory_space<semaphore_mem>>) {add = true}
    %dma_wait3A_30 = arith.constant 8320 : i32
    %dma_wait3A_31 = tpu.memref_slice %arg6[%dma_wait3A_30] : memref<10000xi32, #tpu.memory_space<vmem>> -> memref<128xi32, #tpu.memory_space<vmem>>
    %dma_wait3A_32 = arith.constant 0 : i32
    %dma_wait3A_33 = tpu.memref_slice %arg9[%dma_wait3A_32] : memref<10240xf32, #tpu.memory_space<vmem_shared>> -> memref<10240xf32, #tpu.memory_space<vmem_shared>>
    tpu.wait_indirect_dma semaphore(%arg11 : memref<!tpu.dma_semaphore, #tpu.memory_space<semaphore_mem>>) src(%arg8 : memref<128xf32, #tpu.memory_space<vmem>>) dst(%dma_wait3A_33 : memref<10240xf32, #tpu.memory_space<vmem_shared>>)
    %dma_start3A_34 = arith.constant 9344 : i32
    %dma_start3A_35 = tpu.memref_slice %arg6[%dma_start3A_34] : memref<10000xi32, #tpu.memory_space<vmem>> -> memref<128xi32, #tpu.memory_space<vmem>>
    %dma_start3A_36 = arith.constant 0 : i32
    %dma_start3A_37 = tpu.memref_slice %arg9[%dma_start3A_36] : memref<10240xf32, #tpu.memory_space<vmem_shared>> -> memref<10240xf32, #tpu.memory_space<vmem_shared>>
    tpu.enqueue_indirect_dma source(%arg8 : memref<128xf32, #tpu.memory_space<vmem>>) target(%dma_start3A_37 : memref<10240xf32, #tpu.memory_space<vmem_shared>>) offsets(%dma_start3A_35 : memref<128xi32, #tpu.memory_space<vmem>>) semaphore(%arg11 : memref<!tpu.dma_semaphore, #tpu.memory_space<semaphore_mem>>) {add = true}
    %dma_wait3A_38 = arith.constant 8448 : i32
    %dma_wait3A_39 = tpu.memref_slice %arg6[%dma_wait3A_38] : memref<10000xi32, #tpu.memory_space<vmem>> -> memref<128xi32, #tpu.memory_space<vmem>>
    %dma_wait3A_40 = arith.constant 0 : i32
    %dma_wait3A_41 = tpu.memref_slice %arg9[%dma_wait3A_40] : memref<10240xf32, #tpu.memory_space<vmem_shared>> -> memref<10240xf32, #tpu.memory_space<vmem_shared>>
    tpu.wait_indirect_dma semaphore(%arg12 : memref<!tpu.dma_semaphore, #tpu.memory_space<semaphore_mem>>) src(%arg8 : memref<128xf32, #tpu.memory_space<vmem>>) dst(%dma_wait3A_41 : memref<10240xf32, #tpu.memory_space<vmem_shared>>)
    %dma_start3A_42 = arith.constant 9472 : i32
    %dma_start3A_43 = tpu.memref_slice %arg6[%dma_start3A_42] : memref<10000xi32, #tpu.memory_space<vmem>> -> memref<128xi32, #tpu.memory_space<vmem>>
    %dma_start3A_44 = arith.constant 0 : i32
    %dma_start3A_45 = tpu.memref_slice %arg9[%dma_start3A_44] : memref<10240xf32, #tpu.memory_space<vmem_shared>> -> memref<10240xf32, #tpu.memory_space<vmem_shared>>
    tpu.enqueue_indirect_dma source(%arg8 : memref<128xf32, #tpu.memory_space<vmem>>) target(%dma_start3A_45 : memref<10240xf32, #tpu.memory_space<vmem_shared>>) offsets(%dma_start3A_43 : memref<128xi32, #tpu.memory_space<vmem>>) semaphore(%arg12 : memref<!tpu.dma_semaphore, #tpu.memory_space<semaphore_mem>>) {add = true}
    %dma_wait3A_46 = arith.constant 8576 : i32
    %dma_wait3A_47 = tpu.memref_slice %arg6[%dma_wait3A_46] : memref<10000xi32, #tpu.memory_space<vmem>> -> memref<128xi32, #tpu.memory_space<vmem>>
    %dma_wait3A_48 = arith.constant 0 : i32
    %dma_wait3A_49 = tpu.memref_slice %arg9[%dma_wait3A_48] : memref<10240xf32, #tpu.memory_space<vmem_shared>> -> memref<10240xf32, #tpu.memory_space<vmem_shared>>
    tpu.wait_indirect_dma semaphore(%arg13 : memref<!tpu.dma_semaphore, #tpu.memory_space<semaphore_mem>>) src(%arg8 : memref<128xf32, #tpu.memory_space<vmem>>) dst(%dma_wait3A_49 : memref<10240xf32, #tpu.memory_space<vmem_shared>>)
    %dma_start3A_50 = arith.constant 9600 : i32
    %dma_start3A_51 = tpu.memref_slice %arg6[%dma_start3A_50] : memref<10000xi32, #tpu.memory_space<vmem>> -> memref<128xi32, #tpu.memory_space<vmem>>
    %dma_start3A_52 = arith.constant 0 : i32
    %dma_start3A_53 = tpu.memref_slice %arg9[%dma_start3A_52] : memref<10240xf32, #tpu.memory_space<vmem_shared>> -> memref<10240xf32, #tpu.memory_space<vmem_shared>>
    tpu.enqueue_indirect_dma source(%arg8 : memref<128xf32, #tpu.memory_space<vmem>>) target(%dma_start3A_53 : memref<10240xf32, #tpu.memory_space<vmem_shared>>) offsets(%dma_start3A_51 : memref<128xi32, #tpu.memory_space<vmem>>) semaphore(%arg13 : memref<!tpu.dma_semaphore, #tpu.memory_space<semaphore_mem>>) {add = true}
    %dma_wait3A_54 = arith.constant 8704 : i32
    %dma_wait3A_55 = tpu.memref_slice %arg6[%dma_wait3A_54] : memref<10000xi32, #tpu.memory_space<vmem>> -> memref<128xi32, #tpu.memory_space<vmem>>
    %dma_wait3A_56 = arith.constant 0 : i32
    %dma_wait3A_57 = tpu.memref_slice %arg9[%dma_wait3A_56] : memref<10240xf32, #tpu.memory_space<vmem_shared>> -> memref<10240xf32, #tpu.memory_space<vmem_shared>>
    tpu.wait_indirect_dma semaphore(%arg14 : memref<!tpu.dma_semaphore, #tpu.memory_space<semaphore_mem>>) src(%arg8 : memref<128xf32, #tpu.memory_space<vmem>>) dst(%dma_wait3A_57 : memref<10240xf32, #tpu.memory_space<vmem_shared>>)
    %dma_start3A_58 = arith.constant 9728 : i32
    %dma_start3A_59 = tpu.memref_slice %arg6[%dma_start3A_58] : memref<10000xi32, #tpu.memory_space<vmem>> -> memref<128xi32, #tpu.memory_space<vmem>>
    %dma_start3A_60 = arith.constant 0 : i32
    %dma_start3A_61 = tpu.memref_slice %arg9[%dma_start3A_60] : memref<10240xf32, #tpu.memory_space<vmem_shared>> -> memref<10240xf32, #tpu.memory_space<vmem_shared>>
    tpu.enqueue_indirect_dma source(%arg8 : memref<128xf32, #tpu.memory_space<vmem>>) target(%dma_start3A_61 : memref<10240xf32, #tpu.memory_space<vmem_shared>>) offsets(%dma_start3A_59 : memref<128xi32, #tpu.memory_space<vmem>>) semaphore(%arg14 : memref<!tpu.dma_semaphore, #tpu.memory_space<semaphore_mem>>) {add = true}
    %dma_wait3A_62 = arith.constant 8832 : i32
    %dma_wait3A_63 = tpu.memref_slice %arg6[%dma_wait3A_62] : memref<10000xi32, #tpu.memory_space<vmem>> -> memref<128xi32, #tpu.memory_space<vmem>>
    %dma_wait3A_64 = arith.constant 0 : i32
    %dma_wait3A_65 = tpu.memref_slice %arg9[%dma_wait3A_64] : memref<10240xf32, #tpu.memory_space<vmem_shared>> -> memref<10240xf32, #tpu.memory_space<vmem_shared>>
    tpu.wait_indirect_dma semaphore(%arg15 : memref<!tpu.dma_semaphore, #tpu.memory_space<semaphore_mem>>) src(%arg8 : memref<128xf32, #tpu.memory_space<vmem>>) dst(%dma_wait3A_65 : memref<10240xf32, #tpu.memory_space<vmem_shared>>)
    %dma_start3A_66 = arith.constant 9856 : i32
    %dma_start3A_67 = tpu.memref_slice %arg6[%dma_start3A_66] : memref<10000xi32, #tpu.memory_space<vmem>> -> memref<128xi32, #tpu.memory_space<vmem>>
    %dma_start3A_68 = arith.constant 0 : i32
    %dma_start3A_69 = tpu.memref_slice %arg9[%dma_start3A_68] : memref<10240xf32, #tpu.memory_space<vmem_shared>> -> memref<10240xf32, #tpu.memory_space<vmem_shared>>
    tpu.enqueue_indirect_dma source(%arg8 : memref<128xf32, #tpu.memory_space<vmem>>) target(%dma_start3A_69 : memref<10240xf32, #tpu.memory_space<vmem_shared>>) offsets(%dma_start3A_67 : memref<128xi32, #tpu.memory_space<vmem>>) semaphore(%arg15 : memref<!tpu.dma_semaphore, #tpu.memory_space<semaphore_mem>>) {add = true}
    %dma_wait3A_70 = arith.constant 8960 : i32
    %dma_wait3A_71 = tpu.memref_slice %arg6[%dma_wait3A_70] : memref<10000xi32, #tpu.memory_space<vmem>> -> memref<128xi32, #tpu.memory_space<vmem>>
    %dma_wait3A_72 = arith.constant 0 : i32
    %dma_wait3A_73 = tpu.memref_slice %arg9[%dma_wait3A_72] : memref<10240xf32, #tpu.memory_space<vmem_shared>> -> memref<10240xf32, #tpu.memory_space<vmem_shared>>
    tpu.wait_indirect_dma semaphore(%arg16 : memref<!tpu.dma_semaphore, #tpu.memory_space<semaphore_mem>>) src(%arg8 : memref<128xf32, #tpu.memory_space<vmem>>) dst(%dma_wait3A_73 : memref<10240xf32, #tpu.memory_space<vmem_shared>>)
    %dma_wait3A_74 = arith.constant 9088 : i32
    %dma_wait3A_75 = tpu.memref_slice %arg6[%dma_wait3A_74] : memref<10000xi32, #tpu.memory_space<vmem>> -> memref<128xi32, #tpu.memory_space<vmem>>
    %dma_wait3A_76 = arith.constant 0 : i32
    %dma_wait3A_77 = tpu.memref_slice %arg9[%dma_wait3A_76] : memref<10240xf32, #tpu.memory_space<vmem_shared>> -> memref<10240xf32, #tpu.memory_space<vmem_shared>>
    tpu.wait_indirect_dma semaphore(%arg17 : memref<!tpu.dma_semaphore, #tpu.memory_space<semaphore_mem>>) src(%arg8 : memref<128xf32, #tpu.memory_space<vmem>>) dst(%dma_wait3A_77 : memref<10240xf32, #tpu.memory_space<vmem_shared>>)
    %dma_wait3A_78 = arith.constant 9216 : i32
    %dma_wait3A_79 = tpu.memref_slice %arg6[%dma_wait3A_78] : memref<10000xi32, #tpu.memory_space<vmem>> -> memref<128xi32, #tpu.memory_space<vmem>>
    %dma_wait3A_80 = arith.constant 0 : i32
    %dma_wait3A_81 = tpu.memref_slice %arg9[%dma_wait3A_80] : memref<10240xf32, #tpu.memory_space<vmem_shared>> -> memref<10240xf32, #tpu.memory_space<vmem_shared>>
    tpu.wait_indirect_dma semaphore(%arg10 : memref<!tpu.dma_semaphore, #tpu.memory_space<semaphore_mem>>) src(%arg8 : memref<128xf32, #tpu.memory_space<vmem>>) dst(%dma_wait3A_81 : memref<10240xf32, #tpu.memory_space<vmem_shared>>)
    %dma_wait3A_82 = arith.constant 9344 : i32
    %dma_wait3A_83 = tpu.memref_slice %arg6[%dma_wait3A_82] : memref<10000xi32, #tpu.memory_space<vmem>> -> memref<128xi32, #tpu.memory_space<vmem>>
    %dma_wait3A_84 = arith.constant 0 : i32
    %dma_wait3A_85 = tpu.memref_slice %arg9[%dma_wait3A_84] : memref<10240xf32, #tpu.memory_space<vmem_shared>> -> memref<10240xf32, #tpu.memory_space<vmem_shared>>
    tpu.wait_indirect_dma semaphore(%arg11 : memref<!tpu.dma_semaphore, #tpu.memory_space<semaphore_mem>>) src(%arg8 : memref<128xf32, #tpu.memory_space<vmem>>) dst(%dma_wait3A_85 : memref<10240xf32, #tpu.memory_space<vmem_shared>>)
    %dma_wait3A_86 = arith.constant 9472 : i32
    %dma_wait3A_87 = tpu.memref_slice %arg6[%dma_wait3A_86] : memref<10000xi32, #tpu.memory_space<vmem>> -> memref<128xi32, #tpu.memory_space<vmem>>
    %dma_wait3A_88 = arith.constant 0 : i32
    %dma_wait3A_89 = tpu.memref_slice %arg9[%dma_wait3A_88] : memref<10240xf32, #tpu.memory_space<vmem_shared>> -> memref<10240xf32, #tpu.memory_space<vmem_shared>>
    tpu.wait_indirect_dma semaphore(%arg12 : memref<!tpu.dma_semaphore, #tpu.memory_space<semaphore_mem>>) src(%arg8 : memref<128xf32, #tpu.memory_space<vmem>>) dst(%dma_wait3A_89 : memref<10240xf32, #tpu.memory_space<vmem_shared>>)
    %dma_wait3A_90 = arith.constant 9600 : i32
    %dma_wait3A_91 = tpu.memref_slice %arg6[%dma_wait3A_90] : memref<10000xi32, #tpu.memory_space<vmem>> -> memref<128xi32, #tpu.memory_space<vmem>>
    %dma_wait3A_92 = arith.constant 0 : i32
    %dma_wait3A_93 = tpu.memref_slice %arg9[%dma_wait3A_92] : memref<10240xf32, #tpu.memory_space<vmem_shared>> -> memref<10240xf32, #tpu.memory_space<vmem_shared>>
    tpu.wait_indirect_dma semaphore(%arg13 : memref<!tpu.dma_semaphore, #tpu.memory_space<semaphore_mem>>) src(%arg8 : memref<128xf32, #tpu.memory_space<vmem>>) dst(%dma_wait3A_93 : memref<10240xf32, #tpu.memory_space<vmem_shared>>)
    %dma_wait3A_94 = arith.constant 9728 : i32
    %dma_wait3A_95 = tpu.memref_slice %arg6[%dma_wait3A_94] : memref<10000xi32, #tpu.memory_space<vmem>> -> memref<128xi32, #tpu.memory_space<vmem>>
    %dma_wait3A_96 = arith.constant 0 : i32
    %dma_wait3A_97 = tpu.memref_slice %arg9[%dma_wait3A_96] : memref<10240xf32, #tpu.memory_space<vmem_shared>> -> memref<10240xf32, #tpu.memory_space<vmem_shared>>
    tpu.wait_indirect_dma semaphore(%arg14 : memref<!tpu.dma_semaphore, #tpu.memory_space<semaphore_mem>>) src(%arg8 : memref<128xf32, #tpu.memory_space<vmem>>) dst(%dma_wait3A_97 : memref<10240xf32, #tpu.memory_space<vmem_shared>>)
    %dma_wait3A_98 = arith.constant 9856 : i32
    %dma_wait3A_99 = tpu.memref_slice %arg6[%dma_wait3A_98] : memref<10000xi32, #tpu.memory_space<vmem>> -> memref<128xi32, #tpu.memory_space<vmem>>
    %dma_wait3A_100 = arith.constant 0 : i32
    %dma_wait3A_101 = tpu.memref_slice %arg9[%dma_wait3A_100] : memref<10240xf32, #tpu.memory_space<vmem_shared>> -> memref<10240xf32, #tpu.memory_space<vmem_shared>>
    tpu.wait_indirect_dma semaphore(%arg15 : memref<!tpu.dma_semaphore, #tpu.memory_space<semaphore_mem>>) src(%arg8 : memref<128xf32, #tpu.memory_space<vmem>>) dst(%dma_wait3A_101 : memref<10240xf32, #tpu.memory_space<vmem_shared>>)
    %dma_start3A_102 = arith.constant 0 : i32
    %dma_start3A_103 = tpu.memref_slice %arg8[%dma_start3A_102] : memref<128xf32, #tpu.memory_space<vmem>> -> memref<16xf32, #tpu.memory_space<vmem>>
    %dma_start3A_104 = arith.constant 9984 : i32
    %dma_start3A_105 = tpu.memref_slice %arg6[%dma_start3A_104] : memref<10000xi32, #tpu.memory_space<vmem>> -> memref<16xi32, #tpu.memory_space<vmem>>
    %dma_start3A_106 = arith.constant 0 : i32
    %dma_start3A_107 = tpu.memref_slice %arg9[%dma_start3A_106] : memref<10240xf32, #tpu.memory_space<vmem_shared>> -> memref<10240xf32, #tpu.memory_space<vmem_shared>>
    tpu.enqueue_indirect_dma source(%dma_start3A_103 : memref<16xf32, #tpu.memory_space<vmem>>) target(%dma_start3A_107 : memref<10240xf32, #tpu.memory_space<vmem_shared>>) offsets(%dma_start3A_105 : memref<16xi32, #tpu.memory_space<vmem>>) semaphore(%arg10 : memref<!tpu.dma_semaphore, #tpu.memory_space<semaphore_mem>>) {add = true}
    %dma_wait3A_108 = arith.constant 0 : i32
    %dma_wait3A_109 = tpu.memref_slice %arg8[%dma_wait3A_108] : memref<128xf32, #tpu.memory_space<vmem>> -> memref<16xf32, #tpu.memory_space<vmem>>
    %dma_wait3A_110 = arith.constant 9984 : i32
    %dma_wait3A_111 = tpu.memref_slice %arg6[%dma_wait3A_110] : memref<10000xi32, #tpu.memory_space<vmem>> -> memref<16xi32, #tpu.memory_space<vmem>>
    %dma_wait3A_112 = arith.constant 0 : i32
    %dma_wait3A_113 = tpu.memref_slice %arg9[%dma_wait3A_112] : memref<10240xf32, #tpu.memory_space<vmem_shared>> -> memref<10240xf32, #tpu.memory_space<vmem_shared>>
    tpu.wait_indirect_dma semaphore(%arg10 : memref<!tpu.dma_semaphore, #tpu.memory_space<semaphore_mem>>) src(%dma_wait3A_109 : memref<16xf32, #tpu.memory_space<vmem>>) dst(%dma_wait3A_113 : memref<10240xf32, #tpu.memory_space<vmem_shared>>)
    %barrier3A_114 = arith.constant 0 : index
    tpu.barrier barrier_id(%barrier3A_114)
    %mul3A_115 = arith.constant 640 : i32
    %mul3A_116 = arith.muli %arg1, %mul3A_115 : i32
    %mul3A_117 = arith.constant 640 : i32
    %mul3A_118 = arith.muli %arg1, %mul3A_117 : i32
    "tpu.region"() ({
      %run_scoped3A_119 = tpu.sem_alloc : memref<!tpu.dma_semaphore, #tpu.memory_space<semaphore_mem>>
      %dma_start3A_120 = tpu.memref_slice %arg5[%arg0, %mul3A_118] : memref<2x10240xf32, #tpu.memory_space<hbm>> -> memref<1x640xf32, #tpu.memory_space<hbm>>
      %dma_start3A_121 = tpu.memref_squeeze %dma_start3A_120 : memref<1x640xf32, #tpu.memory_space<hbm>> -> memref<640xf32, #tpu.memory_space<hbm>>
      %dma_start3A_122 = tpu.memref_slice %arg9[%mul3A_116] : memref<10240xf32, #tpu.memory_space<vmem_shared>> -> memref<640xf32, #tpu.memory_space<vmem_shared>>
      tpu.enqueue_dma source(%dma_start3A_122 : memref<640xf32, #tpu.memory_space<vmem_shared>>) target(%dma_start3A_121 : memref<640xf32, #tpu.memory_space<hbm>>) target_semaphore(%run_scoped3A_119 : memref<!tpu.dma_semaphore, #tpu.memory_space<semaphore_mem>>)
      %dma_wait3A_123 = tpu.memref_slice %arg5[%arg0, %mul3A_118] : memref<2x10240xf32, #tpu.memory_space<hbm>> -> memref<1x640xf32, #tpu.memory_space<hbm>>
      %dma_wait3A_124 = tpu.memref_squeeze %dma_wait3A_123 : memref<1x640xf32, #tpu.memory_space<hbm>> -> memref<640xf32, #tpu.memory_space<hbm>>
      %dma_wait3A_125 = tpu.memref_slice %arg9[%mul3A_116] : memref<10240xf32, #tpu.memory_space<vmem_shared>> -> memref<640xf32, #tpu.memory_space<vmem_shared>>
      tpu.wait_dma2 semaphore(%run_scoped3A_119 : memref<!tpu.dma_semaphore, #tpu.memory_space<semaphore_mem>>) src(%dma_wait3A_125 : memref<640xf32, #tpu.memory_space<vmem_shared>>) dst(%dma_wait3A_124 : memref<640xf32, #tpu.memory_space<hbm>>)
      tpu.yield
    }) : () -> ()
    return
  }
}

#map = affine_map<(d0, d1) -> (0, 0)>
#map1 = affine_map<(d0, d1) -> (0, 0, 0)>
module attributes {stable_mosaic.version = 14 : i64} {
  func.func @_propagate_kernel(%arg0: i32, %arg1: i32, %arg2: memref<2x320000xi32, #tpu.memory_space<hbm>>, %arg3: memref<10000x16xf32, #tpu.memory_space<hbm>>, %arg4: memref<2x10240xf32, #tpu.memory_space<hbm>>, %arg5: memref<640x16xf32, #tpu.memory_space<hbm>>, %arg6: memref<2x10000x16xf32, #tpu.memory_space<hbm>>, %arg7: memref<10000xi32, #tpu.memory_space<vmem>>, %arg8: memref<10000xi32, #tpu.memory_space<vmem>>, %arg9: memref<8x128x16xf32, #tpu.memory_space<vmem>>, %arg10: memref<640x16xf32, #tpu.memory_space<vmem>>, %arg11: memref<640x16xf32, #tpu.memory_space<vmem>>, %arg12: memref<640xf32, #tpu.memory_space<vmem>>, %arg13: memref<640xf32, #tpu.memory_space<vmem>>, %arg14: memref<640xf32, #tpu.memory_space<vmem>>, %arg15: memref<10000x16xf32, #tpu.memory_space<vmem_shared>>, %arg16: memref<10000x16xf32, #tpu.memory_space<vmem_shared>>, %arg17: memref<!tpu.dma_semaphore, #tpu.memory_space<semaphore_mem>>, %arg18: memref<!tpu.dma_semaphore, #tpu.memory_space<semaphore_mem>>, %arg19: memref<!tpu.dma_semaphore, #tpu.memory_space<semaphore_mem>>, %arg20: memref<!tpu.dma_semaphore, #tpu.memory_space<semaphore_mem>>, %arg21: memref<!tpu.dma_semaphore, #tpu.memory_space<semaphore_mem>>, %arg22: memref<!tpu.dma_semaphore, #tpu.memory_space<semaphore_mem>>, %arg23: memref<!tpu.dma_semaphore, #tpu.memory_space<semaphore_mem>>, %arg24: memref<!tpu.dma_semaphore, #tpu.memory_space<semaphore_mem>>, %arg25: memref<!tpu.dma_semaphore, #tpu.memory_space<semaphore_mem>>, %arg26: memref<!tpu.dma_semaphore, #tpu.memory_space<semaphore_mem>>, %arg27: memref<!tpu.dma_semaphore, #tpu.memory_space<semaphore_mem>>, %arg28: memref<!tpu.dma_semaphore, #tpu.memory_space<semaphore_mem>>, %arg29: memref<!tpu.dma_semaphore, #tpu.memory_space<semaphore_mem>>, %arg30: memref<!tpu.dma_semaphore, #tpu.memory_space<semaphore_mem>>, %arg31: memref<!tpu.dma_semaphore, #tpu.memory_space<semaphore_mem>>, %arg32: memref<!tpu.dma_semaphore, #tpu.memory_space<semaphore_mem>>) attributes {dimension_semantics = [#tpu.dimension_semantics<core_parallel>, #tpu.dimension_semantics<subcore_parallel>], iteration_bounds = array<i64: 2, 16>, scalar_prefetch = 0 : i64, scratch_operands = 26 : i64, tpu.core_type = #tpu.core_type<sc_vector_subcore>, window_params = [{transform_indices = #map}, {transform_indices = #map}, {transform_indices = #map}, {transform_indices = #map}, {transform_indices = #map1}]} {
    %mul3A = arith.constant 16 : i32
    %mul3A_0 = arith.muli %arg0, %mul3A : i32
    %add3A = arith.addi %mul3A_0, %arg1 : i32
    %lt3A = arith.constant 15 : i32
    %lt3A_1 = arith.cmpi slt, %arg1, %lt3A : i32
    %convert_element_type3A = arith.extui %lt3A_1 : i1 to i32
    %cond3A = arith.constant 0 : i32
    %cond3A_2 = arith.cmpi ne, %convert_element_type3A, %cond3A : i32
    scf.if %cond3A_2 {
      %mul3A_403 = arith.constant 640 : i32
      %mul3A_404 = arith.muli %arg1, %mul3A_403 : i32
      "tpu.region"() ({
        %run_scoped3A_405 = tpu.sem_alloc : memref<!tpu.dma_semaphore, #tpu.memory_space<semaphore_mem>>
        %dma_start3A_406 = arith.constant 0 : i32
        %dma_start3A_407 = tpu.memref_slice %arg3[%mul3A_404, %dma_start3A_406] : memref<10000x16xf32, #tpu.memory_space<hbm>> -> memref<640x16xf32, #tpu.memory_space<hbm>>
        %dma_start3A_408 = arith.constant 0 : i32
        %dma_start3A_409 = tpu.memref_slice %arg3[%mul3A_404, %dma_start3A_408] : memref<10000x16xf32, #tpu.memory_space<hbm>> -> memref<640x16xf32, #tpu.memory_space<hbm>>
        tpu.enqueue_dma source(%dma_start3A_409 : memref<640x16xf32, #tpu.memory_space<hbm>>) target(%arg10 : memref<640x16xf32, #tpu.memory_space<vmem>>) target_semaphore(%run_scoped3A_405 : memref<!tpu.dma_semaphore, #tpu.memory_space<semaphore_mem>>)
        %dma_wait3A_410 = arith.constant 0 : i32
        %dma_wait3A_411 = tpu.memref_slice %arg3[%mul3A_404, %dma_wait3A_410] : memref<10000x16xf32, #tpu.memory_space<hbm>> -> memref<640x16xf32, #tpu.memory_space<hbm>>
        %dma_wait3A_412 = arith.constant 0 : i32
        %dma_wait3A_413 = tpu.memref_slice %arg3[%mul3A_404, %dma_wait3A_412] : memref<10000x16xf32, #tpu.memory_space<hbm>> -> memref<640x16xf32, #tpu.memory_space<hbm>>
        tpu.wait_dma2 semaphore(%run_scoped3A_405 : memref<!tpu.dma_semaphore, #tpu.memory_space<semaphore_mem>>) src(%dma_wait3A_413 : memref<640x16xf32, #tpu.memory_space<hbm>>) dst(%arg10 : memref<640x16xf32, #tpu.memory_space<vmem>>)
        tpu.yield
      }) : () -> ()
    } else {
    }
    %eq3A = arith.constant 15 : i32
    %eq3A_3 = arith.cmpi eq, %arg1, %eq3A : i32
    %convert_element_type3A_4 = arith.extui %eq3A_3 : i1 to i32
    %cond3A_5 = arith.constant 0 : i32
    %cond3A_6 = arith.cmpi ne, %convert_element_type3A_4, %cond3A_5 : i32
    scf.if %cond3A_6 {
      "tpu.region"() ({
        %run_scoped3A_403 = tpu.sem_alloc : memref<!tpu.dma_semaphore, #tpu.memory_space<semaphore_mem>>
        %dma_start3A_404 = arith.constant 0 : i32
        %dma_start3A_405 = arith.constant 0 : i32
        %dma_start3A_406 = tpu.memref_slice %arg10[%dma_start3A_404, %dma_start3A_405] : memref<640x16xf32, #tpu.memory_space<vmem>> -> memref<400x16xf32, #tpu.memory_space<vmem>>
        %dma_start3A_407 = arith.constant 9600 : i32
        %dma_start3A_408 = arith.constant 0 : i32
        %dma_start3A_409 = tpu.memref_slice %arg3[%dma_start3A_407, %dma_start3A_408] : memref<10000x16xf32, #tpu.memory_space<hbm>> -> memref<400x16xf32, #tpu.memory_space<hbm>>
        %dma_start3A_410 = arith.constant 0 : i32
        %dma_start3A_411 = arith.constant 0 : i32
        %dma_start3A_412 = tpu.memref_slice %arg10[%dma_start3A_410, %dma_start3A_411] : memref<640x16xf32, #tpu.memory_space<vmem>> -> memref<400x16xf32, #tpu.memory_space<vmem>>
        %dma_start3A_413 = arith.constant 9600 : i32
        %dma_start3A_414 = arith.constant 0 : i32
        %dma_start3A_415 = tpu.memref_slice %arg3[%dma_start3A_413, %dma_start3A_414] : memref<10000x16xf32, #tpu.memory_space<hbm>> -> memref<400x16xf32, #tpu.memory_space<hbm>>
        tpu.enqueue_dma source(%dma_start3A_415 : memref<400x16xf32, #tpu.memory_space<hbm>>) target(%dma_start3A_412 : memref<400x16xf32, #tpu.memory_space<vmem>>) target_semaphore(%run_scoped3A_403 : memref<!tpu.dma_semaphore, #tpu.memory_space<semaphore_mem>>)
        %dma_wait3A_416 = arith.constant 0 : i32
        %dma_wait3A_417 = arith.constant 0 : i32
        %dma_wait3A_418 = tpu.memref_slice %arg10[%dma_wait3A_416, %dma_wait3A_417] : memref<640x16xf32, #tpu.memory_space<vmem>> -> memref<400x16xf32, #tpu.memory_space<vmem>>
        %dma_wait3A_419 = arith.constant 9600 : i32
        %dma_wait3A_420 = arith.constant 0 : i32
        %dma_wait3A_421 = tpu.memref_slice %arg3[%dma_wait3A_419, %dma_wait3A_420] : memref<10000x16xf32, #tpu.memory_space<hbm>> -> memref<400x16xf32, #tpu.memory_space<hbm>>
        %dma_wait3A_422 = arith.constant 0 : i32
        %dma_wait3A_423 = arith.constant 0 : i32
        %dma_wait3A_424 = tpu.memref_slice %arg10[%dma_wait3A_422, %dma_wait3A_423] : memref<640x16xf32, #tpu.memory_space<vmem>> -> memref<400x16xf32, #tpu.memory_space<vmem>>
        %dma_wait3A_425 = arith.constant 9600 : i32
        %dma_wait3A_426 = arith.constant 0 : i32
        %dma_wait3A_427 = tpu.memref_slice %arg3[%dma_wait3A_425, %dma_wait3A_426] : memref<10000x16xf32, #tpu.memory_space<hbm>> -> memref<400x16xf32, #tpu.memory_space<hbm>>
        tpu.wait_dma2 semaphore(%run_scoped3A_403 : memref<!tpu.dma_semaphore, #tpu.memory_space<semaphore_mem>>) src(%dma_wait3A_427 : memref<400x16xf32, #tpu.memory_space<hbm>>) dst(%dma_wait3A_424 : memref<400x16xf32, #tpu.memory_space<vmem>>)
        tpu.yield
      }) : () -> ()
    } else {
    }
    %mul3A_7 = arith.constant 640 : i32
    %mul3A_8 = arith.muli %arg1, %mul3A_7 : i32
    %run_scoped3A = arith.constant 0 : i32
    "tpu.region"() ({
      %run_scoped3A_403 = tpu.sem_alloc : memref<!tpu.dma_semaphore, #tpu.memory_space<semaphore_mem>>
      %dma_start3A_404 = tpu.memref_slice %arg4[%run_scoped3A, %mul3A_8] : memref<2x10240xf32, #tpu.memory_space<hbm>> -> memref<1x640xf32, #tpu.memory_space<hbm>>
      %dma_start3A_405 = tpu.memref_squeeze %dma_start3A_404 : memref<1x640xf32, #tpu.memory_space<hbm>> -> memref<640xf32, #tpu.memory_space<hbm>>
      %dma_start3A_406 = tpu.memref_slice %arg4[%run_scoped3A, %mul3A_8] : memref<2x10240xf32, #tpu.memory_space<hbm>> -> memref<1x640xf32, #tpu.memory_space<hbm>>
      %dma_start3A_407 = tpu.memref_squeeze %dma_start3A_406 : memref<1x640xf32, #tpu.memory_space<hbm>> -> memref<640xf32, #tpu.memory_space<hbm>>
      tpu.enqueue_dma source(%dma_start3A_407 : memref<640xf32, #tpu.memory_space<hbm>>) target(%arg12 : memref<640xf32, #tpu.memory_space<vmem>>) target_semaphore(%run_scoped3A_403 : memref<!tpu.dma_semaphore, #tpu.memory_space<semaphore_mem>>)
      %dma_wait3A_408 = tpu.memref_slice %arg4[%run_scoped3A, %mul3A_8] : memref<2x10240xf32, #tpu.memory_space<hbm>> -> memref<1x640xf32, #tpu.memory_space<hbm>>
      %dma_wait3A_409 = tpu.memref_squeeze %dma_wait3A_408 : memref<1x640xf32, #tpu.memory_space<hbm>> -> memref<640xf32, #tpu.memory_space<hbm>>
      %dma_wait3A_410 = tpu.memref_slice %arg4[%run_scoped3A, %mul3A_8] : memref<2x10240xf32, #tpu.memory_space<hbm>> -> memref<1x640xf32, #tpu.memory_space<hbm>>
      %dma_wait3A_411 = tpu.memref_squeeze %dma_wait3A_410 : memref<1x640xf32, #tpu.memory_space<hbm>> -> memref<640xf32, #tpu.memory_space<hbm>>
      tpu.wait_dma2 semaphore(%run_scoped3A_403 : memref<!tpu.dma_semaphore, #tpu.memory_space<semaphore_mem>>) src(%dma_wait3A_411 : memref<640xf32, #tpu.memory_space<hbm>>) dst(%arg12 : memref<640xf32, #tpu.memory_space<vmem>>)
      tpu.yield
    }) : () -> ()
    %mul3A_9 = arith.constant 640 : i32
    %mul3A_10 = arith.muli %arg1, %mul3A_9 : i32
    %run_scoped3A_11 = arith.constant 1 : i32
    "tpu.region"() ({
      %run_scoped3A_403 = tpu.sem_alloc : memref<!tpu.dma_semaphore, #tpu.memory_space<semaphore_mem>>
      %dma_start3A_404 = tpu.memref_slice %arg4[%run_scoped3A_11, %mul3A_10] : memref<2x10240xf32, #tpu.memory_space<hbm>> -> memref<1x640xf32, #tpu.memory_space<hbm>>
      %dma_start3A_405 = tpu.memref_squeeze %dma_start3A_404 : memref<1x640xf32, #tpu.memory_space<hbm>> -> memref<640xf32, #tpu.memory_space<hbm>>
      %dma_start3A_406 = tpu.memref_slice %arg4[%run_scoped3A_11, %mul3A_10] : memref<2x10240xf32, #tpu.memory_space<hbm>> -> memref<1x640xf32, #tpu.memory_space<hbm>>
      %dma_start3A_407 = tpu.memref_squeeze %dma_start3A_406 : memref<1x640xf32, #tpu.memory_space<hbm>> -> memref<640xf32, #tpu.memory_space<hbm>>
      tpu.enqueue_dma source(%dma_start3A_407 : memref<640xf32, #tpu.memory_space<hbm>>) target(%arg13 : memref<640xf32, #tpu.memory_space<vmem>>) target_semaphore(%run_scoped3A_403 : memref<!tpu.dma_semaphore, #tpu.memory_space<semaphore_mem>>)
      %dma_wait3A_408 = tpu.memref_slice %arg4[%run_scoped3A_11, %mul3A_10] : memref<2x10240xf32, #tpu.memory_space<hbm>> -> memref<1x640xf32, #tpu.memory_space<hbm>>
      %dma_wait3A_409 = tpu.memref_squeeze %dma_wait3A_408 : memref<1x640xf32, #tpu.memory_space<hbm>> -> memref<640xf32, #tpu.memory_space<hbm>>
      %dma_wait3A_410 = tpu.memref_slice %arg4[%run_scoped3A_11, %mul3A_10] : memref<2x10240xf32, #tpu.memory_space<hbm>> -> memref<1x640xf32, #tpu.memory_space<hbm>>
      %dma_wait3A_411 = tpu.memref_squeeze %dma_wait3A_410 : memref<1x640xf32, #tpu.memory_space<hbm>> -> memref<640xf32, #tpu.memory_space<hbm>>
      tpu.wait_dma2 semaphore(%run_scoped3A_403 : memref<!tpu.dma_semaphore, #tpu.memory_space<semaphore_mem>>) src(%dma_wait3A_411 : memref<640xf32, #tpu.memory_space<hbm>>) dst(%arg13 : memref<640xf32, #tpu.memory_space<vmem>>)
      tpu.yield
    }) : () -> ()
    %lt3A_12 = arith.constant 15 : i32
    %lt3A_13 = arith.cmpi slt, %arg1, %lt3A_12 : i32
    %convert_element_type3A_14 = arith.extui %lt3A_13 : i1 to i32
    %cond3A_15 = arith.constant 0 : i32
    %cond3A_16 = arith.cmpi ne, %convert_element_type3A_14, %cond3A_15 : i32
    scf.if %cond3A_16 {
      %mul3A_403 = arith.constant 640 : i32
      %mul3A_404 = arith.muli %arg1, %mul3A_403 : i32
      "tpu.region"() ({
        %run_scoped3A_405 = tpu.sem_alloc : memref<!tpu.dma_semaphore, #tpu.memory_space<semaphore_mem>>
        %dma_start3A_406 = arith.constant 0 : i32
        %dma_start3A_407 = tpu.memref_slice %arg16[%mul3A_404, %dma_start3A_406] : memref<10000x16xf32, #tpu.memory_space<vmem_shared>> -> memref<640x16xf32, #tpu.memory_space<vmem_shared>>
        tpu.enqueue_dma source(%arg5 : memref<640x16xf32, #tpu.memory_space<hbm>>) target(%dma_start3A_407 : memref<640x16xf32, #tpu.memory_space<vmem_shared>>) target_semaphore(%run_scoped3A_405 : memref<!tpu.dma_semaphore, #tpu.memory_space<semaphore_mem>>)
        %dma_wait3A_408 = arith.constant 0 : i32
        %dma_wait3A_409 = tpu.memref_slice %arg16[%mul3A_404, %dma_wait3A_408] : memref<10000x16xf32, #tpu.memory_space<vmem_shared>> -> memref<640x16xf32, #tpu.memory_space<vmem_shared>>
        tpu.wait_dma2 semaphore(%run_scoped3A_405 : memref<!tpu.dma_semaphore, #tpu.memory_space<semaphore_mem>>) src(%arg5 : memref<640x16xf32, #tpu.memory_space<hbm>>) dst(%dma_wait3A_409 : memref<640x16xf32, #tpu.memory_space<vmem_shared>>)
        tpu.yield
      }) : () -> ()
    } else {
    }
    %eq3A_17 = arith.constant 15 : i32
    %eq3A_18 = arith.cmpi eq, %arg1, %eq3A_17 : i32
    %convert_element_type3A_19 = arith.extui %eq3A_18 : i1 to i32
    %cond3A_20 = arith.constant 0 : i32
    %cond3A_21 = arith.cmpi ne, %convert_element_type3A_19, %cond3A_20 : i32
    scf.if %cond3A_21 {
      "tpu.region"() ({
        %run_scoped3A_403 = tpu.sem_alloc : memref<!tpu.dma_semaphore, #tpu.memory_space<semaphore_mem>>
        %dma_start3A_404 = arith.constant 9600 : i32
        %dma_start3A_405 = arith.constant 0 : i32
        %dma_start3A_406 = tpu.memref_slice %arg16[%dma_start3A_404, %dma_start3A_405] : memref<10000x16xf32, #tpu.memory_space<vmem_shared>> -> memref<400x16xf32, #tpu.memory_space<vmem_shared>>
        %dma_start3A_407 = arith.constant 0 : i32
        %dma_start3A_408 = arith.constant 0 : i32
        %dma_start3A_409 = tpu.memref_slice %arg5[%dma_start3A_407, %dma_start3A_408] : memref<640x16xf32, #tpu.memory_space<hbm>> -> memref<400x16xf32, #tpu.memory_space<hbm>>
        tpu.enqueue_dma source(%dma_start3A_409 : memref<400x16xf32, #tpu.memory_space<hbm>>) target(%dma_start3A_406 : memref<400x16xf32, #tpu.memory_space<vmem_shared>>) target_semaphore(%run_scoped3A_403 : memref<!tpu.dma_semaphore, #tpu.memory_space<semaphore_mem>>)
        %dma_wait3A_410 = arith.constant 9600 : i32
        %dma_wait3A_411 = arith.constant 0 : i32
        %dma_wait3A_412 = tpu.memref_slice %arg16[%dma_wait3A_410, %dma_wait3A_411] : memref<10000x16xf32, #tpu.memory_space<vmem_shared>> -> memref<400x16xf32, #tpu.memory_space<vmem_shared>>
        %dma_wait3A_413 = arith.constant 0 : i32
        %dma_wait3A_414 = arith.constant 0 : i32
        %dma_wait3A_415 = tpu.memref_slice %arg5[%dma_wait3A_413, %dma_wait3A_414] : memref<640x16xf32, #tpu.memory_space<hbm>> -> memref<400x16xf32, #tpu.memory_space<hbm>>
        tpu.wait_dma2 semaphore(%run_scoped3A_403 : memref<!tpu.dma_semaphore, #tpu.memory_space<semaphore_mem>>) src(%dma_wait3A_415 : memref<400x16xf32, #tpu.memory_space<hbm>>) dst(%dma_wait3A_412 : memref<400x16xf32, #tpu.memory_space<vmem_shared>>)
        tpu.yield
      }) : () -> ()
    } else {
    }
    %scan3A = arith.constant 0 : i32
    %scan3A_22 = arith.constant 0 : i32
    %scan3A_23 = arith.constant 40 : i32
    %scan3A_24 = arith.addi %scan3A_22, %scan3A_23 : i32
    %scan3A_25 = arith.constant 1 : i32
    scf.for %scan3A_403 = %scan3A_22 to %scan3A_24 step %scan3A_25  : i32 {
      %mul3A_404 = arith.constant 16 : i32
      %mul3A_405 = arith.muli %scan3A_403, %mul3A_404 : i32
      %get3A = arith.index_cast %mul3A_405 : i32 to index
      %get3A_406 = tpu.vector_load %arg12[%get3A] {strides = array<i32>} : memref<640xf32, #tpu.memory_space<vmem>>, vector<16xf32>,
      %mul3A_407 = arith.constant 16 : i32
      %mul3A_408 = arith.muli %scan3A_403, %mul3A_407 : i32
      %get3A_409 = arith.index_cast %mul3A_408 : i32 to index
      %get3A_410 = tpu.vector_load %arg13[%get3A_409] {strides = array<i32>} : memref<640xf32, #tpu.memory_space<vmem>>, vector<16xf32>,
      %add3A_411 = arith.addf %get3A_406, %get3A_410 : vector<16xf32>
      %add3A_412 = arith.constant 1.000000e+00 : f32
      %add3A_413 = vector.broadcast %add3A_412 : f32 to vector<16xf32>
      %add3A_414 = arith.addf %add3A_411, %add3A_413 : vector<16xf32>
      %bitcast3A = vector.bitcast %add3A_414 : vector<16xf32> to vector<16xi32>
      %shift_right_arithmetic3A = arith.constant 1 : i32
      %shift_right_arithmetic3A_415 = vector.broadcast %shift_right_arithmetic3A : i32 to vector<16xi32>
      %shift_right_arithmetic3A_416 = arith.shrsi %bitcast3A, %shift_right_arithmetic3A_415 : vector<16xi32>
      %sub3A = arith.constant 1597463007 : i32
      %sub3A_417 = vector.broadcast %sub3A : i32 to vector<16xi32>
      %sub3A_418 = arith.subi %sub3A_417, %shift_right_arithmetic3A_416 : vector<16xi32>
      %bitcast3A_419 = vector.bitcast %sub3A_418 : vector<16xi32> to vector<16xf32>
      %mul3A_420 = arith.constant 5.000000e-01 : f32
      %mul3A_421 = vector.broadcast %mul3A_420 : f32 to vector<16xf32>
      %mul3A_422 = arith.mulf %mul3A_421, %add3A_414 : vector<16xf32>
      %mul3A_423 = arith.mulf %mul3A_422, %bitcast3A_419 : vector<16xf32>
      %mul3A_424 = arith.mulf %mul3A_423, %bitcast3A_419 : vector<16xf32>
      %sub3A_425 = arith.constant 1.500000e+00 : f32
      %sub3A_426 = vector.broadcast %sub3A_425 : f32 to vector<16xf32>
      %sub3A_427 = arith.subf %sub3A_426, %mul3A_424 : vector<16xf32>
      %mul3A_428 = arith.mulf %bitcast3A_419, %sub3A_427 : vector<16xf32>
      %mul3A_429 = arith.constant 5.000000e-01 : f32
      %mul3A_430 = vector.broadcast %mul3A_429 : f32 to vector<16xf32>
      %mul3A_431 = arith.mulf %mul3A_430, %add3A_414 : vector<16xf32>
      %mul3A_432 = arith.mulf %mul3A_431, %mul3A_428 : vector<16xf32>
      %mul3A_433 = arith.mulf %mul3A_432, %mul3A_428 : vector<16xf32>
      %sub3A_434 = arith.constant 1.500000e+00 : f32
      %sub3A_435 = vector.broadcast %sub3A_434 : f32 to vector<16xf32>
      %sub3A_436 = arith.subf %sub3A_435, %mul3A_433 : vector<16xf32>
      %mul3A_437 = arith.mulf %mul3A_428, %sub3A_436 : vector<16xf32>
      %mul3A_438 = arith.constant 5.000000e-01 : f32
      %mul3A_439 = vector.broadcast %mul3A_438 : f32 to vector<16xf32>
      %mul3A_440 = arith.mulf %mul3A_439, %add3A_414 : vector<16xf32>
      %mul3A_441 = arith.mulf %mul3A_440, %mul3A_437 : vector<16xf32>
      %mul3A_442 = arith.mulf %mul3A_441, %mul3A_437 : vector<16xf32>
      %sub3A_443 = arith.constant 1.500000e+00 : f32
      %sub3A_444 = vector.broadcast %sub3A_443 : f32 to vector<16xf32>
      %sub3A_445 = arith.subf %sub3A_444, %mul3A_442 : vector<16xf32>
      %mul3A_446 = arith.mulf %mul3A_437, %sub3A_445 : vector<16xf32>
      %mul3A_447 = arith.constant 16 : i32
      %mul3A_448 = arith.muli %scan3A_403, %mul3A_447 : i32
      %swap3A = arith.index_cast %mul3A_448 : i32 to index
      %swap3A_449 = tpu.vector_load %arg14[%swap3A] {strides = array<i32>} : memref<640xf32, #tpu.memory_space<vmem>>, vector<16xf32>,
      tpu.vector_store %arg14[%swap3A], %mul3A_446 {strides = array<i32>} : memref<640xf32, #tpu.memory_space<vmem>>, vector<16xf32>,
    }
    %scan3A_26 = arith.constant 40 : i32
    %scan3A_27 = arith.constant 0 : i32
    %scan3A_28 = arith.constant 0 : i32
    %scan3A_29 = arith.constant 160 : i32
    %scan3A_30 = arith.addi %scan3A_28, %scan3A_29 : i32
    %scan3A_31 = arith.constant 1 : i32
    scf.for %scan3A_403 = %scan3A_28 to %scan3A_30 step %scan3A_31  : i32 {
      %mul3A_404 = arith.constant 4 : i32
      %mul3A_405 = arith.muli %scan3A_403, %mul3A_404 : i32
      %add3A_406 = arith.constant 0 : i32
      %add3A_407 = arith.addi %mul3A_405, %add3A_406 : i32
      %broadcast_in_dim3A = vector.broadcast %add3A_407 : i32 to vector<16xi32>
      %gather3A = tpu.vector_load_idx %arg14[%broadcast_in_dim3A] : memref<640xf32, #tpu.memory_space<vmem>>[vector<16xi32>], vector<16xf32>,
      %get3A = arith.index_cast %add3A_407 : i32 to index
      %get3A_408 = arith.constant 0 : index
      %get3A_409 = tpu.vector_load %arg10[%get3A, %get3A_408] {strides = array<i32>} : memref<640x16xf32, #tpu.memory_space<vmem>>, vector<16xf32>,
      %mul3A_410 = arith.mulf %get3A_409, %gather3A : vector<16xf32>
      %swap3A = arith.index_cast %add3A_407 : i32 to index
      %swap3A_411 = arith.constant 0 : index
      %swap3A_412 = tpu.vector_load %arg10[%swap3A, %swap3A_411] {strides = array<i32>} : memref<640x16xf32, #tpu.memory_space<vmem>>, vector<16xf32>,
      tpu.vector_store %arg10[%swap3A, %swap3A_411], %mul3A_410 {strides = array<i32>} : memref<640x16xf32, #tpu.memory_space<vmem>>, vector<16xf32>,
      %mul3A_413 = arith.constant 4 : i32
      %mul3A_414 = arith.muli %scan3A_403, %mul3A_413 : i32
      %add3A_415 = arith.constant 1 : i32
      %add3A_416 = arith.addi %mul3A_414, %add3A_415 : i32
      %broadcast_in_dim3A_417 = vector.broadcast %add3A_416 : i32 to vector<16xi32>
      %gather3A_418 = tpu.vector_load_idx %arg14[%broadcast_in_dim3A_417] : memref<640xf32, #tpu.memory_space<vmem>>[vector<16xi32>], vector<16xf32>,
      %get3A_419 = arith.index_cast %add3A_416 : i32 to index
      %get3A_420 = arith.constant 0 : index
      %get3A_421 = tpu.vector_load %arg10[%get3A_419, %get3A_420] {strides = array<i32>} : memref<640x16xf32, #tpu.memory_space<vmem>>, vector<16xf32>,
      %mul3A_422 = arith.mulf %get3A_421, %gather3A_418 : vector<16xf32>
      %swap3A_423 = arith.index_cast %add3A_416 : i32 to index
      %swap3A_424 = arith.constant 0 : index
      %swap3A_425 = tpu.vector_load %arg10[%swap3A_423, %swap3A_424] {strides = array<i32>} : memref<640x16xf32, #tpu.memory_space<vmem>>, vector<16xf32>,
      tpu.vector_store %arg10[%swap3A_423, %swap3A_424], %mul3A_422 {strides = array<i32>} : memref<640x16xf32, #tpu.memory_space<vmem>>, vector<16xf32>,
      %mul3A_426 = arith.constant 4 : i32
      %mul3A_427 = arith.muli %scan3A_403, %mul3A_426 : i32
      %add3A_428 = arith.constant 2 : i32
      %add3A_429 = arith.addi %mul3A_427, %add3A_428 : i32
      %broadcast_in_dim3A_430 = vector.broadcast %add3A_429 : i32 to vector<16xi32>
      %gather3A_431 = tpu.vector_load_idx %arg14[%broadcast_in_dim3A_430] : memref<640xf32, #tpu.memory_space<vmem>>[vector<16xi32>], vector<16xf32>,
      %get3A_432 = arith.index_cast %add3A_429 : i32 to index
      %get3A_433 = arith.constant 0 : index
      %get3A_434 = tpu.vector_load %arg10[%get3A_432, %get3A_433] {strides = array<i32>} : memref<640x16xf32, #tpu.memory_space<vmem>>, vector<16xf32>,
      %mul3A_435 = arith.mulf %get3A_434, %gather3A_431 : vector<16xf32>
      %swap3A_436 = arith.index_cast %add3A_429 : i32 to index
      %swap3A_437 = arith.constant 0 : index
      %swap3A_438 = tpu.vector_load %arg10[%swap3A_436, %swap3A_437] {strides = array<i32>} : memref<640x16xf32, #tpu.memory_space<vmem>>, vector<16xf32>,
      tpu.vector_store %arg10[%swap3A_436, %swap3A_437], %mul3A_435 {strides = array<i32>} : memref<640x16xf32, #tpu.memory_space<vmem>>, vector<16xf32>,
      %mul3A_439 = arith.constant 4 : i32
      %mul3A_440 = arith.muli %scan3A_403, %mul3A_439 : i32
      %add3A_441 = arith.constant 3 : i32
      %add3A_442 = arith.addi %mul3A_440, %add3A_441 : i32
      %broadcast_in_dim3A_443 = vector.broadcast %add3A_442 : i32 to vector<16xi32>
      %gather3A_444 = tpu.vector_load_idx %arg14[%broadcast_in_dim3A_443] : memref<640xf32, #tpu.memory_space<vmem>>[vector<16xi32>], vector<16xf32>,
      %get3A_445 = arith.index_cast %add3A_442 : i32 to index
      %get3A_446 = arith.constant 0 : index
      %get3A_447 = tpu.vector_load %arg10[%get3A_445, %get3A_446] {strides = array<i32>} : memref<640x16xf32, #tpu.memory_space<vmem>>, vector<16xf32>,
      %mul3A_448 = arith.mulf %get3A_447, %gather3A_444 : vector<16xf32>
      %swap3A_449 = arith.index_cast %add3A_442 : i32 to index
      %swap3A_450 = arith.constant 0 : index
      %swap3A_451 = tpu.vector_load %arg10[%swap3A_449, %swap3A_450] {strides = array<i32>} : memref<640x16xf32, #tpu.memory_space<vmem>>, vector<16xf32>,
      tpu.vector_store %arg10[%swap3A_449, %swap3A_450], %mul3A_448 {strides = array<i32>} : memref<640x16xf32, #tpu.memory_space<vmem>>, vector<16xf32>,
    }
    %scan3A_32 = arith.constant 160 : i32
    %lt3A_33 = arith.constant 15 : i32
    %lt3A_34 = arith.cmpi slt, %arg1, %lt3A_33 : i32
    %convert_element_type3A_35 = arith.extui %lt3A_34 : i1 to i32
    %cond3A_36 = arith.constant 0 : i32
    %cond3A_37 = arith.cmpi ne, %convert_element_type3A_35, %cond3A_36 : i32
    scf.if %cond3A_37 {
      %mul3A_403 = arith.constant 640 : i32
      %mul3A_404 = arith.muli %arg1, %mul3A_403 : i32
      "tpu.region"() ({
        %run_scoped3A_405 = tpu.sem_alloc : memref<!tpu.dma_semaphore, #tpu.memory_space<semaphore_mem>>
        %dma_start3A_406 = arith.constant 0 : i32
        %dma_start3A_407 = tpu.memref_slice %arg15[%mul3A_404, %dma_start3A_406] : memref<10000x16xf32, #tpu.memory_space<vmem_shared>> -> memref<640x16xf32, #tpu.memory_space<vmem_shared>>
        %dma_start3A_408 = arith.constant 0 : i32
        %dma_start3A_409 = tpu.memref_slice %arg15[%mul3A_404, %dma_start3A_408] : memref<10000x16xf32, #tpu.memory_space<vmem_shared>> -> memref<640x16xf32, #tpu.memory_space<vmem_shared>>
        tpu.enqueue_dma source(%arg10 : memref<640x16xf32, #tpu.memory_space<vmem>>) target(%dma_start3A_409 : memref<640x16xf32, #tpu.memory_space<vmem_shared>>) target_semaphore(%run_scoped3A_405 : memref<!tpu.dma_semaphore, #tpu.memory_space<semaphore_mem>>)
        %dma_wait3A_410 = arith.constant 0 : i32
        %dma_wait3A_411 = tpu.memref_slice %arg15[%mul3A_404, %dma_wait3A_410] : memref<10000x16xf32, #tpu.memory_space<vmem_shared>> -> memref<640x16xf32, #tpu.memory_space<vmem_shared>>
        %dma_wait3A_412 = arith.constant 0 : i32
        %dma_wait3A_413 = tpu.memref_slice %arg15[%mul3A_404, %dma_wait3A_412] : memref<10000x16xf32, #tpu.memory_space<vmem_shared>> -> memref<640x16xf32, #tpu.memory_space<vmem_shared>>
        tpu.wait_dma2 semaphore(%run_scoped3A_405 : memref<!tpu.dma_semaphore, #tpu.memory_space<semaphore_mem>>) src(%arg10 : memref<640x16xf32, #tpu.memory_space<vmem>>) dst(%dma_wait3A_413 : memref<640x16xf32, #tpu.memory_space<vmem_shared>>)
        tpu.yield
      }) : () -> ()
    } else {
    }
    %eq3A_38 = arith.constant 15 : i32
    %eq3A_39 = arith.cmpi eq, %arg1, %eq3A_38 : i32
    %convert_element_type3A_40 = arith.extui %eq3A_39 : i1 to i32
    %cond3A_41 = arith.constant 0 : i32
    %cond3A_42 = arith.cmpi ne, %convert_element_type3A_40, %cond3A_41 : i32
    scf.if %cond3A_42 {
      "tpu.region"() ({
        %run_scoped3A_403 = tpu.sem_alloc : memref<!tpu.dma_semaphore, #tpu.memory_space<semaphore_mem>>
        %dma_start3A_404 = arith.constant 0 : i32
        %dma_start3A_405 = arith.constant 0 : i32
        %dma_start3A_406 = tpu.memref_slice %arg10[%dma_start3A_404, %dma_start3A_405] : memref<640x16xf32, #tpu.memory_space<vmem>> -> memref<400x16xf32, #tpu.memory_space<vmem>>
        %dma_start3A_407 = arith.constant 9600 : i32
        %dma_start3A_408 = arith.constant 0 : i32
        %dma_start3A_409 = tpu.memref_slice %arg15[%dma_start3A_407, %dma_start3A_408] : memref<10000x16xf32, #tpu.memory_space<vmem_shared>> -> memref<400x16xf32, #tpu.memory_space<vmem_shared>>
        %dma_start3A_410 = arith.constant 9600 : i32
        %dma_start3A_411 = arith.constant 0 : i32
        %dma_start3A_412 = tpu.memref_slice %arg15[%dma_start3A_410, %dma_start3A_411] : memref<10000x16xf32, #tpu.memory_space<vmem_shared>> -> memref<400x16xf32, #tpu.memory_space<vmem_shared>>
        %dma_start3A_413 = arith.constant 0 : i32
        %dma_start3A_414 = arith.constant 0 : i32
        %dma_start3A_415 = tpu.memref_slice %arg10[%dma_start3A_413, %dma_start3A_414] : memref<640x16xf32, #tpu.memory_space<vmem>> -> memref<400x16xf32, #tpu.memory_space<vmem>>
        tpu.enqueue_dma source(%dma_start3A_415 : memref<400x16xf32, #tpu.memory_space<vmem>>) target(%dma_start3A_412 : memref<400x16xf32, #tpu.memory_space<vmem_shared>>) target_semaphore(%run_scoped3A_403 : memref<!tpu.dma_semaphore, #tpu.memory_space<semaphore_mem>>)
        %dma_wait3A_416 = arith.constant 0 : i32
        %dma_wait3A_417 = arith.constant 0 : i32
        %dma_wait3A_418 = tpu.memref_slice %arg10[%dma_wait3A_416, %dma_wait3A_417] : memref<640x16xf32, #tpu.memory_space<vmem>> -> memref<400x16xf32, #tpu.memory_space<vmem>>
        %dma_wait3A_419 = arith.constant 9600 : i32
        %dma_wait3A_420 = arith.constant 0 : i32
        %dma_wait3A_421 = tpu.memref_slice %arg15[%dma_wait3A_419, %dma_wait3A_420] : memref<10000x16xf32, #tpu.memory_space<vmem_shared>> -> memref<400x16xf32, #tpu.memory_space<vmem_shared>>
        %dma_wait3A_422 = arith.constant 9600 : i32
        %dma_wait3A_423 = arith.constant 0 : i32
        %dma_wait3A_424 = tpu.memref_slice %arg15[%dma_wait3A_422, %dma_wait3A_423] : memref<10000x16xf32, #tpu.memory_space<vmem_shared>> -> memref<400x16xf32, #tpu.memory_space<vmem_shared>>
        %dma_wait3A_425 = arith.constant 0 : i32
        %dma_wait3A_426 = arith.constant 0 : i32
        %dma_wait3A_427 = tpu.memref_slice %arg10[%dma_wait3A_425, %dma_wait3A_426] : memref<640x16xf32, #tpu.memory_space<vmem>> -> memref<400x16xf32, #tpu.memory_space<vmem>>
        tpu.wait_dma2 semaphore(%run_scoped3A_403 : memref<!tpu.dma_semaphore, #tpu.memory_space<semaphore_mem>>) src(%dma_wait3A_427 : memref<400x16xf32, #tpu.memory_space<vmem>>) dst(%dma_wait3A_424 : memref<400x16xf32, #tpu.memory_space<vmem_shared>>)
        tpu.yield
      }) : () -> ()
    } else {
    }
    %mul3A_43 = arith.constant 10000 : i32
    %mul3A_44 = arith.muli %add3A, %mul3A_43 : i32
    %run_scoped3A_45 = arith.constant 0 : i32
    "tpu.region"() ({
      %run_scoped3A_403 = tpu.sem_alloc : memref<!tpu.dma_semaphore, #tpu.memory_space<semaphore_mem>>
      %dma_start3A_404 = tpu.memref_slice %arg2[%run_scoped3A_45, %mul3A_44] : memref<2x320000xi32, #tpu.memory_space<hbm>> -> memref<1x10000xi32, #tpu.memory_space<hbm>>
      %dma_start3A_405 = tpu.memref_squeeze %dma_start3A_404 : memref<1x10000xi32, #tpu.memory_space<hbm>> -> memref<10000xi32, #tpu.memory_space<hbm>>
      %dma_start3A_406 = tpu.memref_slice %arg2[%run_scoped3A_45, %mul3A_44] : memref<2x320000xi32, #tpu.memory_space<hbm>> -> memref<1x10000xi32, #tpu.memory_space<hbm>>
      %dma_start3A_407 = tpu.memref_squeeze %dma_start3A_406 : memref<1x10000xi32, #tpu.memory_space<hbm>> -> memref<10000xi32, #tpu.memory_space<hbm>>
      tpu.enqueue_dma source(%dma_start3A_407 : memref<10000xi32, #tpu.memory_space<hbm>>) target(%arg7 : memref<10000xi32, #tpu.memory_space<vmem>>) target_semaphore(%run_scoped3A_403 : memref<!tpu.dma_semaphore, #tpu.memory_space<semaphore_mem>>)
      %dma_wait3A_408 = tpu.memref_slice %arg2[%run_scoped3A_45, %mul3A_44] : memref<2x320000xi32, #tpu.memory_space<hbm>> -> memref<1x10000xi32, #tpu.memory_space<hbm>>
      %dma_wait3A_409 = tpu.memref_squeeze %dma_wait3A_408 : memref<1x10000xi32, #tpu.memory_space<hbm>> -> memref<10000xi32, #tpu.memory_space<hbm>>
      %dma_wait3A_410 = tpu.memref_slice %arg2[%run_scoped3A_45, %mul3A_44] : memref<2x320000xi32, #tpu.memory_space<hbm>> -> memref<1x10000xi32, #tpu.memory_space<hbm>>
      %dma_wait3A_411 = tpu.memref_squeeze %dma_wait3A_410 : memref<1x10000xi32, #tpu.memory_space<hbm>> -> memref<10000xi32, #tpu.memory_space<hbm>>
      tpu.wait_dma2 semaphore(%run_scoped3A_403 : memref<!tpu.dma_semaphore, #tpu.memory_space<semaphore_mem>>) src(%dma_wait3A_411 : memref<10000xi32, #tpu.memory_space<hbm>>) dst(%arg7 : memref<10000xi32, #tpu.memory_space<vmem>>)
      tpu.yield
    }) : () -> ()
    %mul3A_46 = arith.constant 10000 : i32
    %mul3A_47 = arith.muli %add3A, %mul3A_46 : i32
    %run_scoped3A_48 = arith.constant 1 : i32
    "tpu.region"() ({
      %run_scoped3A_403 = tpu.sem_alloc : memref<!tpu.dma_semaphore, #tpu.memory_space<semaphore_mem>>
      %dma_start3A_404 = tpu.memref_slice %arg2[%run_scoped3A_48, %mul3A_47] : memref<2x320000xi32, #tpu.memory_space<hbm>> -> memref<1x10000xi32, #tpu.memory_space<hbm>>
      %dma_start3A_405 = tpu.memref_squeeze %dma_start3A_404 : memref<1x10000xi32, #tpu.memory_space<hbm>> -> memref<10000xi32, #tpu.memory_space<hbm>>
      %dma_start3A_406 = tpu.memref_slice %arg2[%run_scoped3A_48, %mul3A_47] : memref<2x320000xi32, #tpu.memory_space<hbm>> -> memref<1x10000xi32, #tpu.memory_space<hbm>>
      %dma_start3A_407 = tpu.memref_squeeze %dma_start3A_406 : memref<1x10000xi32, #tpu.memory_space<hbm>> -> memref<10000xi32, #tpu.memory_space<hbm>>
      tpu.enqueue_dma source(%dma_start3A_407 : memref<10000xi32, #tpu.memory_space<hbm>>) target(%arg8 : memref<10000xi32, #tpu.memory_space<vmem>>) target_semaphore(%run_scoped3A_403 : memref<!tpu.dma_semaphore, #tpu.memory_space<semaphore_mem>>)
      %dma_wait3A_408 = tpu.memref_slice %arg2[%run_scoped3A_48, %mul3A_47] : memref<2x320000xi32, #tpu.memory_space<hbm>> -> memref<1x10000xi32, #tpu.memory_space<hbm>>
      %dma_wait3A_409 = tpu.memref_squeeze %dma_wait3A_408 : memref<1x10000xi32, #tpu.memory_space<hbm>> -> memref<10000xi32, #tpu.memory_space<hbm>>
      %dma_wait3A_410 = tpu.memref_slice %arg2[%run_scoped3A_48, %mul3A_47] : memref<2x320000xi32, #tpu.memory_space<hbm>> -> memref<1x10000xi32, #tpu.memory_space<hbm>>
      %dma_wait3A_411 = tpu.memref_squeeze %dma_wait3A_410 : memref<1x10000xi32, #tpu.memory_space<hbm>> -> memref<10000xi32, #tpu.memory_space<hbm>>
      tpu.wait_dma2 semaphore(%run_scoped3A_403 : memref<!tpu.dma_semaphore, #tpu.memory_space<semaphore_mem>>) src(%dma_wait3A_411 : memref<10000xi32, #tpu.memory_space<hbm>>) dst(%arg8 : memref<10000xi32, #tpu.memory_space<vmem>>)
      tpu.yield
    }) : () -> ()
    %barrier3A = arith.constant 0 : index
    tpu.barrier barrier_id(%barrier3A)
    %dma_start3A = arith.constant 0 : i32
    %dma_start3A_49 = arith.constant 0 : i32
    %dma_start3A_50 = arith.constant 0 : i32
    %dma_start3A_51 = tpu.memref_slice %arg9[%dma_start3A, %dma_start3A_49, %dma_start3A_50] : memref<8x128x16xf32, #tpu.memory_space<vmem>> -> memref<1x128x16xf32, #tpu.memory_space<vmem>>
    %dma_start3A_52 = tpu.memref_squeeze %dma_start3A_51 : memref<1x128x16xf32, #tpu.memory_space<vmem>> -> memref<128x16xf32, #tpu.memory_space<vmem>>
    %dma_start3A_53 = arith.constant 0 : i32
    %dma_start3A_54 = tpu.memref_slice %arg7[%dma_start3A_53] : memref<10000xi32, #tpu.memory_space<vmem>> -> memref<128xi32, #tpu.memory_space<vmem>>
    %dma_start3A_55 = arith.constant 0 : i32
    %dma_start3A_56 = arith.constant 0 : i32
    %dma_start3A_57 = tpu.memref_slice %arg15[%dma_start3A_55, %dma_start3A_56] : memref<10000x16xf32, #tpu.memory_space<vmem_shared>> -> memref<10000x16xf32, #tpu.memory_space<vmem_shared>>
    tpu.enqueue_indirect_dma source(%dma_start3A_57 : memref<10000x16xf32, #tpu.memory_space<vmem_shared>>) target(%dma_start3A_52 : memref<128x16xf32, #tpu.memory_space<vmem>>) offsets(%dma_start3A_54 : memref<128xi32, #tpu.memory_space<vmem>>) semaphore(%arg17 : memref<!tpu.dma_semaphore, #tpu.memory_space<semaphore_mem>>)
    %dma_start3A_58 = arith.constant 1 : i32
    %dma_start3A_59 = arith.constant 0 : i32
    %dma_start3A_60 = arith.constant 0 : i32
    %dma_start3A_61 = tpu.memref_slice %arg9[%dma_start3A_58, %dma_start3A_59, %dma_start3A_60] : memref<8x128x16xf32, #tpu.memory_space<vmem>> -> memref<1x128x16xf32, #tpu.memory_space<vmem>>
    %dma_start3A_62 = tpu.memref_squeeze %dma_start3A_61 : memref<1x128x16xf32, #tpu.memory_space<vmem>> -> memref<128x16xf32, #tpu.memory_space<vmem>>
    %dma_start3A_63 = arith.constant 128 : i32
    %dma_start3A_64 = tpu.memref_slice %arg7[%dma_start3A_63] : memref<10000xi32, #tpu.memory_space<vmem>> -> memref<128xi32, #tpu.memory_space<vmem>>
    %dma_start3A_65 = arith.constant 0 : i32
    %dma_start3A_66 = arith.constant 0 : i32
    %dma_start3A_67 = tpu.memref_slice %arg15[%dma_start3A_65, %dma_start3A_66] : memref<10000x16xf32, #tpu.memory_space<vmem_shared>> -> memref<10000x16xf32, #tpu.memory_space<vmem_shared>>
    tpu.enqueue_indirect_dma source(%dma_start3A_67 : memref<10000x16xf32, #tpu.memory_space<vmem_shared>>) target(%dma_start3A_62 : memref<128x16xf32, #tpu.memory_space<vmem>>) offsets(%dma_start3A_64 : memref<128xi32, #tpu.memory_space<vmem>>) semaphore(%arg18 : memref<!tpu.dma_semaphore, #tpu.memory_space<semaphore_mem>>)
    %dma_start3A_68 = arith.constant 2 : i32
    %dma_start3A_69 = arith.constant 0 : i32
    %dma_start3A_70 = arith.constant 0 : i32
    %dma_start3A_71 = tpu.memref_slice %arg9[%dma_start3A_68, %dma_start3A_69, %dma_start3A_70] : memref<8x128x16xf32, #tpu.memory_space<vmem>> -> memref<1x128x16xf32, #tpu.memory_space<vmem>>
    %dma_start3A_72 = tpu.memref_squeeze %dma_start3A_71 : memref<1x128x16xf32, #tpu.memory_space<vmem>> -> memref<128x16xf32, #tpu.memory_space<vmem>>
    %dma_start3A_73 = arith.constant 256 : i32
    %dma_start3A_74 = tpu.memref_slice %arg7[%dma_start3A_73] : memref<10000xi32, #tpu.memory_space<vmem>> -> memref<128xi32, #tpu.memory_space<vmem>>
    %dma_start3A_75 = arith.constant 0 : i32
    %dma_start3A_76 = arith.constant 0 : i32
    %dma_start3A_77 = tpu.memref_slice %arg15[%dma_start3A_75, %dma_start3A_76] : memref<10000x16xf32, #tpu.memory_space<vmem_shared>> -> memref<10000x16xf32, #tpu.memory_space<vmem_shared>>
    tpu.enqueue_indirect_dma source(%dma_start3A_77 : memref<10000x16xf32, #tpu.memory_space<vmem_shared>>) target(%dma_start3A_72 : memref<128x16xf32, #tpu.memory_space<vmem>>) offsets(%dma_start3A_74 : memref<128xi32, #tpu.memory_space<vmem>>) semaphore(%arg19 : memref<!tpu.dma_semaphore, #tpu.memory_space<semaphore_mem>>)
    %dma_start3A_78 = arith.constant 3 : i32
    %dma_start3A_79 = arith.constant 0 : i32
    %dma_start3A_80 = arith.constant 0 : i32
    %dma_start3A_81 = tpu.memref_slice %arg9[%dma_start3A_78, %dma_start3A_79, %dma_start3A_80] : memref<8x128x16xf32, #tpu.memory_space<vmem>> -> memref<1x128x16xf32, #tpu.memory_space<vmem>>
    %dma_start3A_82 = tpu.memref_squeeze %dma_start3A_81 : memref<1x128x16xf32, #tpu.memory_space<vmem>> -> memref<128x16xf32, #tpu.memory_space<vmem>>
    %dma_start3A_83 = arith.constant 384 : i32
    %dma_start3A_84 = tpu.memref_slice %arg7[%dma_start3A_83] : memref<10000xi32, #tpu.memory_space<vmem>> -> memref<128xi32, #tpu.memory_space<vmem>>
    %dma_start3A_85 = arith.constant 0 : i32
    %dma_start3A_86 = arith.constant 0 : i32
    %dma_start3A_87 = tpu.memref_slice %arg15[%dma_start3A_85, %dma_start3A_86] : memref<10000x16xf32, #tpu.memory_space<vmem_shared>> -> memref<10000x16xf32, #tpu.memory_space<vmem_shared>>
    tpu.enqueue_indirect_dma source(%dma_start3A_87 : memref<10000x16xf32, #tpu.memory_space<vmem_shared>>) target(%dma_start3A_82 : memref<128x16xf32, #tpu.memory_space<vmem>>) offsets(%dma_start3A_84 : memref<128xi32, #tpu.memory_space<vmem>>) semaphore(%arg20 : memref<!tpu.dma_semaphore, #tpu.memory_space<semaphore_mem>>)
    %scan3A_88 = arith.constant 0 : i32
    %scan3A_89 = arith.constant 0 : i32
    %scan3A_90 = arith.constant 9 : i32
    %scan3A_91 = arith.addi %scan3A_89, %scan3A_90 : i32
    %scan3A_92 = arith.constant 1 : i32
    scf.for %scan3A_403 = %scan3A_89 to %scan3A_91 step %scan3A_92  : i32 {
      %mul3A_404 = arith.constant 8 : i32
      %mul3A_405 = arith.muli %scan3A_403, %mul3A_404 : i32
      %add3A_406 = arith.constant 0 : i32
      %add3A_407 = arith.addi %mul3A_405, %add3A_406 : i32
      %mul3A_408 = arith.constant 128 : i32
      %mul3A_409 = arith.muli %add3A_407, %mul3A_408 : i32
      %dma_wait3A_410 = arith.constant 0 : i32
      %dma_wait3A_411 = arith.constant 0 : i32
      %dma_wait3A_412 = arith.constant 0 : i32
      %dma_wait3A_413 = tpu.memref_slice %arg9[%dma_wait3A_410, %dma_wait3A_411, %dma_wait3A_412] : memref<8x128x16xf32, #tpu.memory_space<vmem>> -> memref<1x128x16xf32, #tpu.memory_space<vmem>>
      %dma_wait3A_414 = tpu.memref_squeeze %dma_wait3A_413 : memref<1x128x16xf32, #tpu.memory_space<vmem>> -> memref<128x16xf32, #tpu.memory_space<vmem>>
      %dma_wait3A_415 = tpu.memref_slice %arg7[%mul3A_409] : memref<10000xi32, #tpu.memory_space<vmem>> -> memref<128xi32, #tpu.memory_space<vmem>>
      %dma_wait3A_416 = arith.constant 0 : i32
      %dma_wait3A_417 = arith.constant 0 : i32
      %dma_wait3A_418 = tpu.memref_slice %arg15[%dma_wait3A_416, %dma_wait3A_417] : memref<10000x16xf32, #tpu.memory_space<vmem_shared>> -> memref<10000x16xf32, #tpu.memory_space<vmem_shared>>
      tpu.wait_indirect_dma semaphore(%arg17 : memref<!tpu.dma_semaphore, #tpu.memory_space<semaphore_mem>>) src(%dma_wait3A_418 : memref<10000x16xf32, #tpu.memory_space<vmem_shared>>) dst(%dma_wait3A_414 : memref<128x16xf32, #tpu.memory_space<vmem>>)
      %mul3A_419 = arith.constant 128 : i32
      %mul3A_420 = arith.muli %add3A_407, %mul3A_419 : i32
      %dma_start3A_421 = arith.constant 0 : i32
      %dma_start3A_422 = arith.constant 0 : i32
      %dma_start3A_423 = arith.constant 0 : i32
      %dma_start3A_424 = tpu.memref_slice %arg9[%dma_start3A_421, %dma_start3A_422, %dma_start3A_423] : memref<8x128x16xf32, #tpu.memory_space<vmem>> -> memref<1x128x16xf32, #tpu.memory_space<vmem>>
      %dma_start3A_425 = tpu.memref_squeeze %dma_start3A_424 : memref<1x128x16xf32, #tpu.memory_space<vmem>> -> memref<128x16xf32, #tpu.memory_space<vmem>>
      %dma_start3A_426 = tpu.memref_slice %arg8[%mul3A_420] : memref<10000xi32, #tpu.memory_space<vmem>> -> memref<128xi32, #tpu.memory_space<vmem>>
      %dma_start3A_427 = arith.constant 0 : i32
      %dma_start3A_428 = arith.constant 0 : i32
      %dma_start3A_429 = tpu.memref_slice %arg16[%dma_start3A_427, %dma_start3A_428] : memref<10000x16xf32, #tpu.memory_space<vmem_shared>> -> memref<10000x16xf32, #tpu.memory_space<vmem_shared>>
      tpu.enqueue_indirect_dma source(%dma_start3A_425 : memref<128x16xf32, #tpu.memory_space<vmem>>) target(%dma_start3A_429 : memref<10000x16xf32, #tpu.memory_space<vmem_shared>>) offsets(%dma_start3A_426 : memref<128xi32, #tpu.memory_space<vmem>>) semaphore(%arg25 : memref<!tpu.dma_semaphore, #tpu.memory_space<semaphore_mem>>) {add = true}
      %ge3A = arith.constant 4 : i32
      %ge3A_430 = arith.cmpi sge, %add3A_407, %ge3A : i32
      %convert_element_type3A_431 = arith.extui %ge3A_430 : i1 to i32
      %cond3A_432 = arith.constant 0 : i32
      %cond3A_433 = arith.cmpi ne, %convert_element_type3A_431, %cond3A_432 : i32
      scf.if %cond3A_433 {
        %sub3A = arith.constant 4 : i32
        %sub3A_755 = arith.subi %add3A_407, %sub3A : i32
        %mul3A_756 = arith.constant 128 : i32
        %mul3A_757 = arith.muli %sub3A_755, %mul3A_756 : i32
        %dma_wait3A_758 = arith.constant 4 : i32
        %dma_wait3A_759 = arith.constant 0 : i32
        %dma_wait3A_760 = arith.constant 0 : i32
        %dma_wait3A_761 = tpu.memref_slice %arg9[%dma_wait3A_758, %dma_wait3A_759, %dma_wait3A_760] : memref<8x128x16xf32, #tpu.memory_space<vmem>> -> memref<1x128x16xf32, #tpu.memory_space<vmem>>
        %dma_wait3A_762 = tpu.memref_squeeze %dma_wait3A_761 : memref<1x128x16xf32, #tpu.memory_space<vmem>> -> memref<128x16xf32, #tpu.memory_space<vmem>>
        %dma_wait3A_763 = tpu.memref_slice %arg8[%mul3A_757] : memref<10000xi32, #tpu.memory_space<vmem>> -> memref<128xi32, #tpu.memory_space<vmem>>
        %dma_wait3A_764 = arith.constant 0 : i32
        %dma_wait3A_765 = arith.constant 0 : i32
        %dma_wait3A_766 = tpu.memref_slice %arg16[%dma_wait3A_764, %dma_wait3A_765] : memref<10000x16xf32, #tpu.memory_space<vmem_shared>> -> memref<10000x16xf32, #tpu.memory_space<vmem_shared>>
        tpu.wait_indirect_dma semaphore(%arg29 : memref<!tpu.dma_semaphore, #tpu.memory_space<semaphore_mem>>) src(%dma_wait3A_762 : memref<128x16xf32, #tpu.memory_space<vmem>>) dst(%dma_wait3A_766 : memref<10000x16xf32, #tpu.memory_space<vmem_shared>>)
      } else {
      }
      %add3A_434 = arith.constant 4 : i32
      %add3A_435 = arith.addi %add3A_407, %add3A_434 : i32
      %mul3A_436 = arith.constant 128 : i32
      %mul3A_437 = arith.muli %add3A_435, %mul3A_436 : i32
      %dma_start3A_438 = arith.constant 4 : i32
      %dma_start3A_439 = arith.constant 0 : i32
      %dma_start3A_440 = arith.constant 0 : i32
      %dma_start3A_441 = tpu.memref_slice %arg9[%dma_start3A_438, %dma_start3A_439, %dma_start3A_440] : memref<8x128x16xf32, #tpu.memory_space<vmem>> -> memref<1x128x16xf32, #tpu.memory_space<vmem>>
      %dma_start3A_442 = tpu.memref_squeeze %dma_start3A_441 : memref<1x128x16xf32, #tpu.memory_space<vmem>> -> memref<128x16xf32, #tpu.memory_space<vmem>>
      %dma_start3A_443 = tpu.memref_slice %arg7[%mul3A_437] : memref<10000xi32, #tpu.memory_space<vmem>> -> memref<128xi32, #tpu.memory_space<vmem>>
      %dma_start3A_444 = arith.constant 0 : i32
      %dma_start3A_445 = arith.constant 0 : i32
      %dma_start3A_446 = tpu.memref_slice %arg15[%dma_start3A_444, %dma_start3A_445] : memref<10000x16xf32, #tpu.memory_space<vmem_shared>> -> memref<10000x16xf32, #tpu.memory_space<vmem_shared>>
      tpu.enqueue_indirect_dma source(%dma_start3A_446 : memref<10000x16xf32, #tpu.memory_space<vmem_shared>>) target(%dma_start3A_442 : memref<128x16xf32, #tpu.memory_space<vmem>>) offsets(%dma_start3A_443 : memref<128xi32, #tpu.memory_space<vmem>>) semaphore(%arg21 : memref<!tpu.dma_semaphore, #tpu.memory_space<semaphore_mem>>)
      %mul3A_447 = arith.constant 8 : i32
      %mul3A_448 = arith.muli %scan3A_403, %mul3A_447 : i32
      %add3A_449 = arith.constant 1 : i32
      %add3A_450 = arith.addi %mul3A_448, %add3A_449 : i32
      %mul3A_451 = arith.constant 128 : i32
      %mul3A_452 = arith.muli %add3A_450, %mul3A_451 : i32
      %dma_wait3A_453 = arith.constant 1 : i32
      %dma_wait3A_454 = arith.constant 0 : i32
      %dma_wait3A_455 = arith.constant 0 : i32
      %dma_wait3A_456 = tpu.memref_slice %arg9[%dma_wait3A_453, %dma_wait3A_454, %dma_wait3A_455] : memref<8x128x16xf32, #tpu.memory_space<vmem>> -> memref<1x128x16xf32, #tpu.memory_space<vmem>>
      %dma_wait3A_457 = tpu.memref_squeeze %dma_wait3A_456 : memref<1x128x16xf32, #tpu.memory_space<vmem>> -> memref<128x16xf32, #tpu.memory_space<vmem>>
      %dma_wait3A_458 = tpu.memref_slice %arg7[%mul3A_452] : memref<10000xi32, #tpu.memory_space<vmem>> -> memref<128xi32, #tpu.memory_space<vmem>>
      %dma_wait3A_459 = arith.constant 0 : i32
      %dma_wait3A_460 = arith.constant 0 : i32
      %dma_wait3A_461 = tpu.memref_slice %arg15[%dma_wait3A_459, %dma_wait3A_460] : memref<10000x16xf32, #tpu.memory_space<vmem_shared>> -> memref<10000x16xf32, #tpu.memory_space<vmem_shared>>
      tpu.wait_indirect_dma semaphore(%arg18 : memref<!tpu.dma_semaphore, #tpu.memory_space<semaphore_mem>>) src(%dma_wait3A_461 : memref<10000x16xf32, #tpu.memory_space<vmem_shared>>) dst(%dma_wait3A_457 : memref<128x16xf32, #tpu.memory_space<vmem>>)
      %mul3A_462 = arith.constant 128 : i32
      %mul3A_463 = arith.muli %add3A_450, %mul3A_462 : i32
      %dma_start3A_464 = arith.constant 1 : i32
      %dma_start3A_465 = arith.constant 0 : i32
      %dma_start3A_466 = arith.constant 0 : i32
      %dma_start3A_467 = tpu.memref_slice %arg9[%dma_start3A_464, %dma_start3A_465, %dma_start3A_466] : memref<8x128x16xf32, #tpu.memory_space<vmem>> -> memref<1x128x16xf32, #tpu.memory_space<vmem>>
      %dma_start3A_468 = tpu.memref_squeeze %dma_start3A_467 : memref<1x128x16xf32, #tpu.memory_space<vmem>> -> memref<128x16xf32, #tpu.memory_space<vmem>>
      %dma_start3A_469 = tpu.memref_slice %arg8[%mul3A_463] : memref<10000xi32, #tpu.memory_space<vmem>> -> memref<128xi32, #tpu.memory_space<vmem>>
      %dma_start3A_470 = arith.constant 0 : i32
      %dma_start3A_471 = arith.constant 0 : i32
      %dma_start3A_472 = tpu.memref_slice %arg16[%dma_start3A_470, %dma_start3A_471] : memref<10000x16xf32, #tpu.memory_space<vmem_shared>> -> memref<10000x16xf32, #tpu.memory_space<vmem_shared>>
      tpu.enqueue_indirect_dma source(%dma_start3A_468 : memref<128x16xf32, #tpu.memory_space<vmem>>) target(%dma_start3A_472 : memref<10000x16xf32, #tpu.memory_space<vmem_shared>>) offsets(%dma_start3A_469 : memref<128xi32, #tpu.memory_space<vmem>>) semaphore(%arg26 : memref<!tpu.dma_semaphore, #tpu.memory_space<semaphore_mem>>) {add = true}
      %ge3A_473 = arith.constant 4 : i32
      %ge3A_474 = arith.cmpi sge, %add3A_450, %ge3A_473 : i32
      %convert_element_type3A_475 = arith.extui %ge3A_474 : i1 to i32
      %cond3A_476 = arith.constant 0 : i32
      %cond3A_477 = arith.cmpi ne, %convert_element_type3A_475, %cond3A_476 : i32
      scf.if %cond3A_477 {
        %sub3A = arith.constant 4 : i32
        %sub3A_755 = arith.subi %add3A_450, %sub3A : i32
        %mul3A_756 = arith.constant 128 : i32
        %mul3A_757 = arith.muli %sub3A_755, %mul3A_756 : i32
        %dma_wait3A_758 = arith.constant 5 : i32
        %dma_wait3A_759 = arith.constant 0 : i32
        %dma_wait3A_760 = arith.constant 0 : i32
        %dma_wait3A_761 = tpu.memref_slice %arg9[%dma_wait3A_758, %dma_wait3A_759, %dma_wait3A_760] : memref<8x128x16xf32, #tpu.memory_space<vmem>> -> memref<1x128x16xf32, #tpu.memory_space<vmem>>
        %dma_wait3A_762 = tpu.memref_squeeze %dma_wait3A_761 : memref<1x128x16xf32, #tpu.memory_space<vmem>> -> memref<128x16xf32, #tpu.memory_space<vmem>>
        %dma_wait3A_763 = tpu.memref_slice %arg8[%mul3A_757] : memref<10000xi32, #tpu.memory_space<vmem>> -> memref<128xi32, #tpu.memory_space<vmem>>
        %dma_wait3A_764 = arith.constant 0 : i32
        %dma_wait3A_765 = arith.constant 0 : i32
        %dma_wait3A_766 = tpu.memref_slice %arg16[%dma_wait3A_764, %dma_wait3A_765] : memref<10000x16xf32, #tpu.memory_space<vmem_shared>> -> memref<10000x16xf32, #tpu.memory_space<vmem_shared>>
        tpu.wait_indirect_dma semaphore(%arg30 : memref<!tpu.dma_semaphore, #tpu.memory_space<semaphore_mem>>) src(%dma_wait3A_762 : memref<128x16xf32, #tpu.memory_space<vmem>>) dst(%dma_wait3A_766 : memref<10000x16xf32, #tpu.memory_space<vmem_shared>>)
      } else {
      }
      %add3A_478 = arith.constant 4 : i32
      %add3A_479 = arith.addi %add3A_450, %add3A_478 : i32
      %mul3A_480 = arith.constant 128 : i32
      %mul3A_481 = arith.muli %add3A_479, %mul3A_480 : i32
      %dma_start3A_482 = arith.constant 5 : i32
      %dma_start3A_483 = arith.constant 0 : i32
      %dma_start3A_484 = arith.constant 0 : i32
      %dma_start3A_485 = tpu.memref_slice %arg9[%dma_start3A_482, %dma_start3A_483, %dma_start3A_484] : memref<8x128x16xf32, #tpu.memory_space<vmem>> -> memref<1x128x16xf32, #tpu.memory_space<vmem>>
      %dma_start3A_486 = tpu.memref_squeeze %dma_start3A_485 : memref<1x128x16xf32, #tpu.memory_space<vmem>> -> memref<128x16xf32, #tpu.memory_space<vmem>>
      %dma_start3A_487 = tpu.memref_slice %arg7[%mul3A_481] : memref<10000xi32, #tpu.memory_space<vmem>> -> memref<128xi32, #tpu.memory_space<vmem>>
      %dma_start3A_488 = arith.constant 0 : i32
      %dma_start3A_489 = arith.constant 0 : i32
      %dma_start3A_490 = tpu.memref_slice %arg15[%dma_start3A_488, %dma_start3A_489] : memref<10000x16xf32, #tpu.memory_space<vmem_shared>> -> memref<10000x16xf32, #tpu.memory_space<vmem_shared>>
      tpu.enqueue_indirect_dma source(%dma_start3A_490 : memref<10000x16xf32, #tpu.memory_space<vmem_shared>>) target(%dma_start3A_486 : memref<128x16xf32, #tpu.memory_space<vmem>>) offsets(%dma_start3A_487 : memref<128xi32, #tpu.memory_space<vmem>>) semaphore(%arg22 : memref<!tpu.dma_semaphore, #tpu.memory_space<semaphore_mem>>)
      %mul3A_491 = arith.constant 8 : i32
      %mul3A_492 = arith.muli %scan3A_403, %mul3A_491 : i32
      %add3A_493 = arith.constant 2 : i32
      %add3A_494 = arith.addi %mul3A_492, %add3A_493 : i32
      %mul3A_495 = arith.constant 128 : i32
      %mul3A_496 = arith.muli %add3A_494, %mul3A_495 : i32
      %dma_wait3A_497 = arith.constant 2 : i32
      %dma_wait3A_498 = arith.constant 0 : i32
      %dma_wait3A_499 = arith.constant 0 : i32
      %dma_wait3A_500 = tpu.memref_slice %arg9[%dma_wait3A_497, %dma_wait3A_498, %dma_wait3A_499] : memref<8x128x16xf32, #tpu.memory_space<vmem>> -> memref<1x128x16xf32, #tpu.memory_space<vmem>>
      %dma_wait3A_501 = tpu.memref_squeeze %dma_wait3A_500 : memref<1x128x16xf32, #tpu.memory_space<vmem>> -> memref<128x16xf32, #tpu.memory_space<vmem>>
      %dma_wait3A_502 = tpu.memref_slice %arg7[%mul3A_496] : memref<10000xi32, #tpu.memory_space<vmem>> -> memref<128xi32, #tpu.memory_space<vmem>>
      %dma_wait3A_503 = arith.constant 0 : i32
      %dma_wait3A_504 = arith.constant 0 : i32
      %dma_wait3A_505 = tpu.memref_slice %arg15[%dma_wait3A_503, %dma_wait3A_504] : memref<10000x16xf32, #tpu.memory_space<vmem_shared>> -> memref<10000x16xf32, #tpu.memory_space<vmem_shared>>
      tpu.wait_indirect_dma semaphore(%arg19 : memref<!tpu.dma_semaphore, #tpu.memory_space<semaphore_mem>>) src(%dma_wait3A_505 : memref<10000x16xf32, #tpu.memory_space<vmem_shared>>) dst(%dma_wait3A_501 : memref<128x16xf32, #tpu.memory_space<vmem>>)
      %mul3A_506 = arith.constant 128 : i32
      %mul3A_507 = arith.muli %add3A_494, %mul3A_506 : i32
      %dma_start3A_508 = arith.constant 2 : i32
      %dma_start3A_509 = arith.constant 0 : i32
      %dma_start3A_510 = arith.constant 0 : i32
      %dma_start3A_511 = tpu.memref_slice %arg9[%dma_start3A_508, %dma_start3A_509, %dma_start3A_510] : memref<8x128x16xf32, #tpu.memory_space<vmem>> -> memref<1x128x16xf32, #tpu.memory_space<vmem>>
      %dma_start3A_512 = tpu.memref_squeeze %dma_start3A_511 : memref<1x128x16xf32, #tpu.memory_space<vmem>> -> memref<128x16xf32, #tpu.memory_space<vmem>>
      %dma_start3A_513 = tpu.memref_slice %arg8[%mul3A_507] : memref<10000xi32, #tpu.memory_space<vmem>> -> memref<128xi32, #tpu.memory_space<vmem>>
      %dma_start3A_514 = arith.constant 0 : i32
      %dma_start3A_515 = arith.constant 0 : i32
      %dma_start3A_516 = tpu.memref_slice %arg16[%dma_start3A_514, %dma_start3A_515] : memref<10000x16xf32, #tpu.memory_space<vmem_shared>> -> memref<10000x16xf32, #tpu.memory_space<vmem_shared>>
      tpu.enqueue_indirect_dma source(%dma_start3A_512 : memref<128x16xf32, #tpu.memory_space<vmem>>) target(%dma_start3A_516 : memref<10000x16xf32, #tpu.memory_space<vmem_shared>>) offsets(%dma_start3A_513 : memref<128xi32, #tpu.memory_space<vmem>>) semaphore(%arg27 : memref<!tpu.dma_semaphore, #tpu.memory_space<semaphore_mem>>) {add = true}
      %ge3A_517 = arith.constant 4 : i32
      %ge3A_518 = arith.cmpi sge, %add3A_494, %ge3A_517 : i32
      %convert_element_type3A_519 = arith.extui %ge3A_518 : i1 to i32
      %cond3A_520 = arith.constant 0 : i32
      %cond3A_521 = arith.cmpi ne, %convert_element_type3A_519, %cond3A_520 : i32
      scf.if %cond3A_521 {
        %sub3A = arith.constant 4 : i32
        %sub3A_755 = arith.subi %add3A_494, %sub3A : i32
        %mul3A_756 = arith.constant 128 : i32
        %mul3A_757 = arith.muli %sub3A_755, %mul3A_756 : i32
        %dma_wait3A_758 = arith.constant 6 : i32
        %dma_wait3A_759 = arith.constant 0 : i32
        %dma_wait3A_760 = arith.constant 0 : i32
        %dma_wait3A_761 = tpu.memref_slice %arg9[%dma_wait3A_758, %dma_wait3A_759, %dma_wait3A_760] : memref<8x128x16xf32, #tpu.memory_space<vmem>> -> memref<1x128x16xf32, #tpu.memory_space<vmem>>
        %dma_wait3A_762 = tpu.memref_squeeze %dma_wait3A_761 : memref<1x128x16xf32, #tpu.memory_space<vmem>> -> memref<128x16xf32, #tpu.memory_space<vmem>>
        %dma_wait3A_763 = tpu.memref_slice %arg8[%mul3A_757] : memref<10000xi32, #tpu.memory_space<vmem>> -> memref<128xi32, #tpu.memory_space<vmem>>
        %dma_wait3A_764 = arith.constant 0 : i32
        %dma_wait3A_765 = arith.constant 0 : i32
        %dma_wait3A_766 = tpu.memref_slice %arg16[%dma_wait3A_764, %dma_wait3A_765] : memref<10000x16xf32, #tpu.memory_space<vmem_shared>> -> memref<10000x16xf32, #tpu.memory_space<vmem_shared>>
        tpu.wait_indirect_dma semaphore(%arg31 : memref<!tpu.dma_semaphore, #tpu.memory_space<semaphore_mem>>) src(%dma_wait3A_762 : memref<128x16xf32, #tpu.memory_space<vmem>>) dst(%dma_wait3A_766 : memref<10000x16xf32, #tpu.memory_space<vmem_shared>>)
      } else {
      }
      %add3A_522 = arith.constant 4 : i32
      %add3A_523 = arith.addi %add3A_494, %add3A_522 : i32
      %mul3A_524 = arith.constant 128 : i32
      %mul3A_525 = arith.muli %add3A_523, %mul3A_524 : i32
      %dma_start3A_526 = arith.constant 6 : i32
      %dma_start3A_527 = arith.constant 0 : i32
      %dma_start3A_528 = arith.constant 0 : i32
      %dma_start3A_529 = tpu.memref_slice %arg9[%dma_start3A_526, %dma_start3A_527, %dma_start3A_528] : memref<8x128x16xf32, #tpu.memory_space<vmem>> -> memref<1x128x16xf32, #tpu.memory_space<vmem>>
      %dma_start3A_530 = tpu.memref_squeeze %dma_start3A_529 : memref<1x128x16xf32, #tpu.memory_space<vmem>> -> memref<128x16xf32, #tpu.memory_space<vmem>>
      %dma_start3A_531 = tpu.memref_slice %arg7[%mul3A_525] : memref<10000xi32, #tpu.memory_space<vmem>> -> memref<128xi32, #tpu.memory_space<vmem>>
      %dma_start3A_532 = arith.constant 0 : i32
      %dma_start3A_533 = arith.constant 0 : i32
      %dma_start3A_534 = tpu.memref_slice %arg15[%dma_start3A_532, %dma_start3A_533] : memref<10000x16xf32, #tpu.memory_space<vmem_shared>> -> memref<10000x16xf32, #tpu.memory_space<vmem_shared>>
      tpu.enqueue_indirect_dma source(%dma_start3A_534 : memref<10000x16xf32, #tpu.memory_space<vmem_shared>>) target(%dma_start3A_530 : memref<128x16xf32, #tpu.memory_space<vmem>>) offsets(%dma_start3A_531 : memref<128xi32, #tpu.memory_space<vmem>>) semaphore(%arg23 : memref<!tpu.dma_semaphore, #tpu.memory_space<semaphore_mem>>)
      %mul3A_535 = arith.constant 8 : i32
      %mul3A_536 = arith.muli %scan3A_403, %mul3A_535 : i32
      %add3A_537 = arith.constant 3 : i32
      %add3A_538 = arith.addi %mul3A_536, %add3A_537 : i32
      %mul3A_539 = arith.constant 128 : i32
      %mul3A_540 = arith.muli %add3A_538, %mul3A_539 : i32
      %dma_wait3A_541 = arith.constant 3 : i32
      %dma_wait3A_542 = arith.constant 0 : i32
      %dma_wait3A_543 = arith.constant 0 : i32
      %dma_wait3A_544 = tpu.memref_slice %arg9[%dma_wait3A_541, %dma_wait3A_542, %dma_wait3A_543] : memref<8x128x16xf32, #tpu.memory_space<vmem>> -> memref<1x128x16xf32, #tpu.memory_space<vmem>>
      %dma_wait3A_545 = tpu.memref_squeeze %dma_wait3A_544 : memref<1x128x16xf32, #tpu.memory_space<vmem>> -> memref<128x16xf32, #tpu.memory_space<vmem>>
      %dma_wait3A_546 = tpu.memref_slice %arg7[%mul3A_540] : memref<10000xi32, #tpu.memory_space<vmem>> -> memref<128xi32, #tpu.memory_space<vmem>>
      %dma_wait3A_547 = arith.constant 0 : i32
      %dma_wait3A_548 = arith.constant 0 : i32
      %dma_wait3A_549 = tpu.memref_slice %arg15[%dma_wait3A_547, %dma_wait3A_548] : memref<10000x16xf32, #tpu.memory_space<vmem_shared>> -> memref<10000x16xf32, #tpu.memory_space<vmem_shared>>
      tpu.wait_indirect_dma semaphore(%arg20 : memref<!tpu.dma_semaphore, #tpu.memory_space<semaphore_mem>>) src(%dma_wait3A_549 : memref<10000x16xf32, #tpu.memory_space<vmem_shared>>) dst(%dma_wait3A_545 : memref<128x16xf32, #tpu.memory_space<vmem>>)
      %mul3A_550 = arith.constant 128 : i32
      %mul3A_551 = arith.muli %add3A_538, %mul3A_550 : i32
      %dma_start3A_552 = arith.constant 3 : i32
      %dma_start3A_553 = arith.constant 0 : i32
      %dma_start3A_554 = arith.constant 0 : i32
      %dma_start3A_555 = tpu.memref_slice %arg9[%dma_start3A_552, %dma_start3A_553, %dma_start3A_554] : memref<8x128x16xf32, #tpu.memory_space<vmem>> -> memref<1x128x16xf32, #tpu.memory_space<vmem>>
      %dma_start3A_556 = tpu.memref_squeeze %dma_start3A_555 : memref<1x128x16xf32, #tpu.memory_space<vmem>> -> memref<128x16xf32, #tpu.memory_space<vmem>>
      %dma_start3A_557 = tpu.memref_slice %arg8[%mul3A_551] : memref<10000xi32, #tpu.memory_space<vmem>> -> memref<128xi32, #tpu.memory_space<vmem>>
      %dma_start3A_558 = arith.constant 0 : i32
      %dma_start3A_559 = arith.constant 0 : i32
      %dma_start3A_560 = tpu.memref_slice %arg16[%dma_start3A_558, %dma_start3A_559] : memref<10000x16xf32, #tpu.memory_space<vmem_shared>> -> memref<10000x16xf32, #tpu.memory_space<vmem_shared>>
      tpu.enqueue_indirect_dma source(%dma_start3A_556 : memref<128x16xf32, #tpu.memory_space<vmem>>) target(%dma_start3A_560 : memref<10000x16xf32, #tpu.memory_space<vmem_shared>>) offsets(%dma_start3A_557 : memref<128xi32, #tpu.memory_space<vmem>>) semaphore(%arg28 : memref<!tpu.dma_semaphore, #tpu.memory_space<semaphore_mem>>) {add = true}
      %ge3A_561 = arith.constant 4 : i32
      %ge3A_562 = arith.cmpi sge, %add3A_538, %ge3A_561 : i32
      %convert_element_type3A_563 = arith.extui %ge3A_562 : i1 to i32
      %cond3A_564 = arith.constant 0 : i32
      %cond3A_565 = arith.cmpi ne, %convert_element_type3A_563, %cond3A_564 : i32
      scf.if %cond3A_565 {
        %sub3A = arith.constant 4 : i32
        %sub3A_755 = arith.subi %add3A_538, %sub3A : i32
        %mul3A_756 = arith.constant 128 : i32
        %mul3A_757 = arith.muli %sub3A_755, %mul3A_756 : i32
        %dma_wait3A_758 = arith.constant 7 : i32
        %dma_wait3A_759 = arith.constant 0 : i32
        %dma_wait3A_760 = arith.constant 0 : i32
        %dma_wait3A_761 = tpu.memref_slice %arg9[%dma_wait3A_758, %dma_wait3A_759, %dma_wait3A_760] : memref<8x128x16xf32, #tpu.memory_space<vmem>> -> memref<1x128x16xf32, #tpu.memory_space<vmem>>
        %dma_wait3A_762 = tpu.memref_squeeze %dma_wait3A_761 : memref<1x128x16xf32, #tpu.memory_space<vmem>> -> memref<128x16xf32, #tpu.memory_space<vmem>>
        %dma_wait3A_763 = tpu.memref_slice %arg8[%mul3A_757] : memref<10000xi32, #tpu.memory_space<vmem>> -> memref<128xi32, #tpu.memory_space<vmem>>
        %dma_wait3A_764 = arith.constant 0 : i32
        %dma_wait3A_765 = arith.constant 0 : i32
        %dma_wait3A_766 = tpu.memref_slice %arg16[%dma_wait3A_764, %dma_wait3A_765] : memref<10000x16xf32, #tpu.memory_space<vmem_shared>> -> memref<10000x16xf32, #tpu.memory_space<vmem_shared>>
        tpu.wait_indirect_dma semaphore(%arg32 : memref<!tpu.dma_semaphore, #tpu.memory_space<semaphore_mem>>) src(%dma_wait3A_762 : memref<128x16xf32, #tpu.memory_space<vmem>>) dst(%dma_wait3A_766 : memref<10000x16xf32, #tpu.memory_space<vmem_shared>>)
      } else {
      }
      %add3A_566 = arith.constant 4 : i32
      %add3A_567 = arith.addi %add3A_538, %add3A_566 : i32
      %mul3A_568 = arith.constant 128 : i32
      %mul3A_569 = arith.muli %add3A_567, %mul3A_568 : i32
      %dma_start3A_570 = arith.constant 7 : i32
      %dma_start3A_571 = arith.constant 0 : i32
      %dma_start3A_572 = arith.constant 0 : i32
      %dma_start3A_573 = tpu.memref_slice %arg9[%dma_start3A_570, %dma_start3A_571, %dma_start3A_572] : memref<8x128x16xf32, #tpu.memory_space<vmem>> -> memref<1x128x16xf32, #tpu.memory_space<vmem>>
      %dma_start3A_574 = tpu.memref_squeeze %dma_start3A_573 : memref<1x128x16xf32, #tpu.memory_space<vmem>> -> memref<128x16xf32, #tpu.memory_space<vmem>>
      %dma_start3A_575 = tpu.memref_slice %arg7[%mul3A_569] : memref<10000xi32, #tpu.memory_space<vmem>> -> memref<128xi32, #tpu.memory_space<vmem>>
      %dma_start3A_576 = arith.constant 0 : i32
      %dma_start3A_577 = arith.constant 0 : i32
      %dma_start3A_578 = tpu.memref_slice %arg15[%dma_start3A_576, %dma_start3A_577] : memref<10000x16xf32, #tpu.memory_space<vmem_shared>> -> memref<10000x16xf32, #tpu.memory_space<vmem_shared>>
      tpu.enqueue_indirect_dma source(%dma_start3A_578 : memref<10000x16xf32, #tpu.memory_space<vmem_shared>>) target(%dma_start3A_574 : memref<128x16xf32, #tpu.memory_space<vmem>>) offsets(%dma_start3A_575 : memref<128xi32, #tpu.memory_space<vmem>>) semaphore(%arg24 : memref<!tpu.dma_semaphore, #tpu.memory_space<semaphore_mem>>)
      %mul3A_579 = arith.constant 8 : i32
      %mul3A_580 = arith.muli %scan3A_403, %mul3A_579 : i32
      %add3A_581 = arith.constant 4 : i32
      %add3A_582 = arith.addi %mul3A_580, %add3A_581 : i32
      %mul3A_583 = arith.constant 128 : i32
      %mul3A_584 = arith.muli %add3A_582, %mul3A_583 : i32
      %dma_wait3A_585 = arith.constant 4 : i32
      %dma_wait3A_586 = arith.constant 0 : i32
      %dma_wait3A_587 = arith.constant 0 : i32
      %dma_wait3A_588 = tpu.memref_slice %arg9[%dma_wait3A_585, %dma_wait3A_586, %dma_wait3A_587] : memref<8x128x16xf32, #tpu.memory_space<vmem>> -> memref<1x128x16xf32, #tpu.memory_space<vmem>>
      %dma_wait3A_589 = tpu.memref_squeeze %dma_wait3A_588 : memref<1x128x16xf32, #tpu.memory_space<vmem>> -> memref<128x16xf32, #tpu.memory_space<vmem>>
      %dma_wait3A_590 = tpu.memref_slice %arg7[%mul3A_584] : memref<10000xi32, #tpu.memory_space<vmem>> -> memref<128xi32, #tpu.memory_space<vmem>>
      %dma_wait3A_591 = arith.constant 0 : i32
      %dma_wait3A_592 = arith.constant 0 : i32
      %dma_wait3A_593 = tpu.memref_slice %arg15[%dma_wait3A_591, %dma_wait3A_592] : memref<10000x16xf32, #tpu.memory_space<vmem_shared>> -> memref<10000x16xf32, #tpu.memory_space<vmem_shared>>
      tpu.wait_indirect_dma semaphore(%arg21 : memref<!tpu.dma_semaphore, #tpu.memory_space<semaphore_mem>>) src(%dma_wait3A_593 : memref<10000x16xf32, #tpu.memory_space<vmem_shared>>) dst(%dma_wait3A_589 : memref<128x16xf32, #tpu.memory_space<vmem>>)
      %mul3A_594 = arith.constant 128 : i32
      %mul3A_595 = arith.muli %add3A_582, %mul3A_594 : i32
      %dma_start3A_596 = arith.constant 4 : i32
      %dma_start3A_597 = arith.constant 0 : i32
      %dma_start3A_598 = arith.constant 0 : i32
      %dma_start3A_599 = tpu.memref_slice %arg9[%dma_start3A_596, %dma_start3A_597, %dma_start3A_598] : memref<8x128x16xf32, #tpu.memory_space<vmem>> -> memref<1x128x16xf32, #tpu.memory_space<vmem>>
      %dma_start3A_600 = tpu.memref_squeeze %dma_start3A_599 : memref<1x128x16xf32, #tpu.memory_space<vmem>> -> memref<128x16xf32, #tpu.memory_space<vmem>>
      %dma_start3A_601 = tpu.memref_slice %arg8[%mul3A_595] : memref<10000xi32, #tpu.memory_space<vmem>> -> memref<128xi32, #tpu.memory_space<vmem>>
      %dma_start3A_602 = arith.constant 0 : i32
      %dma_start3A_603 = arith.constant 0 : i32
      %dma_start3A_604 = tpu.memref_slice %arg16[%dma_start3A_602, %dma_start3A_603] : memref<10000x16xf32, #tpu.memory_space<vmem_shared>> -> memref<10000x16xf32, #tpu.memory_space<vmem_shared>>
      tpu.enqueue_indirect_dma source(%dma_start3A_600 : memref<128x16xf32, #tpu.memory_space<vmem>>) target(%dma_start3A_604 : memref<10000x16xf32, #tpu.memory_space<vmem_shared>>) offsets(%dma_start3A_601 : memref<128xi32, #tpu.memory_space<vmem>>) semaphore(%arg29 : memref<!tpu.dma_semaphore, #tpu.memory_space<semaphore_mem>>) {add = true}
      %ge3A_605 = arith.constant 4 : i32
      %ge3A_606 = arith.cmpi sge, %add3A_582, %ge3A_605 : i32
      %convert_element_type3A_607 = arith.extui %ge3A_606 : i1 to i32
      %cond3A_608 = arith.constant 0 : i32
      %cond3A_609 = arith.cmpi ne, %convert_element_type3A_607, %cond3A_608 : i32
      scf.if %cond3A_609 {
        %sub3A = arith.constant 4 : i32
        %sub3A_755 = arith.subi %add3A_582, %sub3A : i32
        %mul3A_756 = arith.constant 128 : i32
        %mul3A_757 = arith.muli %sub3A_755, %mul3A_756 : i32
        %dma_wait3A_758 = arith.constant 0 : i32
        %dma_wait3A_759 = arith.constant 0 : i32
        %dma_wait3A_760 = arith.constant 0 : i32
        %dma_wait3A_761 = tpu.memref_slice %arg9[%dma_wait3A_758, %dma_wait3A_759, %dma_wait3A_760] : memref<8x128x16xf32, #tpu.memory_space<vmem>> -> memref<1x128x16xf32, #tpu.memory_space<vmem>>
        %dma_wait3A_762 = tpu.memref_squeeze %dma_wait3A_761 : memref<1x128x16xf32, #tpu.memory_space<vmem>> -> memref<128x16xf32, #tpu.memory_space<vmem>>
        %dma_wait3A_763 = tpu.memref_slice %arg8[%mul3A_757] : memref<10000xi32, #tpu.memory_space<vmem>> -> memref<128xi32, #tpu.memory_space<vmem>>
        %dma_wait3A_764 = arith.constant 0 : i32
        %dma_wait3A_765 = arith.constant 0 : i32
        %dma_wait3A_766 = tpu.memref_slice %arg16[%dma_wait3A_764, %dma_wait3A_765] : memref<10000x16xf32, #tpu.memory_space<vmem_shared>> -> memref<10000x16xf32, #tpu.memory_space<vmem_shared>>
        tpu.wait_indirect_dma semaphore(%arg25 : memref<!tpu.dma_semaphore, #tpu.memory_space<semaphore_mem>>) src(%dma_wait3A_762 : memref<128x16xf32, #tpu.memory_space<vmem>>) dst(%dma_wait3A_766 : memref<10000x16xf32, #tpu.memory_space<vmem_shared>>)
      } else {
      }
      %add3A_610 = arith.constant 4 : i32
      %add3A_611 = arith.addi %add3A_582, %add3A_610 : i32
      %mul3A_612 = arith.constant 128 : i32
      %mul3A_613 = arith.muli %add3A_611, %mul3A_612 : i32
      %dma_start3A_614 = arith.constant 0 : i32
      %dma_start3A_615 = arith.constant 0 : i32
      %dma_start3A_616 = arith.constant 0 : i32
      %dma_start3A_617 = tpu.memref_slice %arg9[%dma_start3A_614, %dma_start3A_615, %dma_start3A_616] : memref<8x128x16xf32, #tpu.memory_space<vmem>> -> memref<1x128x16xf32, #tpu.memory_space<vmem>>
      %dma_start3A_618 = tpu.memref_squeeze %dma_start3A_617 : memref<1x128x16xf32, #tpu.memory_space<vmem>> -> memref<128x16xf32, #tpu.memory_space<vmem>>
      %dma_start3A_619 = tpu.memref_slice %arg7[%mul3A_613] : memref<10000xi32, #tpu.memory_space<vmem>> -> memref<128xi32, #tpu.memory_space<vmem>>
      %dma_start3A_620 = arith.constant 0 : i32
      %dma_start3A_621 = arith.constant 0 : i32
      %dma_start3A_622 = tpu.memref_slice %arg15[%dma_start3A_620, %dma_start3A_621] : memref<10000x16xf32, #tpu.memory_space<vmem_shared>> -> memref<10000x16xf32, #tpu.memory_space<vmem_shared>>
      tpu.enqueue_indirect_dma source(%dma_start3A_622 : memref<10000x16xf32, #tpu.memory_space<vmem_shared>>) target(%dma_start3A_618 : memref<128x16xf32, #tpu.memory_space<vmem>>) offsets(%dma_start3A_619 : memref<128xi32, #tpu.memory_space<vmem>>) semaphore(%arg17 : memref<!tpu.dma_semaphore, #tpu.memory_space<semaphore_mem>>)
      %mul3A_623 = arith.constant 8 : i32
      %mul3A_624 = arith.muli %scan3A_403, %mul3A_623 : i32
      %add3A_625 = arith.constant 5 : i32
      %add3A_626 = arith.addi %mul3A_624, %add3A_625 : i32
      %mul3A_627 = arith.constant 128 : i32
      %mul3A_628 = arith.muli %add3A_626, %mul3A_627 : i32
      %dma_wait3A_629 = arith.constant 5 : i32
      %dma_wait3A_630 = arith.constant 0 : i32
      %dma_wait3A_631 = arith.constant 0 : i32
      %dma_wait3A_632 = tpu.memref_slice %arg9[%dma_wait3A_629, %dma_wait3A_630, %dma_wait3A_631] : memref<8x128x16xf32, #tpu.memory_space<vmem>> -> memref<1x128x16xf32, #tpu.memory_space<vmem>>
      %dma_wait3A_633 = tpu.memref_squeeze %dma_wait3A_632 : memref<1x128x16xf32, #tpu.memory_space<vmem>> -> memref<128x16xf32, #tpu.memory_space<vmem>>
      %dma_wait3A_634 = tpu.memref_slice %arg7[%mul3A_628] : memref<10000xi32, #tpu.memory_space<vmem>> -> memref<128xi32, #tpu.memory_space<vmem>>
      %dma_wait3A_635 = arith.constant 0 : i32
      %dma_wait3A_636 = arith.constant 0 : i32
      %dma_wait3A_637 = tpu.memref_slice %arg15[%dma_wait3A_635, %dma_wait3A_636] : memref<10000x16xf32, #tpu.memory_space<vmem_shared>> -> memref<10000x16xf32, #tpu.memory_space<vmem_shared>>
      tpu.wait_indirect_dma semaphore(%arg22 : memref<!tpu.dma_semaphore, #tpu.memory_space<semaphore_mem>>) src(%dma_wait3A_637 : memref<10000x16xf32, #tpu.memory_space<vmem_shared>>) dst(%dma_wait3A_633 : memref<128x16xf32, #tpu.memory_space<vmem>>)
      %mul3A_638 = arith.constant 128 : i32
      %mul3A_639 = arith.muli %add3A_626, %mul3A_638 : i32
      %dma_start3A_640 = arith.constant 5 : i32
      %dma_start3A_641 = arith.constant 0 : i32
      %dma_start3A_642 = arith.constant 0 : i32
      %dma_start3A_643 = tpu.memref_slice %arg9[%dma_start3A_640, %dma_start3A_641, %dma_start3A_642] : memref<8x128x16xf32, #tpu.memory_space<vmem>> -> memref<1x128x16xf32, #tpu.memory_space<vmem>>
      %dma_start3A_644 = tpu.memref_squeeze %dma_start3A_643 : memref<1x128x16xf32, #tpu.memory_space<vmem>> -> memref<128x16xf32, #tpu.memory_space<vmem>>
      %dma_start3A_645 = tpu.memref_slice %arg8[%mul3A_639] : memref<10000xi32, #tpu.memory_space<vmem>> -> memref<128xi32, #tpu.memory_space<vmem>>
      %dma_start3A_646 = arith.constant 0 : i32
      %dma_start3A_647 = arith.constant 0 : i32
      %dma_start3A_648 = tpu.memref_slice %arg16[%dma_start3A_646, %dma_start3A_647] : memref<10000x16xf32, #tpu.memory_space<vmem_shared>> -> memref<10000x16xf32, #tpu.memory_space<vmem_shared>>
      tpu.enqueue_indirect_dma source(%dma_start3A_644 : memref<128x16xf32, #tpu.memory_space<vmem>>) target(%dma_start3A_648 : memref<10000x16xf32, #tpu.memory_space<vmem_shared>>) offsets(%dma_start3A_645 : memref<128xi32, #tpu.memory_space<vmem>>) semaphore(%arg30 : memref<!tpu.dma_semaphore, #tpu.memory_space<semaphore_mem>>) {add = true}
      %ge3A_649 = arith.constant 4 : i32
      %ge3A_650 = arith.cmpi sge, %add3A_626, %ge3A_649 : i32
      %convert_element_type3A_651 = arith.extui %ge3A_650 : i1 to i32
      %cond3A_652 = arith.constant 0 : i32
      %cond3A_653 = arith.cmpi ne, %convert_element_type3A_651, %cond3A_652 : i32
      scf.if %cond3A_653 {
        %sub3A = arith.constant 4 : i32
        %sub3A_755 = arith.subi %add3A_626, %sub3A : i32
        %mul3A_756 = arith.constant 128 : i32
        %mul3A_757 = arith.muli %sub3A_755, %mul3A_756 : i32
        %dma_wait3A_758 = arith.constant 1 : i32
        %dma_wait3A_759 = arith.constant 0 : i32
        %dma_wait3A_760 = arith.constant 0 : i32
        %dma_wait3A_761 = tpu.memref_slice %arg9[%dma_wait3A_758, %dma_wait3A_759, %dma_wait3A_760] : memref<8x128x16xf32, #tpu.memory_space<vmem>> -> memref<1x128x16xf32, #tpu.memory_space<vmem>>
        %dma_wait3A_762 = tpu.memref_squeeze %dma_wait3A_761 : memref<1x128x16xf32, #tpu.memory_space<vmem>> -> memref<128x16xf32, #tpu.memory_space<vmem>>
        %dma_wait3A_763 = tpu.memref_slice %arg8[%mul3A_757] : memref<10000xi32, #tpu.memory_space<vmem>> -> memref<128xi32, #tpu.memory_space<vmem>>
        %dma_wait3A_764 = arith.constant 0 : i32
        %dma_wait3A_765 = arith.constant 0 : i32
        %dma_wait3A_766 = tpu.memref_slice %arg16[%dma_wait3A_764, %dma_wait3A_765] : memref<10000x16xf32, #tpu.memory_space<vmem_shared>> -> memref<10000x16xf32, #tpu.memory_space<vmem_shared>>
        tpu.wait_indirect_dma semaphore(%arg26 : memref<!tpu.dma_semaphore, #tpu.memory_space<semaphore_mem>>) src(%dma_wait3A_762 : memref<128x16xf32, #tpu.memory_space<vmem>>) dst(%dma_wait3A_766 : memref<10000x16xf32, #tpu.memory_space<vmem_shared>>)
      } else {
      }
      %add3A_654 = arith.constant 4 : i32
      %add3A_655 = arith.addi %add3A_626, %add3A_654 : i32
      %mul3A_656 = arith.constant 128 : i32
      %mul3A_657 = arith.muli %add3A_655, %mul3A_656 : i32
      %dma_start3A_658 = arith.constant 1 : i32
      %dma_start3A_659 = arith.constant 0 : i32
      %dma_start3A_660 = arith.constant 0 : i32
      %dma_start3A_661 = tpu.memref_slice %arg9[%dma_start3A_658, %dma_start3A_659, %dma_start3A_660] : memref<8x128x16xf32, #tpu.memory_space<vmem>> -> memref<1x128x16xf32, #tpu.memory_space<vmem>>
      %dma_start3A_662 = tpu.memref_squeeze %dma_start3A_661 : memref<1x128x16xf32, #tpu.memory_space<vmem>> -> memref<128x16xf32, #tpu.memory_space<vmem>>
      %dma_start3A_663 = tpu.memref_slice %arg7[%mul3A_657] : memref<10000xi32, #tpu.memory_space<vmem>> -> memref<128xi32, #tpu.memory_space<vmem>>
      %dma_start3A_664 = arith.constant 0 : i32
      %dma_start3A_665 = arith.constant 0 : i32
      %dma_start3A_666 = tpu.memref_slice %arg15[%dma_start3A_664, %dma_start3A_665] : memref<10000x16xf32, #tpu.memory_space<vmem_shared>> -> memref<10000x16xf32, #tpu.memory_space<vmem_shared>>
      tpu.enqueue_indirect_dma source(%dma_start3A_666 : memref<10000x16xf32, #tpu.memory_space<vmem_shared>>) target(%dma_start3A_662 : memref<128x16xf32, #tpu.memory_space<vmem>>) offsets(%dma_start3A_663 : memref<128xi32, #tpu.memory_space<vmem>>) semaphore(%arg18 : memref<!tpu.dma_semaphore, #tpu.memory_space<semaphore_mem>>)
      %mul3A_667 = arith.constant 8 : i32
      %mul3A_668 = arith.muli %scan3A_403, %mul3A_667 : i32
      %add3A_669 = arith.constant 6 : i32
      %add3A_670 = arith.addi %mul3A_668, %add3A_669 : i32
      %mul3A_671 = arith.constant 128 : i32
      %mul3A_672 = arith.muli %add3A_670, %mul3A_671 : i32
      %dma_wait3A_673 = arith.constant 6 : i32
      %dma_wait3A_674 = arith.constant 0 : i32
      %dma_wait3A_675 = arith.constant 0 : i32
      %dma_wait3A_676 = tpu.memref_slice %arg9[%dma_wait3A_673, %dma_wait3A_674, %dma_wait3A_675] : memref<8x128x16xf32, #tpu.memory_space<vmem>> -> memref<1x128x16xf32, #tpu.memory_space<vmem>>
      %dma_wait3A_677 = tpu.memref_squeeze %dma_wait3A_676 : memref<1x128x16xf32, #tpu.memory_space<vmem>> -> memref<128x16xf32, #tpu.memory_space<vmem>>
      %dma_wait3A_678 = tpu.memref_slice %arg7[%mul3A_672] : memref<10000xi32, #tpu.memory_space<vmem>> -> memref<128xi32, #tpu.memory_space<vmem>>
      %dma_wait3A_679 = arith.constant 0 : i32
      %dma_wait3A_680 = arith.constant 0 : i32
      %dma_wait3A_681 = tpu.memref_slice %arg15[%dma_wait3A_679, %dma_wait3A_680] : memref<10000x16xf32, #tpu.memory_space<vmem_shared>> -> memref<10000x16xf32, #tpu.memory_space<vmem_shared>>
      tpu.wait_indirect_dma semaphore(%arg23 : memref<!tpu.dma_semaphore, #tpu.memory_space<semaphore_mem>>) src(%dma_wait3A_681 : memref<10000x16xf32, #tpu.memory_space<vmem_shared>>) dst(%dma_wait3A_677 : memref<128x16xf32, #tpu.memory_space<vmem>>)
      %mul3A_682 = arith.constant 128 : i32
      %mul3A_683 = arith.muli %add3A_670, %mul3A_682 : i32
      %dma_start3A_684 = arith.constant 6 : i32
      %dma_start3A_685 = arith.constant 0 : i32
      %dma_start3A_686 = arith.constant 0 : i32
      %dma_start3A_687 = tpu.memref_slice %arg9[%dma_start3A_684, %dma_start3A_685, %dma_start3A_686] : memref<8x128x16xf32, #tpu.memory_space<vmem>> -> memref<1x128x16xf32, #tpu.memory_space<vmem>>
      %dma_start3A_688 = tpu.memref_squeeze %dma_start3A_687 : memref<1x128x16xf32, #tpu.memory_space<vmem>> -> memref<128x16xf32, #tpu.memory_space<vmem>>
      %dma_start3A_689 = tpu.memref_slice %arg8[%mul3A_683] : memref<10000xi32, #tpu.memory_space<vmem>> -> memref<128xi32, #tpu.memory_space<vmem>>
      %dma_start3A_690 = arith.constant 0 : i32
      %dma_start3A_691 = arith.constant 0 : i32
      %dma_start3A_692 = tpu.memref_slice %arg16[%dma_start3A_690, %dma_start3A_691] : memref<10000x16xf32, #tpu.memory_space<vmem_shared>> -> memref<10000x16xf32, #tpu.memory_space<vmem_shared>>
      tpu.enqueue_indirect_dma source(%dma_start3A_688 : memref<128x16xf32, #tpu.memory_space<vmem>>) target(%dma_start3A_692 : memref<10000x16xf32, #tpu.memory_space<vmem_shared>>) offsets(%dma_start3A_689 : memref<128xi32, #tpu.memory_space<vmem>>) semaphore(%arg31 : memref<!tpu.dma_semaphore, #tpu.memory_space<semaphore_mem>>) {add = true}
      %ge3A_693 = arith.constant 4 : i32
      %ge3A_694 = arith.cmpi sge, %add3A_670, %ge3A_693 : i32
      %convert_element_type3A_695 = arith.extui %ge3A_694 : i1 to i32
      %cond3A_696 = arith.constant 0 : i32
      %cond3A_697 = arith.cmpi ne, %convert_element_type3A_695, %cond3A_696 : i32
      scf.if %cond3A_697 {
        %sub3A = arith.constant 4 : i32
        %sub3A_755 = arith.subi %add3A_670, %sub3A : i32
        %mul3A_756 = arith.constant 128 : i32
        %mul3A_757 = arith.muli %sub3A_755, %mul3A_756 : i32
        %dma_wait3A_758 = arith.constant 2 : i32
        %dma_wait3A_759 = arith.constant 0 : i32
        %dma_wait3A_760 = arith.constant 0 : i32
        %dma_wait3A_761 = tpu.memref_slice %arg9[%dma_wait3A_758, %dma_wait3A_759, %dma_wait3A_760] : memref<8x128x16xf32, #tpu.memory_space<vmem>> -> memref<1x128x16xf32, #tpu.memory_space<vmem>>
        %dma_wait3A_762 = tpu.memref_squeeze %dma_wait3A_761 : memref<1x128x16xf32, #tpu.memory_space<vmem>> -> memref<128x16xf32, #tpu.memory_space<vmem>>
        %dma_wait3A_763 = tpu.memref_slice %arg8[%mul3A_757] : memref<10000xi32, #tpu.memory_space<vmem>> -> memref<128xi32, #tpu.memory_space<vmem>>
        %dma_wait3A_764 = arith.constant 0 : i32
        %dma_wait3A_765 = arith.constant 0 : i32
        %dma_wait3A_766 = tpu.memref_slice %arg16[%dma_wait3A_764, %dma_wait3A_765] : memref<10000x16xf32, #tpu.memory_space<vmem_shared>> -> memref<10000x16xf32, #tpu.memory_space<vmem_shared>>
        tpu.wait_indirect_dma semaphore(%arg27 : memref<!tpu.dma_semaphore, #tpu.memory_space<semaphore_mem>>) src(%dma_wait3A_762 : memref<128x16xf32, #tpu.memory_space<vmem>>) dst(%dma_wait3A_766 : memref<10000x16xf32, #tpu.memory_space<vmem_shared>>)
      } else {
      }
      %add3A_698 = arith.constant 4 : i32
      %add3A_699 = arith.addi %add3A_670, %add3A_698 : i32
      %mul3A_700 = arith.constant 128 : i32
      %mul3A_701 = arith.muli %add3A_699, %mul3A_700 : i32
      %dma_start3A_702 = arith.constant 2 : i32
      %dma_start3A_703 = arith.constant 0 : i32
      %dma_start3A_704 = arith.constant 0 : i32
      %dma_start3A_705 = tpu.memref_slice %arg9[%dma_start3A_702, %dma_start3A_703, %dma_start3A_704] : memref<8x128x16xf32, #tpu.memory_space<vmem>> -> memref<1x128x16xf32, #tpu.memory_space<vmem>>
      %dma_start3A_706 = tpu.memref_squeeze %dma_start3A_705 : memref<1x128x16xf32, #tpu.memory_space<vmem>> -> memref<128x16xf32, #tpu.memory_space<vmem>>
      %dma_start3A_707 = tpu.memref_slice %arg7[%mul3A_701] : memref<10000xi32, #tpu.memory_space<vmem>> -> memref<128xi32, #tpu.memory_space<vmem>>
      %dma_start3A_708 = arith.constant 0 : i32
      %dma_start3A_709 = arith.constant 0 : i32
      %dma_start3A_710 = tpu.memref_slice %arg15[%dma_start3A_708, %dma_start3A_709] : memref<10000x16xf32, #tpu.memory_space<vmem_shared>> -> memref<10000x16xf32, #tpu.memory_space<vmem_shared>>
      tpu.enqueue_indirect_dma source(%dma_start3A_710 : memref<10000x16xf32, #tpu.memory_space<vmem_shared>>) target(%dma_start3A_706 : memref<128x16xf32, #tpu.memory_space<vmem>>) offsets(%dma_start3A_707 : memref<128xi32, #tpu.memory_space<vmem>>) semaphore(%arg19 : memref<!tpu.dma_semaphore, #tpu.memory_space<semaphore_mem>>)
      %mul3A_711 = arith.constant 8 : i32
      %mul3A_712 = arith.muli %scan3A_403, %mul3A_711 : i32
      %add3A_713 = arith.constant 7 : i32
      %add3A_714 = arith.addi %mul3A_712, %add3A_713 : i32
      %mul3A_715 = arith.constant 128 : i32
      %mul3A_716 = arith.muli %add3A_714, %mul3A_715 : i32
      %dma_wait3A_717 = arith.constant 7 : i32
      %dma_wait3A_718 = arith.constant 0 : i32
      %dma_wait3A_719 = arith.constant 0 : i32
      %dma_wait3A_720 = tpu.memref_slice %arg9[%dma_wait3A_717, %dma_wait3A_718, %dma_wait3A_719] : memref<8x128x16xf32, #tpu.memory_space<vmem>> -> memref<1x128x16xf32, #tpu.memory_space<vmem>>
      %dma_wait3A_721 = tpu.memref_squeeze %dma_wait3A_720 : memref<1x128x16xf32, #tpu.memory_space<vmem>> -> memref<128x16xf32, #tpu.memory_space<vmem>>
      %dma_wait3A_722 = tpu.memref_slice %arg7[%mul3A_716] : memref<10000xi32, #tpu.memory_space<vmem>> -> memref<128xi32, #tpu.memory_space<vmem>>
      %dma_wait3A_723 = arith.constant 0 : i32
      %dma_wait3A_724 = arith.constant 0 : i32
      %dma_wait3A_725 = tpu.memref_slice %arg15[%dma_wait3A_723, %dma_wait3A_724] : memref<10000x16xf32, #tpu.memory_space<vmem_shared>> -> memref<10000x16xf32, #tpu.memory_space<vmem_shared>>
      tpu.wait_indirect_dma semaphore(%arg24 : memref<!tpu.dma_semaphore, #tpu.memory_space<semaphore_mem>>) src(%dma_wait3A_725 : memref<10000x16xf32, #tpu.memory_space<vmem_shared>>) dst(%dma_wait3A_721 : memref<128x16xf32, #tpu.memory_space<vmem>>)
      %mul3A_726 = arith.constant 128 : i32
      %mul3A_727 = arith.muli %add3A_714, %mul3A_726 : i32
      %dma_start3A_728 = arith.constant 7 : i32
      %dma_start3A_729 = arith.constant 0 : i32
      %dma_start3A_730 = arith.constant 0 : i32
      %dma_start3A_731 = tpu.memref_slice %arg9[%dma_start3A_728, %dma_start3A_729, %dma_start3A_730] : memref<8x128x16xf32, #tpu.memory_space<vmem>> -> memref<1x128x16xf32, #tpu.memory_space<vmem>>
      %dma_start3A_732 = tpu.memref_squeeze %dma_start3A_731 : memref<1x128x16xf32, #tpu.memory_space<vmem>> -> memref<128x16xf32, #tpu.memory_space<vmem>>
      %dma_start3A_733 = tpu.memref_slice %arg8[%mul3A_727] : memref<10000xi32, #tpu.memory_space<vmem>> -> memref<128xi32, #tpu.memory_space<vmem>>
      %dma_start3A_734 = arith.constant 0 : i32
      %dma_start3A_735 = arith.constant 0 : i32
      %dma_start3A_736 = tpu.memref_slice %arg16[%dma_start3A_734, %dma_start3A_735] : memref<10000x16xf32, #tpu.memory_space<vmem_shared>> -> memref<10000x16xf32, #tpu.memory_space<vmem_shared>>
      tpu.enqueue_indirect_dma source(%dma_start3A_732 : memref<128x16xf32, #tpu.memory_space<vmem>>) target(%dma_start3A_736 : memref<10000x16xf32, #tpu.memory_space<vmem_shared>>) offsets(%dma_start3A_733 : memref<128xi32, #tpu.memory_space<vmem>>) semaphore(%arg32 : memref<!tpu.dma_semaphore, #tpu.memory_space<semaphore_mem>>) {add = true}
      %ge3A_737 = arith.constant 4 : i32
      %ge3A_738 = arith.cmpi sge, %add3A_714, %ge3A_737 : i32
      %convert_element_type3A_739 = arith.extui %ge3A_738 : i1 to i32
      %cond3A_740 = arith.constant 0 : i32
      %cond3A_741 = arith.cmpi ne, %convert_element_type3A_739, %cond3A_740 : i32
      scf.if %cond3A_741 {
        %sub3A = arith.constant 4 : i32
        %sub3A_755 = arith.subi %add3A_714, %sub3A : i32
        %mul3A_756 = arith.constant 128 : i32
        %mul3A_757 = arith.muli %sub3A_755, %mul3A_756 : i32
        %dma_wait3A_758 = arith.constant 3 : i32
        %dma_wait3A_759 = arith.constant 0 : i32
        %dma_wait3A_760 = arith.constant 0 : i32
        %dma_wait3A_761 = tpu.memref_slice %arg9[%dma_wait3A_758, %dma_wait3A_759, %dma_wait3A_760] : memref<8x128x16xf32, #tpu.memory_space<vmem>> -> memref<1x128x16xf32, #tpu.memory_space<vmem>>
        %dma_wait3A_762 = tpu.memref_squeeze %dma_wait3A_761 : memref<1x128x16xf32, #tpu.memory_space<vmem>> -> memref<128x16xf32, #tpu.memory_space<vmem>>
        %dma_wait3A_763 = tpu.memref_slice %arg8[%mul3A_757] : memref<10000xi32, #tpu.memory_space<vmem>> -> memref<128xi32, #tpu.memory_space<vmem>>
        %dma_wait3A_764 = arith.constant 0 : i32
        %dma_wait3A_765 = arith.constant 0 : i32
        %dma_wait3A_766 = tpu.memref_slice %arg16[%dma_wait3A_764, %dma_wait3A_765] : memref<10000x16xf32, #tpu.memory_space<vmem_shared>> -> memref<10000x16xf32, #tpu.memory_space<vmem_shared>>
        tpu.wait_indirect_dma semaphore(%arg28 : memref<!tpu.dma_semaphore, #tpu.memory_space<semaphore_mem>>) src(%dma_wait3A_762 : memref<128x16xf32, #tpu.memory_space<vmem>>) dst(%dma_wait3A_766 : memref<10000x16xf32, #tpu.memory_space<vmem_shared>>)
      } else {
      }
      %add3A_742 = arith.constant 4 : i32
      %add3A_743 = arith.addi %add3A_714, %add3A_742 : i32
      %mul3A_744 = arith.constant 128 : i32
      %mul3A_745 = arith.muli %add3A_743, %mul3A_744 : i32
      %dma_start3A_746 = arith.constant 3 : i32
      %dma_start3A_747 = arith.constant 0 : i32
      %dma_start3A_748 = arith.constant 0 : i32
      %dma_start3A_749 = tpu.memref_slice %arg9[%dma_start3A_746, %dma_start3A_747, %dma_start3A_748] : memref<8x128x16xf32, #tpu.memory_space<vmem>> -> memref<1x128x16xf32, #tpu.memory_space<vmem>>
      %dma_start3A_750 = tpu.memref_squeeze %dma_start3A_749 : memref<1x128x16xf32, #tpu.memory_space<vmem>> -> memref<128x16xf32, #tpu.memory_space<vmem>>
      %dma_start3A_751 = tpu.memref_slice %arg7[%mul3A_745] : memref<10000xi32, #tpu.memory_space<vmem>> -> memref<128xi32, #tpu.memory_space<vmem>>
      %dma_start3A_752 = arith.constant 0 : i32
      %dma_start3A_753 = arith.constant 0 : i32
      %dma_start3A_754 = tpu.memref_slice %arg15[%dma_start3A_752, %dma_start3A_753] : memref<10000x16xf32, #tpu.memory_space<vmem_shared>> -> memref<10000x16xf32, #tpu.memory_space<vmem_shared>>
      tpu.enqueue_indirect_dma source(%dma_start3A_754 : memref<10000x16xf32, #tpu.memory_space<vmem_shared>>) target(%dma_start3A_750 : memref<128x16xf32, #tpu.memory_space<vmem>>) offsets(%dma_start3A_751 : memref<128xi32, #tpu.memory_space<vmem>>) semaphore(%arg20 : memref<!tpu.dma_semaphore, #tpu.memory_space<semaphore_mem>>)
    }
    %scan3A_93 = arith.constant 9 : i32
    %dma_wait3A = arith.constant 0 : i32
    %dma_wait3A_94 = arith.constant 0 : i32
    %dma_wait3A_95 = arith.constant 0 : i32
    %dma_wait3A_96 = tpu.memref_slice %arg9[%dma_wait3A, %dma_wait3A_94, %dma_wait3A_95] : memref<8x128x16xf32, #tpu.memory_space<vmem>> -> memref<1x128x16xf32, #tpu.memory_space<vmem>>
    %dma_wait3A_97 = tpu.memref_squeeze %dma_wait3A_96 : memref<1x128x16xf32, #tpu.memory_space<vmem>> -> memref<128x16xf32, #tpu.memory_space<vmem>>
    %dma_wait3A_98 = arith.constant 9216 : i32
    %dma_wait3A_99 = tpu.memref_slice %arg7[%dma_wait3A_98] : memref<10000xi32, #tpu.memory_space<vmem>> -> memref<128xi32, #tpu.memory_space<vmem>>
    %dma_wait3A_100 = arith.constant 0 : i32
    %dma_wait3A_101 = arith.constant 0 : i32
    %dma_wait3A_102 = tpu.memref_slice %arg15[%dma_wait3A_100, %dma_wait3A_101] : memref<10000x16xf32, #tpu.memory_space<vmem_shared>> -> memref<10000x16xf32, #tpu.memory_space<vmem_shared>>
    tpu.wait_indirect_dma semaphore(%arg17 : memref<!tpu.dma_semaphore, #tpu.memory_space<semaphore_mem>>) src(%dma_wait3A_102 : memref<10000x16xf32, #tpu.memory_space<vmem_shared>>) dst(%dma_wait3A_97 : memref<128x16xf32, #tpu.memory_space<vmem>>)
    %dma_start3A_103 = arith.constant 0 : i32
    %dma_start3A_104 = arith.constant 0 : i32
    %dma_start3A_105 = arith.constant 0 : i32
    %dma_start3A_106 = tpu.memref_slice %arg9[%dma_start3A_103, %dma_start3A_104, %dma_start3A_105] : memref<8x128x16xf32, #tpu.memory_space<vmem>> -> memref<1x128x16xf32, #tpu.memory_space<vmem>>
    %dma_start3A_107 = tpu.memref_squeeze %dma_start3A_106 : memref<1x128x16xf32, #tpu.memory_space<vmem>> -> memref<128x16xf32, #tpu.memory_space<vmem>>
    %dma_start3A_108 = arith.constant 9216 : i32
    %dma_start3A_109 = tpu.memref_slice %arg8[%dma_start3A_108] : memref<10000xi32, #tpu.memory_space<vmem>> -> memref<128xi32, #tpu.memory_space<vmem>>
    %dma_start3A_110 = arith.constant 0 : i32
    %dma_start3A_111 = arith.constant 0 : i32
    %dma_start3A_112 = tpu.memref_slice %arg16[%dma_start3A_110, %dma_start3A_111] : memref<10000x16xf32, #tpu.memory_space<vmem_shared>> -> memref<10000x16xf32, #tpu.memory_space<vmem_shared>>
    tpu.enqueue_indirect_dma source(%dma_start3A_107 : memref<128x16xf32, #tpu.memory_space<vmem>>) target(%dma_start3A_112 : memref<10000x16xf32, #tpu.memory_space<vmem_shared>>) offsets(%dma_start3A_109 : memref<128xi32, #tpu.memory_space<vmem>>) semaphore(%arg25 : memref<!tpu.dma_semaphore, #tpu.memory_space<semaphore_mem>>) {add = true}
    %dma_wait3A_113 = arith.constant 4 : i32
    %dma_wait3A_114 = arith.constant 0 : i32
    %dma_wait3A_115 = arith.constant 0 : i32
    %dma_wait3A_116 = tpu.memref_slice %arg9[%dma_wait3A_113, %dma_wait3A_114, %dma_wait3A_115] : memref<8x128x16xf32, #tpu.memory_space<vmem>> -> memref<1x128x16xf32, #tpu.memory_space<vmem>>
    %dma_wait3A_117 = tpu.memref_squeeze %dma_wait3A_116 : memref<1x128x16xf32, #tpu.memory_space<vmem>> -> memref<128x16xf32, #tpu.memory_space<vmem>>
    %dma_wait3A_118 = arith.constant 8704 : i32
    %dma_wait3A_119 = tpu.memref_slice %arg8[%dma_wait3A_118] : memref<10000xi32, #tpu.memory_space<vmem>> -> memref<128xi32, #tpu.memory_space<vmem>>
    %dma_wait3A_120 = arith.constant 0 : i32
    %dma_wait3A_121 = arith.constant 0 : i32
    %dma_wait3A_122 = tpu.memref_slice %arg16[%dma_wait3A_120, %dma_wait3A_121] : memref<10000x16xf32, #tpu.memory_space<vmem_shared>> -> memref<10000x16xf32, #tpu.memory_space<vmem_shared>>
    tpu.wait_indirect_dma semaphore(%arg29 : memref<!tpu.dma_semaphore, #tpu.memory_space<semaphore_mem>>) src(%dma_wait3A_117 : memref<128x16xf32, #tpu.memory_space<vmem>>) dst(%dma_wait3A_122 : memref<10000x16xf32, #tpu.memory_space<vmem_shared>>)
    %dma_start3A_123 = arith.constant 4 : i32
    %dma_start3A_124 = arith.constant 0 : i32
    %dma_start3A_125 = arith.constant 0 : i32
    %dma_start3A_126 = tpu.memref_slice %arg9[%dma_start3A_123, %dma_start3A_124, %dma_start3A_125] : memref<8x128x16xf32, #tpu.memory_space<vmem>> -> memref<1x128x16xf32, #tpu.memory_space<vmem>>
    %dma_start3A_127 = tpu.memref_squeeze %dma_start3A_126 : memref<1x128x16xf32, #tpu.memory_space<vmem>> -> memref<128x16xf32, #tpu.memory_space<vmem>>
    %dma_start3A_128 = arith.constant 9728 : i32
    %dma_start3A_129 = tpu.memref_slice %arg7[%dma_start3A_128] : memref<10000xi32, #tpu.memory_space<vmem>> -> memref<128xi32, #tpu.memory_space<vmem>>
    %dma_start3A_130 = arith.constant 0 : i32
    %dma_start3A_131 = arith.constant 0 : i32
    %dma_start3A_132 = tpu.memref_slice %arg15[%dma_start3A_130, %dma_start3A_131] : memref<10000x16xf32, #tpu.memory_space<vmem_shared>> -> memref<10000x16xf32, #tpu.memory_space<vmem_shared>>
    tpu.enqueue_indirect_dma source(%dma_start3A_132 : memref<10000x16xf32, #tpu.memory_space<vmem_shared>>) target(%dma_start3A_127 : memref<128x16xf32, #tpu.memory_space<vmem>>) offsets(%dma_start3A_129 : memref<128xi32, #tpu.memory_space<vmem>>) semaphore(%arg21 : memref<!tpu.dma_semaphore, #tpu.memory_space<semaphore_mem>>)
    %dma_wait3A_133 = arith.constant 1 : i32
    %dma_wait3A_134 = arith.constant 0 : i32
    %dma_wait3A_135 = arith.constant 0 : i32
    %dma_wait3A_136 = tpu.memref_slice %arg9[%dma_wait3A_133, %dma_wait3A_134, %dma_wait3A_135] : memref<8x128x16xf32, #tpu.memory_space<vmem>> -> memref<1x128x16xf32, #tpu.memory_space<vmem>>
    %dma_wait3A_137 = tpu.memref_squeeze %dma_wait3A_136 : memref<1x128x16xf32, #tpu.memory_space<vmem>> -> memref<128x16xf32, #tpu.memory_space<vmem>>
    %dma_wait3A_138 = arith.constant 9344 : i32
    %dma_wait3A_139 = tpu.memref_slice %arg7[%dma_wait3A_138] : memref<10000xi32, #tpu.memory_space<vmem>> -> memref<128xi32, #tpu.memory_space<vmem>>
    %dma_wait3A_140 = arith.constant 0 : i32
    %dma_wait3A_141 = arith.constant 0 : i32
    %dma_wait3A_142 = tpu.memref_slice %arg15[%dma_wait3A_140, %dma_wait3A_141] : memref<10000x16xf32, #tpu.memory_space<vmem_shared>> -> memref<10000x16xf32, #tpu.memory_space<vmem_shared>>
    tpu.wait_indirect_dma semaphore(%arg18 : memref<!tpu.dma_semaphore, #tpu.memory_space<semaphore_mem>>) src(%dma_wait3A_142 : memref<10000x16xf32, #tpu.memory_space<vmem_shared>>) dst(%dma_wait3A_137 : memref<128x16xf32, #tpu.memory_space<vmem>>)
    %dma_start3A_143 = arith.constant 1 : i32
    %dma_start3A_144 = arith.constant 0 : i32
    %dma_start3A_145 = arith.constant 0 : i32
    %dma_start3A_146 = tpu.memref_slice %arg9[%dma_start3A_143, %dma_start3A_144, %dma_start3A_145] : memref<8x128x16xf32, #tpu.memory_space<vmem>> -> memref<1x128x16xf32, #tpu.memory_space<vmem>>
    %dma_start3A_147 = tpu.memref_squeeze %dma_start3A_146 : memref<1x128x16xf32, #tpu.memory_space<vmem>> -> memref<128x16xf32, #tpu.memory_space<vmem>>
    %dma_start3A_148 = arith.constant 9344 : i32
    %dma_start3A_149 = tpu.memref_slice %arg8[%dma_start3A_148] : memref<10000xi32, #tpu.memory_space<vmem>> -> memref<128xi32, #tpu.memory_space<vmem>>
    %dma_start3A_150 = arith.constant 0 : i32
    %dma_start3A_151 = arith.constant 0 : i32
    %dma_start3A_152 = tpu.memref_slice %arg16[%dma_start3A_150, %dma_start3A_151] : memref<10000x16xf32, #tpu.memory_space<vmem_shared>> -> memref<10000x16xf32, #tpu.memory_space<vmem_shared>>
    tpu.enqueue_indirect_dma source(%dma_start3A_147 : memref<128x16xf32, #tpu.memory_space<vmem>>) target(%dma_start3A_152 : memref<10000x16xf32, #tpu.memory_space<vmem_shared>>) offsets(%dma_start3A_149 : memref<128xi32, #tpu.memory_space<vmem>>) semaphore(%arg26 : memref<!tpu.dma_semaphore, #tpu.memory_space<semaphore_mem>>) {add = true}
    %dma_wait3A_153 = arith.constant 5 : i32
    %dma_wait3A_154 = arith.constant 0 : i32
    %dma_wait3A_155 = arith.constant 0 : i32
    %dma_wait3A_156 = tpu.memref_slice %arg9[%dma_wait3A_153, %dma_wait3A_154, %dma_wait3A_155] : memref<8x128x16xf32, #tpu.memory_space<vmem>> -> memref<1x128x16xf32, #tpu.memory_space<vmem>>
    %dma_wait3A_157 = tpu.memref_squeeze %dma_wait3A_156 : memref<1x128x16xf32, #tpu.memory_space<vmem>> -> memref<128x16xf32, #tpu.memory_space<vmem>>
    %dma_wait3A_158 = arith.constant 8832 : i32
    %dma_wait3A_159 = tpu.memref_slice %arg8[%dma_wait3A_158] : memref<10000xi32, #tpu.memory_space<vmem>> -> memref<128xi32, #tpu.memory_space<vmem>>
    %dma_wait3A_160 = arith.constant 0 : i32
    %dma_wait3A_161 = arith.constant 0 : i32
    %dma_wait3A_162 = tpu.memref_slice %arg16[%dma_wait3A_160, %dma_wait3A_161] : memref<10000x16xf32, #tpu.memory_space<vmem_shared>> -> memref<10000x16xf32, #tpu.memory_space<vmem_shared>>
    tpu.wait_indirect_dma semaphore(%arg30 : memref<!tpu.dma_semaphore, #tpu.memory_space<semaphore_mem>>) src(%dma_wait3A_157 : memref<128x16xf32, #tpu.memory_space<vmem>>) dst(%dma_wait3A_162 : memref<10000x16xf32, #tpu.memory_space<vmem_shared>>)
    %dma_start3A_163 = arith.constant 5 : i32
    %dma_start3A_164 = arith.constant 0 : i32
    %dma_start3A_165 = arith.constant 0 : i32
    %dma_start3A_166 = tpu.memref_slice %arg9[%dma_start3A_163, %dma_start3A_164, %dma_start3A_165] : memref<8x128x16xf32, #tpu.memory_space<vmem>> -> memref<1x128x16xf32, #tpu.memory_space<vmem>>
    %dma_start3A_167 = tpu.memref_squeeze %dma_start3A_166 : memref<1x128x16xf32, #tpu.memory_space<vmem>> -> memref<128x16xf32, #tpu.memory_space<vmem>>
    %dma_start3A_168 = arith.constant 9856 : i32
    %dma_start3A_169 = tpu.memref_slice %arg7[%dma_start3A_168] : memref<10000xi32, #tpu.memory_space<vmem>> -> memref<128xi32, #tpu.memory_space<vmem>>
    %dma_start3A_170 = arith.constant 0 : i32
    %dma_start3A_171 = arith.constant 0 : i32
    %dma_start3A_172 = tpu.memref_slice %arg15[%dma_start3A_170, %dma_start3A_171] : memref<10000x16xf32, #tpu.memory_space<vmem_shared>> -> memref<10000x16xf32, #tpu.memory_space<vmem_shared>>
    tpu.enqueue_indirect_dma source(%dma_start3A_172 : memref<10000x16xf32, #tpu.memory_space<vmem_shared>>) target(%dma_start3A_167 : memref<128x16xf32, #tpu.memory_space<vmem>>) offsets(%dma_start3A_169 : memref<128xi32, #tpu.memory_space<vmem>>) semaphore(%arg22 : memref<!tpu.dma_semaphore, #tpu.memory_space<semaphore_mem>>)
    %dma_wait3A_173 = arith.constant 2 : i32
    %dma_wait3A_174 = arith.constant 0 : i32
    %dma_wait3A_175 = arith.constant 0 : i32
    %dma_wait3A_176 = tpu.memref_slice %arg9[%dma_wait3A_173, %dma_wait3A_174, %dma_wait3A_175] : memref<8x128x16xf32, #tpu.memory_space<vmem>> -> memref<1x128x16xf32, #tpu.memory_space<vmem>>
    %dma_wait3A_177 = tpu.memref_squeeze %dma_wait3A_176 : memref<1x128x16xf32, #tpu.memory_space<vmem>> -> memref<128x16xf32, #tpu.memory_space<vmem>>
    %dma_wait3A_178 = arith.constant 9472 : i32
    %dma_wait3A_179 = tpu.memref_slice %arg7[%dma_wait3A_178] : memref<10000xi32, #tpu.memory_space<vmem>> -> memref<128xi32, #tpu.memory_space<vmem>>
    %dma_wait3A_180 = arith.constant 0 : i32
    %dma_wait3A_181 = arith.constant 0 : i32
    %dma_wait3A_182 = tpu.memref_slice %arg15[%dma_wait3A_180, %dma_wait3A_181] : memref<10000x16xf32, #tpu.memory_space<vmem_shared>> -> memref<10000x16xf32, #tpu.memory_space<vmem_shared>>
    tpu.wait_indirect_dma semaphore(%arg19 : memref<!tpu.dma_semaphore, #tpu.memory_space<semaphore_mem>>) src(%dma_wait3A_182 : memref<10000x16xf32, #tpu.memory_space<vmem_shared>>) dst(%dma_wait3A_177 : memref<128x16xf32, #tpu.memory_space<vmem>>)
    %dma_start3A_183 = arith.constant 2 : i32
    %dma_start3A_184 = arith.constant 0 : i32
    %dma_start3A_185 = arith.constant 0 : i32
    %dma_start3A_186 = tpu.memref_slice %arg9[%dma_start3A_183, %dma_start3A_184, %dma_start3A_185] : memref<8x128x16xf32, #tpu.memory_space<vmem>> -> memref<1x128x16xf32, #tpu.memory_space<vmem>>
    %dma_start3A_187 = tpu.memref_squeeze %dma_start3A_186 : memref<1x128x16xf32, #tpu.memory_space<vmem>> -> memref<128x16xf32, #tpu.memory_space<vmem>>
    %dma_start3A_188 = arith.constant 9472 : i32
    %dma_start3A_189 = tpu.memref_slice %arg8[%dma_start3A_188] : memref<10000xi32, #tpu.memory_space<vmem>> -> memref<128xi32, #tpu.memory_space<vmem>>
    %dma_start3A_190 = arith.constant 0 : i32
    %dma_start3A_191 = arith.constant 0 : i32
    %dma_start3A_192 = tpu.memref_slice %arg16[%dma_start3A_190, %dma_start3A_191] : memref<10000x16xf32, #tpu.memory_space<vmem_shared>> -> memref<10000x16xf32, #tpu.memory_space<vmem_shared>>
    tpu.enqueue_indirect_dma source(%dma_start3A_187 : memref<128x16xf32, #tpu.memory_space<vmem>>) target(%dma_start3A_192 : memref<10000x16xf32, #tpu.memory_space<vmem_shared>>) offsets(%dma_start3A_189 : memref<128xi32, #tpu.memory_space<vmem>>) semaphore(%arg27 : memref<!tpu.dma_semaphore, #tpu.memory_space<semaphore_mem>>) {add = true}
    %dma_wait3A_193 = arith.constant 6 : i32
    %dma_wait3A_194 = arith.constant 0 : i32
    %dma_wait3A_195 = arith.constant 0 : i32
    %dma_wait3A_196 = tpu.memref_slice %arg9[%dma_wait3A_193, %dma_wait3A_194, %dma_wait3A_195] : memref<8x128x16xf32, #tpu.memory_space<vmem>> -> memref<1x128x16xf32, #tpu.memory_space<vmem>>
    %dma_wait3A_197 = tpu.memref_squeeze %dma_wait3A_196 : memref<1x128x16xf32, #tpu.memory_space<vmem>> -> memref<128x16xf32, #tpu.memory_space<vmem>>
    %dma_wait3A_198 = arith.constant 8960 : i32
    %dma_wait3A_199 = tpu.memref_slice %arg8[%dma_wait3A_198] : memref<10000xi32, #tpu.memory_space<vmem>> -> memref<128xi32, #tpu.memory_space<vmem>>
    %dma_wait3A_200 = arith.constant 0 : i32
    %dma_wait3A_201 = arith.constant 0 : i32
    %dma_wait3A_202 = tpu.memref_slice %arg16[%dma_wait3A_200, %dma_wait3A_201] : memref<10000x16xf32, #tpu.memory_space<vmem_shared>> -> memref<10000x16xf32, #tpu.memory_space<vmem_shared>>
    tpu.wait_indirect_dma semaphore(%arg31 : memref<!tpu.dma_semaphore, #tpu.memory_space<semaphore_mem>>) src(%dma_wait3A_197 : memref<128x16xf32, #tpu.memory_space<vmem>>) dst(%dma_wait3A_202 : memref<10000x16xf32, #tpu.memory_space<vmem_shared>>)
    %dma_wait3A_203 = arith.constant 3 : i32
    %dma_wait3A_204 = arith.constant 0 : i32
    %dma_wait3A_205 = arith.constant 0 : i32
    %dma_wait3A_206 = tpu.memref_slice %arg9[%dma_wait3A_203, %dma_wait3A_204, %dma_wait3A_205] : memref<8x128x16xf32, #tpu.memory_space<vmem>> -> memref<1x128x16xf32, #tpu.memory_space<vmem>>
    %dma_wait3A_207 = tpu.memref_squeeze %dma_wait3A_206 : memref<1x128x16xf32, #tpu.memory_space<vmem>> -> memref<128x16xf32, #tpu.memory_space<vmem>>
    %dma_wait3A_208 = arith.constant 9600 : i32
    %dma_wait3A_209 = tpu.memref_slice %arg7[%dma_wait3A_208] : memref<10000xi32, #tpu.memory_space<vmem>> -> memref<128xi32, #tpu.memory_space<vmem>>
    %dma_wait3A_210 = arith.constant 0 : i32
    %dma_wait3A_211 = arith.constant 0 : i32
    %dma_wait3A_212 = tpu.memref_slice %arg15[%dma_wait3A_210, %dma_wait3A_211] : memref<10000x16xf32, #tpu.memory_space<vmem_shared>> -> memref<10000x16xf32, #tpu.memory_space<vmem_shared>>
    tpu.wait_indirect_dma semaphore(%arg20 : memref<!tpu.dma_semaphore, #tpu.memory_space<semaphore_mem>>) src(%dma_wait3A_212 : memref<10000x16xf32, #tpu.memory_space<vmem_shared>>) dst(%dma_wait3A_207 : memref<128x16xf32, #tpu.memory_space<vmem>>)
    %dma_start3A_213 = arith.constant 3 : i32
    %dma_start3A_214 = arith.constant 0 : i32
    %dma_start3A_215 = arith.constant 0 : i32
    %dma_start3A_216 = tpu.memref_slice %arg9[%dma_start3A_213, %dma_start3A_214, %dma_start3A_215] : memref<8x128x16xf32, #tpu.memory_space<vmem>> -> memref<1x128x16xf32, #tpu.memory_space<vmem>>
    %dma_start3A_217 = tpu.memref_squeeze %dma_start3A_216 : memref<1x128x16xf32, #tpu.memory_space<vmem>> -> memref<128x16xf32, #tpu.memory_space<vmem>>
    %dma_start3A_218 = arith.constant 9600 : i32
    %dma_start3A_219 = tpu.memref_slice %arg8[%dma_start3A_218] : memref<10000xi32, #tpu.memory_space<vmem>> -> memref<128xi32, #tpu.memory_space<vmem>>
    %dma_start3A_220 = arith.constant 0 : i32
    %dma_start3A_221 = arith.constant 0 : i32
    %dma_start3A_222 = tpu.memref_slice %arg16[%dma_start3A_220, %dma_start3A_221] : memref<10000x16xf32, #tpu.memory_space<vmem_shared>> -> memref<10000x16xf32, #tpu.memory_space<vmem_shared>>
    tpu.enqueue_indirect_dma source(%dma_start3A_217 : memref<128x16xf32, #tpu.memory_space<vmem>>) target(%dma_start3A_222 : memref<10000x16xf32, #tpu.memory_space<vmem_shared>>) offsets(%dma_start3A_219 : memref<128xi32, #tpu.memory_space<vmem>>) semaphore(%arg28 : memref<!tpu.dma_semaphore, #tpu.memory_space<semaphore_mem>>) {add = true}
    %dma_wait3A_223 = arith.constant 7 : i32
    %dma_wait3A_224 = arith.constant 0 : i32
    %dma_wait3A_225 = arith.constant 0 : i32
    %dma_wait3A_226 = tpu.memref_slice %arg9[%dma_wait3A_223, %dma_wait3A_224, %dma_wait3A_225] : memref<8x128x16xf32, #tpu.memory_space<vmem>> -> memref<1x128x16xf32, #tpu.memory_space<vmem>>
    %dma_wait3A_227 = tpu.memref_squeeze %dma_wait3A_226 : memref<1x128x16xf32, #tpu.memory_space<vmem>> -> memref<128x16xf32, #tpu.memory_space<vmem>>
    %dma_wait3A_228 = arith.constant 9088 : i32
    %dma_wait3A_229 = tpu.memref_slice %arg8[%dma_wait3A_228] : memref<10000xi32, #tpu.memory_space<vmem>> -> memref<128xi32, #tpu.memory_space<vmem>>
    %dma_wait3A_230 = arith.constant 0 : i32
    %dma_wait3A_231 = arith.constant 0 : i32
    %dma_wait3A_232 = tpu.memref_slice %arg16[%dma_wait3A_230, %dma_wait3A_231] : memref<10000x16xf32, #tpu.memory_space<vmem_shared>> -> memref<10000x16xf32, #tpu.memory_space<vmem_shared>>
    tpu.wait_indirect_dma semaphore(%arg32 : memref<!tpu.dma_semaphore, #tpu.memory_space<semaphore_mem>>) src(%dma_wait3A_227 : memref<128x16xf32, #tpu.memory_space<vmem>>) dst(%dma_wait3A_232 : memref<10000x16xf32, #tpu.memory_space<vmem_shared>>)
    %dma_wait3A_233 = arith.constant 4 : i32
    %dma_wait3A_234 = arith.constant 0 : i32
    %dma_wait3A_235 = arith.constant 0 : i32
    %dma_wait3A_236 = tpu.memref_slice %arg9[%dma_wait3A_233, %dma_wait3A_234, %dma_wait3A_235] : memref<8x128x16xf32, #tpu.memory_space<vmem>> -> memref<1x128x16xf32, #tpu.memory_space<vmem>>
    %dma_wait3A_237 = tpu.memref_squeeze %dma_wait3A_236 : memref<1x128x16xf32, #tpu.memory_space<vmem>> -> memref<128x16xf32, #tpu.memory_space<vmem>>
    %dma_wait3A_238 = arith.constant 9728 : i32
    %dma_wait3A_239 = tpu.memref_slice %arg7[%dma_wait3A_238] : memref<10000xi32, #tpu.memory_space<vmem>> -> memref<128xi32, #tpu.memory_space<vmem>>
    %dma_wait3A_240 = arith.constant 0 : i32
    %dma_wait3A_241 = arith.constant 0 : i32
    %dma_wait3A_242 = tpu.memref_slice %arg15[%dma_wait3A_240, %dma_wait3A_241] : memref<10000x16xf32, #tpu.memory_space<vmem_shared>> -> memref<10000x16xf32, #tpu.memory_space<vmem_shared>>
    tpu.wait_indirect_dma semaphore(%arg21 : memref<!tpu.dma_semaphore, #tpu.memory_space<semaphore_mem>>) src(%dma_wait3A_242 : memref<10000x16xf32, #tpu.memory_space<vmem_shared>>) dst(%dma_wait3A_237 : memref<128x16xf32, #tpu.memory_space<vmem>>)
    %dma_start3A_243 = arith.constant 4 : i32
    %dma_start3A_244 = arith.constant 0 : i32
    %dma_start3A_245 = arith.constant 0 : i32
    %dma_start3A_246 = tpu.memref_slice %arg9[%dma_start3A_243, %dma_start3A_244, %dma_start3A_245] : memref<8x128x16xf32, #tpu.memory_space<vmem>> -> memref<1x128x16xf32, #tpu.memory_space<vmem>>
    %dma_start3A_247 = tpu.memref_squeeze %dma_start3A_246 : memref<1x128x16xf32, #tpu.memory_space<vmem>> -> memref<128x16xf32, #tpu.memory_space<vmem>>
    %dma_start3A_248 = arith.constant 9728 : i32
    %dma_start3A_249 = tpu.memref_slice %arg8[%dma_start3A_248] : memref<10000xi32, #tpu.memory_space<vmem>> -> memref<128xi32, #tpu.memory_space<vmem>>
    %dma_start3A_250 = arith.constant 0 : i32
    %dma_start3A_251 = arith.constant 0 : i32
    %dma_start3A_252 = tpu.memref_slice %arg16[%dma_start3A_250, %dma_start3A_251] : memref<10000x16xf32, #tpu.memory_space<vmem_shared>> -> memref<10000x16xf32, #tpu.memory_space<vmem_shared>>
    tpu.enqueue_indirect_dma source(%dma_start3A_247 : memref<128x16xf32, #tpu.memory_space<vmem>>) target(%dma_start3A_252 : memref<10000x16xf32, #tpu.memory_space<vmem_shared>>) offsets(%dma_start3A_249 : memref<128xi32, #tpu.memory_space<vmem>>) semaphore(%arg29 : memref<!tpu.dma_semaphore, #tpu.memory_space<semaphore_mem>>) {add = true}
    %dma_wait3A_253 = arith.constant 0 : i32
    %dma_wait3A_254 = arith.constant 0 : i32
    %dma_wait3A_255 = arith.constant 0 : i32
    %dma_wait3A_256 = tpu.memref_slice %arg9[%dma_wait3A_253, %dma_wait3A_254, %dma_wait3A_255] : memref<8x128x16xf32, #tpu.memory_space<vmem>> -> memref<1x128x16xf32, #tpu.memory_space<vmem>>
    %dma_wait3A_257 = tpu.memref_squeeze %dma_wait3A_256 : memref<1x128x16xf32, #tpu.memory_space<vmem>> -> memref<128x16xf32, #tpu.memory_space<vmem>>
    %dma_wait3A_258 = arith.constant 9216 : i32
    %dma_wait3A_259 = tpu.memref_slice %arg8[%dma_wait3A_258] : memref<10000xi32, #tpu.memory_space<vmem>> -> memref<128xi32, #tpu.memory_space<vmem>>
    %dma_wait3A_260 = arith.constant 0 : i32
    %dma_wait3A_261 = arith.constant 0 : i32
    %dma_wait3A_262 = tpu.memref_slice %arg16[%dma_wait3A_260, %dma_wait3A_261] : memref<10000x16xf32, #tpu.memory_space<vmem_shared>> -> memref<10000x16xf32, #tpu.memory_space<vmem_shared>>
    tpu.wait_indirect_dma semaphore(%arg25 : memref<!tpu.dma_semaphore, #tpu.memory_space<semaphore_mem>>) src(%dma_wait3A_257 : memref<128x16xf32, #tpu.memory_space<vmem>>) dst(%dma_wait3A_262 : memref<10000x16xf32, #tpu.memory_space<vmem_shared>>)
    %dma_wait3A_263 = arith.constant 5 : i32
    %dma_wait3A_264 = arith.constant 0 : i32
    %dma_wait3A_265 = arith.constant 0 : i32
    %dma_wait3A_266 = tpu.memref_slice %arg9[%dma_wait3A_263, %dma_wait3A_264, %dma_wait3A_265] : memref<8x128x16xf32, #tpu.memory_space<vmem>> -> memref<1x128x16xf32, #tpu.memory_space<vmem>>
    %dma_wait3A_267 = tpu.memref_squeeze %dma_wait3A_266 : memref<1x128x16xf32, #tpu.memory_space<vmem>> -> memref<128x16xf32, #tpu.memory_space<vmem>>
    %dma_wait3A_268 = arith.constant 9856 : i32
    %dma_wait3A_269 = tpu.memref_slice %arg7[%dma_wait3A_268] : memref<10000xi32, #tpu.memory_space<vmem>> -> memref<128xi32, #tpu.memory_space<vmem>>
    %dma_wait3A_270 = arith.constant 0 : i32
    %dma_wait3A_271 = arith.constant 0 : i32
    %dma_wait3A_272 = tpu.memref_slice %arg15[%dma_wait3A_270, %dma_wait3A_271] : memref<10000x16xf32, #tpu.memory_space<vmem_shared>> -> memref<10000x16xf32, #tpu.memory_space<vmem_shared>>
    tpu.wait_indirect_dma semaphore(%arg22 : memref<!tpu.dma_semaphore, #tpu.memory_space<semaphore_mem>>) src(%dma_wait3A_272 : memref<10000x16xf32, #tpu.memory_space<vmem_shared>>) dst(%dma_wait3A_267 : memref<128x16xf32, #tpu.memory_space<vmem>>)
    %dma_start3A_273 = arith.constant 5 : i32
    %dma_start3A_274 = arith.constant 0 : i32
    %dma_start3A_275 = arith.constant 0 : i32
    %dma_start3A_276 = tpu.memref_slice %arg9[%dma_start3A_273, %dma_start3A_274, %dma_start3A_275] : memref<8x128x16xf32, #tpu.memory_space<vmem>> -> memref<1x128x16xf32, #tpu.memory_space<vmem>>
    %dma_start3A_277 = tpu.memref_squeeze %dma_start3A_276 : memref<1x128x16xf32, #tpu.memory_space<vmem>> -> memref<128x16xf32, #tpu.memory_space<vmem>>
    %dma_start3A_278 = arith.constant 9856 : i32
    %dma_start3A_279 = tpu.memref_slice %arg8[%dma_start3A_278] : memref<10000xi32, #tpu.memory_space<vmem>> -> memref<128xi32, #tpu.memory_space<vmem>>
    %dma_start3A_280 = arith.constant 0 : i32
    %dma_start3A_281 = arith.constant 0 : i32
    %dma_start3A_282 = tpu.memref_slice %arg16[%dma_start3A_280, %dma_start3A_281] : memref<10000x16xf32, #tpu.memory_space<vmem_shared>> -> memref<10000x16xf32, #tpu.memory_space<vmem_shared>>
    tpu.enqueue_indirect_dma source(%dma_start3A_277 : memref<128x16xf32, #tpu.memory_space<vmem>>) target(%dma_start3A_282 : memref<10000x16xf32, #tpu.memory_space<vmem_shared>>) offsets(%dma_start3A_279 : memref<128xi32, #tpu.memory_space<vmem>>) semaphore(%arg30 : memref<!tpu.dma_semaphore, #tpu.memory_space<semaphore_mem>>) {add = true}
    %dma_wait3A_283 = arith.constant 1 : i32
    %dma_wait3A_284 = arith.constant 0 : i32
    %dma_wait3A_285 = arith.constant 0 : i32
    %dma_wait3A_286 = tpu.memref_slice %arg9[%dma_wait3A_283, %dma_wait3A_284, %dma_wait3A_285] : memref<8x128x16xf32, #tpu.memory_space<vmem>> -> memref<1x128x16xf32, #tpu.memory_space<vmem>>
    %dma_wait3A_287 = tpu.memref_squeeze %dma_wait3A_286 : memref<1x128x16xf32, #tpu.memory_space<vmem>> -> memref<128x16xf32, #tpu.memory_space<vmem>>
    %dma_wait3A_288 = arith.constant 9344 : i32
    %dma_wait3A_289 = tpu.memref_slice %arg8[%dma_wait3A_288] : memref<10000xi32, #tpu.memory_space<vmem>> -> memref<128xi32, #tpu.memory_space<vmem>>
    %dma_wait3A_290 = arith.constant 0 : i32
    %dma_wait3A_291 = arith.constant 0 : i32
    %dma_wait3A_292 = tpu.memref_slice %arg16[%dma_wait3A_290, %dma_wait3A_291] : memref<10000x16xf32, #tpu.memory_space<vmem_shared>> -> memref<10000x16xf32, #tpu.memory_space<vmem_shared>>
    tpu.wait_indirect_dma semaphore(%arg26 : memref<!tpu.dma_semaphore, #tpu.memory_space<semaphore_mem>>) src(%dma_wait3A_287 : memref<128x16xf32, #tpu.memory_space<vmem>>) dst(%dma_wait3A_292 : memref<10000x16xf32, #tpu.memory_space<vmem_shared>>)
    %dma_wait3A_293 = arith.constant 2 : i32
    %dma_wait3A_294 = arith.constant 0 : i32
    %dma_wait3A_295 = arith.constant 0 : i32
    %dma_wait3A_296 = tpu.memref_slice %arg9[%dma_wait3A_293, %dma_wait3A_294, %dma_wait3A_295] : memref<8x128x16xf32, #tpu.memory_space<vmem>> -> memref<1x128x16xf32, #tpu.memory_space<vmem>>
    %dma_wait3A_297 = tpu.memref_squeeze %dma_wait3A_296 : memref<1x128x16xf32, #tpu.memory_space<vmem>> -> memref<128x16xf32, #tpu.memory_space<vmem>>
    %dma_wait3A_298 = arith.constant 9472 : i32
    %dma_wait3A_299 = tpu.memref_slice %arg8[%dma_wait3A_298] : memref<10000xi32, #tpu.memory_space<vmem>> -> memref<128xi32, #tpu.memory_space<vmem>>
    %dma_wait3A_300 = arith.constant 0 : i32
    %dma_wait3A_301 = arith.constant 0 : i32
    %dma_wait3A_302 = tpu.memref_slice %arg16[%dma_wait3A_300, %dma_wait3A_301] : memref<10000x16xf32, #tpu.memory_space<vmem_shared>> -> memref<10000x16xf32, #tpu.memory_space<vmem_shared>>
    tpu.wait_indirect_dma semaphore(%arg27 : memref<!tpu.dma_semaphore, #tpu.memory_space<semaphore_mem>>) src(%dma_wait3A_297 : memref<128x16xf32, #tpu.memory_space<vmem>>) dst(%dma_wait3A_302 : memref<10000x16xf32, #tpu.memory_space<vmem_shared>>)
    %dma_wait3A_303 = arith.constant 3 : i32
    %dma_wait3A_304 = arith.constant 0 : i32
    %dma_wait3A_305 = arith.constant 0 : i32
    %dma_wait3A_306 = tpu.memref_slice %arg9[%dma_wait3A_303, %dma_wait3A_304, %dma_wait3A_305] : memref<8x128x16xf32, #tpu.memory_space<vmem>> -> memref<1x128x16xf32, #tpu.memory_space<vmem>>
    %dma_wait3A_307 = tpu.memref_squeeze %dma_wait3A_306 : memref<1x128x16xf32, #tpu.memory_space<vmem>> -> memref<128x16xf32, #tpu.memory_space<vmem>>
    %dma_wait3A_308 = arith.constant 9600 : i32
    %dma_wait3A_309 = tpu.memref_slice %arg8[%dma_wait3A_308] : memref<10000xi32, #tpu.memory_space<vmem>> -> memref<128xi32, #tpu.memory_space<vmem>>
    %dma_wait3A_310 = arith.constant 0 : i32
    %dma_wait3A_311 = arith.constant 0 : i32
    %dma_wait3A_312 = tpu.memref_slice %arg16[%dma_wait3A_310, %dma_wait3A_311] : memref<10000x16xf32, #tpu.memory_space<vmem_shared>> -> memref<10000x16xf32, #tpu.memory_space<vmem_shared>>
    tpu.wait_indirect_dma semaphore(%arg28 : memref<!tpu.dma_semaphore, #tpu.memory_space<semaphore_mem>>) src(%dma_wait3A_307 : memref<128x16xf32, #tpu.memory_space<vmem>>) dst(%dma_wait3A_312 : memref<10000x16xf32, #tpu.memory_space<vmem_shared>>)
    %dma_wait3A_313 = arith.constant 4 : i32
    %dma_wait3A_314 = arith.constant 0 : i32
    %dma_wait3A_315 = arith.constant 0 : i32
    %dma_wait3A_316 = tpu.memref_slice %arg9[%dma_wait3A_313, %dma_wait3A_314, %dma_wait3A_315] : memref<8x128x16xf32, #tpu.memory_space<vmem>> -> memref<1x128x16xf32, #tpu.memory_space<vmem>>
    %dma_wait3A_317 = tpu.memref_squeeze %dma_wait3A_316 : memref<1x128x16xf32, #tpu.memory_space<vmem>> -> memref<128x16xf32, #tpu.memory_space<vmem>>
    %dma_wait3A_318 = arith.constant 9728 : i32
    %dma_wait3A_319 = tpu.memref_slice %arg8[%dma_wait3A_318] : memref<10000xi32, #tpu.memory_space<vmem>> -> memref<128xi32, #tpu.memory_space<vmem>>
    %dma_wait3A_320 = arith.constant 0 : i32
    %dma_wait3A_321 = arith.constant 0 : i32
    %dma_wait3A_322 = tpu.memref_slice %arg16[%dma_wait3A_320, %dma_wait3A_321] : memref<10000x16xf32, #tpu.memory_space<vmem_shared>> -> memref<10000x16xf32, #tpu.memory_space<vmem_shared>>
    tpu.wait_indirect_dma semaphore(%arg29 : memref<!tpu.dma_semaphore, #tpu.memory_space<semaphore_mem>>) src(%dma_wait3A_317 : memref<128x16xf32, #tpu.memory_space<vmem>>) dst(%dma_wait3A_322 : memref<10000x16xf32, #tpu.memory_space<vmem_shared>>)
    %dma_wait3A_323 = arith.constant 5 : i32
    %dma_wait3A_324 = arith.constant 0 : i32
    %dma_wait3A_325 = arith.constant 0 : i32
    %dma_wait3A_326 = tpu.memref_slice %arg9[%dma_wait3A_323, %dma_wait3A_324, %dma_wait3A_325] : memref<8x128x16xf32, #tpu.memory_space<vmem>> -> memref<1x128x16xf32, #tpu.memory_space<vmem>>
    %dma_wait3A_327 = tpu.memref_squeeze %dma_wait3A_326 : memref<1x128x16xf32, #tpu.memory_space<vmem>> -> memref<128x16xf32, #tpu.memory_space<vmem>>
    %dma_wait3A_328 = arith.constant 9856 : i32
    %dma_wait3A_329 = tpu.memref_slice %arg8[%dma_wait3A_328] : memref<10000xi32, #tpu.memory_space<vmem>> -> memref<128xi32, #tpu.memory_space<vmem>>
    %dma_wait3A_330 = arith.constant 0 : i32
    %dma_wait3A_331 = arith.constant 0 : i32
    %dma_wait3A_332 = tpu.memref_slice %arg16[%dma_wait3A_330, %dma_wait3A_331] : memref<10000x16xf32, #tpu.memory_space<vmem_shared>> -> memref<10000x16xf32, #tpu.memory_space<vmem_shared>>
    tpu.wait_indirect_dma semaphore(%arg30 : memref<!tpu.dma_semaphore, #tpu.memory_space<semaphore_mem>>) src(%dma_wait3A_327 : memref<128x16xf32, #tpu.memory_space<vmem>>) dst(%dma_wait3A_332 : memref<10000x16xf32, #tpu.memory_space<vmem_shared>>)
    %dma_start3A_333 = arith.constant 0 : i32
    %dma_start3A_334 = arith.constant 0 : i32
    %dma_start3A_335 = arith.constant 0 : i32
    %dma_start3A_336 = tpu.memref_slice %arg9[%dma_start3A_333, %dma_start3A_334, %dma_start3A_335] : memref<8x128x16xf32, #tpu.memory_space<vmem>> -> memref<1x16x16xf32, #tpu.memory_space<vmem>>
    %dma_start3A_337 = tpu.memref_squeeze %dma_start3A_336 : memref<1x16x16xf32, #tpu.memory_space<vmem>> -> memref<16x16xf32, #tpu.memory_space<vmem>>
    %dma_start3A_338 = arith.constant 9984 : i32
    %dma_start3A_339 = tpu.memref_slice %arg7[%dma_start3A_338] : memref<10000xi32, #tpu.memory_space<vmem>> -> memref<16xi32, #tpu.memory_space<vmem>>
    %dma_start3A_340 = arith.constant 0 : i32
    %dma_start3A_341 = arith.constant 0 : i32
    %dma_start3A_342 = tpu.memref_slice %arg15[%dma_start3A_340, %dma_start3A_341] : memref<10000x16xf32, #tpu.memory_space<vmem_shared>> -> memref<10000x16xf32, #tpu.memory_space<vmem_shared>>
    tpu.enqueue_indirect_dma source(%dma_start3A_342 : memref<10000x16xf32, #tpu.memory_space<vmem_shared>>) target(%dma_start3A_337 : memref<16x16xf32, #tpu.memory_space<vmem>>) offsets(%dma_start3A_339 : memref<16xi32, #tpu.memory_space<vmem>>) semaphore(%arg17 : memref<!tpu.dma_semaphore, #tpu.memory_space<semaphore_mem>>)
    %dma_wait3A_343 = arith.constant 0 : i32
    %dma_wait3A_344 = arith.constant 0 : i32
    %dma_wait3A_345 = arith.constant 0 : i32
    %dma_wait3A_346 = tpu.memref_slice %arg9[%dma_wait3A_343, %dma_wait3A_344, %dma_wait3A_345] : memref<8x128x16xf32, #tpu.memory_space<vmem>> -> memref<1x16x16xf32, #tpu.memory_space<vmem>>
    %dma_wait3A_347 = tpu.memref_squeeze %dma_wait3A_346 : memref<1x16x16xf32, #tpu.memory_space<vmem>> -> memref<16x16xf32, #tpu.memory_space<vmem>>
    %dma_wait3A_348 = arith.constant 9984 : i32
    %dma_wait3A_349 = tpu.memref_slice %arg7[%dma_wait3A_348] : memref<10000xi32, #tpu.memory_space<vmem>> -> memref<16xi32, #tpu.memory_space<vmem>>
    %dma_wait3A_350 = arith.constant 0 : i32
    %dma_wait3A_351 = arith.constant 0 : i32
    %dma_wait3A_352 = tpu.memref_slice %arg15[%dma_wait3A_350, %dma_wait3A_351] : memref<10000x16xf32, #tpu.memory_space<vmem_shared>> -> memref<10000x16xf32, #tpu.memory_space<vmem_shared>>
    tpu.wait_indirect_dma semaphore(%arg17 : memref<!tpu.dma_semaphore, #tpu.memory_space<semaphore_mem>>) src(%dma_wait3A_352 : memref<10000x16xf32, #tpu.memory_space<vmem_shared>>) dst(%dma_wait3A_347 : memref<16x16xf32, #tpu.memory_space<vmem>>)
    %dma_start3A_353 = arith.constant 0 : i32
    %dma_start3A_354 = arith.constant 0 : i32
    %dma_start3A_355 = arith.constant 0 : i32
    %dma_start3A_356 = tpu.memref_slice %arg9[%dma_start3A_353, %dma_start3A_354, %dma_start3A_355] : memref<8x128x16xf32, #tpu.memory_space<vmem>> -> memref<1x16x16xf32, #tpu.memory_space<vmem>>
    %dma_start3A_357 = tpu.memref_squeeze %dma_start3A_356 : memref<1x16x16xf32, #tpu.memory_space<vmem>> -> memref<16x16xf32, #tpu.memory_space<vmem>>
    %dma_start3A_358 = arith.constant 9984 : i32
    %dma_start3A_359 = tpu.memref_slice %arg8[%dma_start3A_358] : memref<10000xi32, #tpu.memory_space<vmem>> -> memref<16xi32, #tpu.memory_space<vmem>>
    %dma_start3A_360 = arith.constant 0 : i32
    %dma_start3A_361 = arith.constant 0 : i32
    %dma_start3A_362 = tpu.memref_slice %arg16[%dma_start3A_360, %dma_start3A_361] : memref<10000x16xf32, #tpu.memory_space<vmem_shared>> -> memref<10000x16xf32, #tpu.memory_space<vmem_shared>>
    tpu.enqueue_indirect_dma source(%dma_start3A_357 : memref<16x16xf32, #tpu.memory_space<vmem>>) target(%dma_start3A_362 : memref<10000x16xf32, #tpu.memory_space<vmem_shared>>) offsets(%dma_start3A_359 : memref<16xi32, #tpu.memory_space<vmem>>) semaphore(%arg25 : memref<!tpu.dma_semaphore, #tpu.memory_space<semaphore_mem>>) {add = true}
    %dma_wait3A_363 = arith.constant 0 : i32
    %dma_wait3A_364 = arith.constant 0 : i32
    %dma_wait3A_365 = arith.constant 0 : i32
    %dma_wait3A_366 = tpu.memref_slice %arg9[%dma_wait3A_363, %dma_wait3A_364, %dma_wait3A_365] : memref<8x128x16xf32, #tpu.memory_space<vmem>> -> memref<1x16x16xf32, #tpu.memory_space<vmem>>
    %dma_wait3A_367 = tpu.memref_squeeze %dma_wait3A_366 : memref<1x16x16xf32, #tpu.memory_space<vmem>> -> memref<16x16xf32, #tpu.memory_space<vmem>>
    %dma_wait3A_368 = arith.constant 9984 : i32
    %dma_wait3A_369 = tpu.memref_slice %arg8[%dma_wait3A_368] : memref<10000xi32, #tpu.memory_space<vmem>> -> memref<16xi32, #tpu.memory_space<vmem>>
    %dma_wait3A_370 = arith.constant 0 : i32
    %dma_wait3A_371 = arith.constant 0 : i32
    %dma_wait3A_372 = tpu.memref_slice %arg16[%dma_wait3A_370, %dma_wait3A_371] : memref<10000x16xf32, #tpu.memory_space<vmem_shared>> -> memref<10000x16xf32, #tpu.memory_space<vmem_shared>>
    tpu.wait_indirect_dma semaphore(%arg25 : memref<!tpu.dma_semaphore, #tpu.memory_space<semaphore_mem>>) src(%dma_wait3A_367 : memref<16x16xf32, #tpu.memory_space<vmem>>) dst(%dma_wait3A_372 : memref<10000x16xf32, #tpu.memory_space<vmem_shared>>)
    %barrier3A_373 = arith.constant 0 : index
    tpu.barrier barrier_id(%barrier3A_373)
    %lt3A_374 = arith.constant 15 : i32
    %lt3A_375 = arith.cmpi slt, %arg1, %lt3A_374 : i32
    %convert_element_type3A_376 = arith.extui %lt3A_375 : i1 to i32
    %cond3A_377 = arith.constant 0 : i32
    %cond3A_378 = arith.cmpi ne, %convert_element_type3A_376, %cond3A_377 : i32
    scf.if %cond3A_378 {
      %mul3A_403 = arith.constant 640 : i32
      %mul3A_404 = arith.muli %arg1, %mul3A_403 : i32
      "tpu.region"() ({
        %run_scoped3A_405 = tpu.sem_alloc : memref<!tpu.dma_semaphore, #tpu.memory_space<semaphore_mem>>
        %dma_start3A_406 = arith.constant 0 : i32
        %dma_start3A_407 = tpu.memref_slice %arg16[%mul3A_404, %dma_start3A_406] : memref<10000x16xf32, #tpu.memory_space<vmem_shared>> -> memref<640x16xf32, #tpu.memory_space<vmem_shared>>
        %dma_start3A_408 = arith.constant 0 : i32
        %dma_start3A_409 = tpu.memref_slice %arg16[%mul3A_404, %dma_start3A_408] : memref<10000x16xf32, #tpu.memory_space<vmem_shared>> -> memref<640x16xf32, #tpu.memory_space<vmem_shared>>
        tpu.enqueue_dma source(%dma_start3A_409 : memref<640x16xf32, #tpu.memory_space<vmem_shared>>) target(%arg11 : memref<640x16xf32, #tpu.memory_space<vmem>>) target_semaphore(%run_scoped3A_405 : memref<!tpu.dma_semaphore, #tpu.memory_space<semaphore_mem>>)
        %dma_wait3A_410 = arith.constant 0 : i32
        %dma_wait3A_411 = tpu.memref_slice %arg16[%mul3A_404, %dma_wait3A_410] : memref<10000x16xf32, #tpu.memory_space<vmem_shared>> -> memref<640x16xf32, #tpu.memory_space<vmem_shared>>
        %dma_wait3A_412 = arith.constant 0 : i32
        %dma_wait3A_413 = tpu.memref_slice %arg16[%mul3A_404, %dma_wait3A_412] : memref<10000x16xf32, #tpu.memory_space<vmem_shared>> -> memref<640x16xf32, #tpu.memory_space<vmem_shared>>
        tpu.wait_dma2 semaphore(%run_scoped3A_405 : memref<!tpu.dma_semaphore, #tpu.memory_space<semaphore_mem>>) src(%dma_wait3A_413 : memref<640x16xf32, #tpu.memory_space<vmem_shared>>) dst(%arg11 : memref<640x16xf32, #tpu.memory_space<vmem>>)
        tpu.yield
      }) : () -> ()
    } else {
    }
    %eq3A_379 = arith.constant 15 : i32
    %eq3A_380 = arith.cmpi eq, %arg1, %eq3A_379 : i32
    %convert_element_type3A_381 = arith.extui %eq3A_380 : i1 to i32
    %cond3A_382 = arith.constant 0 : i32
    %cond3A_383 = arith.cmpi ne, %convert_element_type3A_381, %cond3A_382 : i32
    scf.if %cond3A_383 {
      "tpu.region"() ({
        %run_scoped3A_403 = tpu.sem_alloc : memref<!tpu.dma_semaphore, #tpu.memory_space<semaphore_mem>>
        %dma_start3A_404 = arith.constant 0 : i32
        %dma_start3A_405 = arith.constant 0 : i32
        %dma_start3A_406 = tpu.memref_slice %arg11[%dma_start3A_404, %dma_start3A_405] : memref<640x16xf32, #tpu.memory_space<vmem>> -> memref<400x16xf32, #tpu.memory_space<vmem>>
        %dma_start3A_407 = arith.constant 9600 : i32
        %dma_start3A_408 = arith.constant 0 : i32
        %dma_start3A_409 = tpu.memref_slice %arg16[%dma_start3A_407, %dma_start3A_408] : memref<10000x16xf32, #tpu.memory_space<vmem_shared>> -> memref<400x16xf32, #tpu.memory_space<vmem_shared>>
        %dma_start3A_410 = arith.constant 0 : i32
        %dma_start3A_411 = arith.constant 0 : i32
        %dma_start3A_412 = tpu.memref_slice %arg11[%dma_start3A_410, %dma_start3A_411] : memref<640x16xf32, #tpu.memory_space<vmem>> -> memref<400x16xf32, #tpu.memory_space<vmem>>
        %dma_start3A_413 = arith.constant 9600 : i32
        %dma_start3A_414 = arith.constant 0 : i32
        %dma_start3A_415 = tpu.memref_slice %arg16[%dma_start3A_413, %dma_start3A_414] : memref<10000x16xf32, #tpu.memory_space<vmem_shared>> -> memref<400x16xf32, #tpu.memory_space<vmem_shared>>
        tpu.enqueue_dma source(%dma_start3A_415 : memref<400x16xf32, #tpu.memory_space<vmem_shared>>) target(%dma_start3A_412 : memref<400x16xf32, #tpu.memory_space<vmem>>) target_semaphore(%run_scoped3A_403 : memref<!tpu.dma_semaphore, #tpu.memory_space<semaphore_mem>>)
        %dma_wait3A_416 = arith.constant 0 : i32
        %dma_wait3A_417 = arith.constant 0 : i32
        %dma_wait3A_418 = tpu.memref_slice %arg11[%dma_wait3A_416, %dma_wait3A_417] : memref<640x16xf32, #tpu.memory_space<vmem>> -> memref<400x16xf32, #tpu.memory_space<vmem>>
        %dma_wait3A_419 = arith.constant 9600 : i32
        %dma_wait3A_420 = arith.constant 0 : i32
        %dma_wait3A_421 = tpu.memref_slice %arg16[%dma_wait3A_419, %dma_wait3A_420] : memref<10000x16xf32, #tpu.memory_space<vmem_shared>> -> memref<400x16xf32, #tpu.memory_space<vmem_shared>>
        %dma_wait3A_422 = arith.constant 0 : i32
        %dma_wait3A_423 = arith.constant 0 : i32
        %dma_wait3A_424 = tpu.memref_slice %arg11[%dma_wait3A_422, %dma_wait3A_423] : memref<640x16xf32, #tpu.memory_space<vmem>> -> memref<400x16xf32, #tpu.memory_space<vmem>>
        %dma_wait3A_425 = arith.constant 9600 : i32
        %dma_wait3A_426 = arith.constant 0 : i32
        %dma_wait3A_427 = tpu.memref_slice %arg16[%dma_wait3A_425, %dma_wait3A_426] : memref<10000x16xf32, #tpu.memory_space<vmem_shared>> -> memref<400x16xf32, #tpu.memory_space<vmem_shared>>
        tpu.wait_dma2 semaphore(%run_scoped3A_403 : memref<!tpu.dma_semaphore, #tpu.memory_space<semaphore_mem>>) src(%dma_wait3A_427 : memref<400x16xf32, #tpu.memory_space<vmem_shared>>) dst(%dma_wait3A_424 : memref<400x16xf32, #tpu.memory_space<vmem>>)
        tpu.yield
      }) : () -> ()
    } else {
    }
    %eq3A_384 = arith.constant 0 : i32
    %eq3A_385 = arith.cmpi eq, %arg0, %eq3A_384 : i32
    %jit3A = arith.constant 1.000000e+00 : f32
    %jit3A_386 = arith.constant 0.000000e+00 : f32
    %select_n3A = arith.select %eq3A_385, %jit3A, %jit3A_386 : f32
    %scan3A_387 = arith.constant 0 : i32
    %scan3A_388 = arith.constant 0 : i32
    %scan3A_389 = arith.constant 160 : i32
    %scan3A_390 = arith.addi %scan3A_388, %scan3A_389 : i32
    %scan3A_391 = arith.constant 1 : i32
    scf.for %scan3A_403 = %scan3A_388 to %scan3A_390 step %scan3A_391  : i32 {
      %mul3A_404 = arith.constant 4 : i32
      %mul3A_405 = arith.muli %scan3A_403, %mul3A_404 : i32
      %add3A_406 = arith.constant 0 : i32
      %add3A_407 = arith.addi %mul3A_405, %add3A_406 : i32
      %broadcast_in_dim3A = vector.broadcast %add3A_407 : i32 to vector<16xi32>
      %gather3A = tpu.vector_load_idx %arg14[%broadcast_in_dim3A] : memref<640xf32, #tpu.memory_space<vmem>>[vector<16xi32>], vector<16xf32>,
      %get3A = arith.index_cast %add3A_407 : i32 to index
      %get3A_408 = arith.constant 0 : index
      %get3A_409 = tpu.vector_load %arg11[%get3A, %get3A_408] {strides = array<i32>} : memref<640x16xf32, #tpu.memory_space<vmem>>, vector<16xf32>,
      %get3A_410 = arith.index_cast %add3A_407 : i32 to index
      %get3A_411 = arith.constant 0 : index
      %get3A_412 = tpu.vector_load %arg10[%get3A_410, %get3A_411] {strides = array<i32>} : memref<640x16xf32, #tpu.memory_space<vmem>>, vector<16xf32>,
      %mul3A_413 = vector.broadcast %select_n3A : f32 to vector<16xf32>
      %mul3A_414 = arith.mulf %mul3A_413, %get3A_412 : vector<16xf32>
      %add3A_415 = arith.addf %get3A_409, %mul3A_414 : vector<16xf32>
      %mul3A_416 = arith.mulf %add3A_415, %gather3A : vector<16xf32>
      %swap3A = arith.index_cast %add3A_407 : i32 to index
      %swap3A_417 = arith.constant 0 : index
      %swap3A_418 = tpu.vector_load %arg11[%swap3A, %swap3A_417] {strides = array<i32>} : memref<640x16xf32, #tpu.memory_space<vmem>>, vector<16xf32>,
      tpu.vector_store %arg11[%swap3A, %swap3A_417], %mul3A_416 {strides = array<i32>} : memref<640x16xf32, #tpu.memory_space<vmem>>, vector<16xf32>,
      %mul3A_419 = arith.constant 4 : i32
      %mul3A_420 = arith.muli %scan3A_403, %mul3A_419 : i32
      %add3A_421 = arith.constant 1 : i32
      %add3A_422 = arith.addi %mul3A_420, %add3A_421 : i32
      %broadcast_in_dim3A_423 = vector.broadcast %add3A_422 : i32 to vector<16xi32>
      %gather3A_424 = tpu.vector_load_idx %arg14[%broadcast_in_dim3A_423] : memref<640xf32, #tpu.memory_space<vmem>>[vector<16xi32>], vector<16xf32>,
      %get3A_425 = arith.index_cast %add3A_422 : i32 to index
      %get3A_426 = arith.constant 0 : index
      %get3A_427 = tpu.vector_load %arg11[%get3A_425, %get3A_426] {strides = array<i32>} : memref<640x16xf32, #tpu.memory_space<vmem>>, vector<16xf32>,
      %get3A_428 = arith.index_cast %add3A_422 : i32 to index
      %get3A_429 = arith.constant 0 : index
      %get3A_430 = tpu.vector_load %arg10[%get3A_428, %get3A_429] {strides = array<i32>} : memref<640x16xf32, #tpu.memory_space<vmem>>, vector<16xf32>,
      %mul3A_431 = vector.broadcast %select_n3A : f32 to vector<16xf32>
      %mul3A_432 = arith.mulf %mul3A_431, %get3A_430 : vector<16xf32>
      %add3A_433 = arith.addf %get3A_427, %mul3A_432 : vector<16xf32>
      %mul3A_434 = arith.mulf %add3A_433, %gather3A_424 : vector<16xf32>
      %swap3A_435 = arith.index_cast %add3A_422 : i32 to index
      %swap3A_436 = arith.constant 0 : index
      %swap3A_437 = tpu.vector_load %arg11[%swap3A_435, %swap3A_436] {strides = array<i32>} : memref<640x16xf32, #tpu.memory_space<vmem>>, vector<16xf32>,
      tpu.vector_store %arg11[%swap3A_435, %swap3A_436], %mul3A_434 {strides = array<i32>} : memref<640x16xf32, #tpu.memory_space<vmem>>, vector<16xf32>,
      %mul3A_438 = arith.constant 4 : i32
      %mul3A_439 = arith.muli %scan3A_403, %mul3A_438 : i32
      %add3A_440 = arith.constant 2 : i32
      %add3A_441 = arith.addi %mul3A_439, %add3A_440 : i32
      %broadcast_in_dim3A_442 = vector.broadcast %add3A_441 : i32 to vector<16xi32>
      %gather3A_443 = tpu.vector_load_idx %arg14[%broadcast_in_dim3A_442] : memref<640xf32, #tpu.memory_space<vmem>>[vector<16xi32>], vector<16xf32>,
      %get3A_444 = arith.index_cast %add3A_441 : i32 to index
      %get3A_445 = arith.constant 0 : index
      %get3A_446 = tpu.vector_load %arg11[%get3A_444, %get3A_445] {strides = array<i32>} : memref<640x16xf32, #tpu.memory_space<vmem>>, vector<16xf32>,
      %get3A_447 = arith.index_cast %add3A_441 : i32 to index
      %get3A_448 = arith.constant 0 : index
      %get3A_449 = tpu.vector_load %arg10[%get3A_447, %get3A_448] {strides = array<i32>} : memref<640x16xf32, #tpu.memory_space<vmem>>, vector<16xf32>,
      %mul3A_450 = vector.broadcast %select_n3A : f32 to vector<16xf32>
      %mul3A_451 = arith.mulf %mul3A_450, %get3A_449 : vector<16xf32>
      %add3A_452 = arith.addf %get3A_446, %mul3A_451 : vector<16xf32>
      %mul3A_453 = arith.mulf %add3A_452, %gather3A_443 : vector<16xf32>
      %swap3A_454 = arith.index_cast %add3A_441 : i32 to index
      %swap3A_455 = arith.constant 0 : index
      %swap3A_456 = tpu.vector_load %arg11[%swap3A_454, %swap3A_455] {strides = array<i32>} : memref<640x16xf32, #tpu.memory_space<vmem>>, vector<16xf32>,
      tpu.vector_store %arg11[%swap3A_454, %swap3A_455], %mul3A_453 {strides = array<i32>} : memref<640x16xf32, #tpu.memory_space<vmem>>, vector<16xf32>,
      %mul3A_457 = arith.constant 4 : i32
      %mul3A_458 = arith.muli %scan3A_403, %mul3A_457 : i32
      %add3A_459 = arith.constant 3 : i32
      %add3A_460 = arith.addi %mul3A_458, %add3A_459 : i32
      %broadcast_in_dim3A_461 = vector.broadcast %add3A_460 : i32 to vector<16xi32>
      %gather3A_462 = tpu.vector_load_idx %arg14[%broadcast_in_dim3A_461] : memref<640xf32, #tpu.memory_space<vmem>>[vector<16xi32>], vector<16xf32>,
      %get3A_463 = arith.index_cast %add3A_460 : i32 to index
      %get3A_464 = arith.constant 0 : index
      %get3A_465 = tpu.vector_load %arg11[%get3A_463, %get3A_464] {strides = array<i32>} : memref<640x16xf32, #tpu.memory_space<vmem>>, vector<16xf32>,
      %get3A_466 = arith.index_cast %add3A_460 : i32 to index
      %get3A_467 = arith.constant 0 : index
      %get3A_468 = tpu.vector_load %arg10[%get3A_466, %get3A_467] {strides = array<i32>} : memref<640x16xf32, #tpu.memory_space<vmem>>, vector<16xf32>,
      %mul3A_469 = vector.broadcast %select_n3A : f32 to vector<16xf32>
      %mul3A_470 = arith.mulf %mul3A_469, %get3A_468 : vector<16xf32>
      %add3A_471 = arith.addf %get3A_465, %mul3A_470 : vector<16xf32>
      %mul3A_472 = arith.mulf %add3A_471, %gather3A_462 : vector<16xf32>
      %swap3A_473 = arith.index_cast %add3A_460 : i32 to index
      %swap3A_474 = arith.constant 0 : index
      %swap3A_475 = tpu.vector_load %arg11[%swap3A_473, %swap3A_474] {strides = array<i32>} : memref<640x16xf32, #tpu.memory_space<vmem>>, vector<16xf32>,
      tpu.vector_store %arg11[%swap3A_473, %swap3A_474], %mul3A_472 {strides = array<i32>} : memref<640x16xf32, #tpu.memory_space<vmem>>, vector<16xf32>,
    }
    %scan3A_392 = arith.constant 160 : i32
    %lt3A_393 = arith.constant 15 : i32
    %lt3A_394 = arith.cmpi slt, %arg1, %lt3A_393 : i32
    %convert_element_type3A_395 = arith.extui %lt3A_394 : i1 to i32
    %cond3A_396 = arith.constant 0 : i32
    %cond3A_397 = arith.cmpi ne, %convert_element_type3A_395, %cond3A_396 : i32
    scf.if %cond3A_397 {
      %mul3A_403 = arith.constant 640 : i32
      %mul3A_404 = arith.muli %arg1, %mul3A_403 : i32
      "tpu.region"() ({
        %run_scoped3A_405 = tpu.sem_alloc : memref<!tpu.dma_semaphore, #tpu.memory_space<semaphore_mem>>
        %dma_start3A_406 = arith.constant 0 : i32
        %dma_start3A_407 = tpu.memref_slice %arg6[%arg0, %mul3A_404, %dma_start3A_406] : memref<2x10000x16xf32, #tpu.memory_space<hbm>> -> memref<1x640x16xf32, #tpu.memory_space<hbm>>
        %dma_start3A_408 = tpu.memref_squeeze %dma_start3A_407 : memref<1x640x16xf32, #tpu.memory_space<hbm>> -> memref<640x16xf32, #tpu.memory_space<hbm>>
        %dma_start3A_409 = arith.constant 0 : i32
        %dma_start3A_410 = tpu.memref_slice %arg6[%arg0, %mul3A_404, %dma_start3A_409] : memref<2x10000x16xf32, #tpu.memory_space<hbm>> -> memref<1x640x16xf32, #tpu.memory_space<hbm>>
        %dma_start3A_411 = tpu.memref_squeeze %dma_start3A_410 : memref<1x640x16xf32, #tpu.memory_space<hbm>> -> memref<640x16xf32, #tpu.memory_space<hbm>>
        tpu.enqueue_dma source(%arg11 : memref<640x16xf32, #tpu.memory_space<vmem>>) target(%dma_start3A_411 : memref<640x16xf32, #tpu.memory_space<hbm>>) target_semaphore(%run_scoped3A_405 : memref<!tpu.dma_semaphore, #tpu.memory_space<semaphore_mem>>)
        %dma_wait3A_412 = arith.constant 0 : i32
        %dma_wait3A_413 = tpu.memref_slice %arg6[%arg0, %mul3A_404, %dma_wait3A_412] : memref<2x10000x16xf32, #tpu.memory_space<hbm>> -> memref<1x640x16xf32, #tpu.memory_space<hbm>>
        %dma_wait3A_414 = tpu.memref_squeeze %dma_wait3A_413 : memref<1x640x16xf32, #tpu.memory_space<hbm>> -> memref<640x16xf32, #tpu.memory_space<hbm>>
        %dma_wait3A_415 = arith.constant 0 : i32
        %dma_wait3A_416 = tpu.memref_slice %arg6[%arg0, %mul3A_404, %dma_wait3A_415] : memref<2x10000x16xf32, #tpu.memory_space<hbm>> -> memref<1x640x16xf32, #tpu.memory_space<hbm>>
        %dma_wait3A_417 = tpu.memref_squeeze %dma_wait3A_416 : memref<1x640x16xf32, #tpu.memory_space<hbm>> -> memref<640x16xf32, #tpu.memory_space<hbm>>
        tpu.wait_dma2 semaphore(%run_scoped3A_405 : memref<!tpu.dma_semaphore, #tpu.memory_space<semaphore_mem>>) src(%arg11 : memref<640x16xf32, #tpu.memory_space<vmem>>) dst(%dma_wait3A_417 : memref<640x16xf32, #tpu.memory_space<hbm>>)
        tpu.yield
      }) : () -> ()
    } else {
    }
    %eq3A_398 = arith.constant 15 : i32
    %eq3A_399 = arith.cmpi eq, %arg1, %eq3A_398 : i32
    %convert_element_type3A_400 = arith.extui %eq3A_399 : i1 to i32
    %cond3A_401 = arith.constant 0 : i32
    %cond3A_402 = arith.cmpi ne, %convert_element_type3A_400, %cond3A_401 : i32
    scf.if %cond3A_402 {
      "tpu.region"() ({
        %run_scoped3A_403 = tpu.sem_alloc : memref<!tpu.dma_semaphore, #tpu.memory_space<semaphore_mem>>
        %dma_start3A_404 = arith.constant 0 : i32
        %dma_start3A_405 = arith.constant 0 : i32
        %dma_start3A_406 = tpu.memref_slice %arg11[%dma_start3A_404, %dma_start3A_405] : memref<640x16xf32, #tpu.memory_space<vmem>> -> memref<400x16xf32, #tpu.memory_space<vmem>>
        %dma_start3A_407 = arith.constant 9600 : i32
        %dma_start3A_408 = arith.constant 0 : i32
        %dma_start3A_409 = tpu.memref_slice %arg6[%arg0, %dma_start3A_407, %dma_start3A_408] : memref<2x10000x16xf32, #tpu.memory_space<hbm>> -> memref<1x400x16xf32, #tpu.memory_space<hbm>>
        %dma_start3A_410 = tpu.memref_squeeze %dma_start3A_409 : memref<1x400x16xf32, #tpu.memory_space<hbm>> -> memref<400x16xf32, #tpu.memory_space<hbm>>
        %dma_start3A_411 = arith.constant 9600 : i32
        %dma_start3A_412 = arith.constant 0 : i32
        %dma_start3A_413 = tpu.memref_slice %arg6[%arg0, %dma_start3A_411, %dma_start3A_412] : memref<2x10000x16xf32, #tpu.memory_space<hbm>> -> memref<1x400x16xf32, #tpu.memory_space<hbm>>
        %dma_start3A_414 = tpu.memref_squeeze %dma_start3A_413 : memref<1x400x16xf32, #tpu.memory_space<hbm>> -> memref<400x16xf32, #tpu.memory_space<hbm>>
        %dma_start3A_415 = arith.constant 0 : i32
        %dma_start3A_416 = arith.constant 0 : i32
        %dma_start3A_417 = tpu.memref_slice %arg11[%dma_start3A_415, %dma_start3A_416] : memref<640x16xf32, #tpu.memory_space<vmem>> -> memref<400x16xf32, #tpu.memory_space<vmem>>
        tpu.enqueue_dma source(%dma_start3A_417 : memref<400x16xf32, #tpu.memory_space<vmem>>) target(%dma_start3A_414 : memref<400x16xf32, #tpu.memory_space<hbm>>) target_semaphore(%run_scoped3A_403 : memref<!tpu.dma_semaphore, #tpu.memory_space<semaphore_mem>>)
        %dma_wait3A_418 = arith.constant 0 : i32
        %dma_wait3A_419 = arith.constant 0 : i32
        %dma_wait3A_420 = tpu.memref_slice %arg11[%dma_wait3A_418, %dma_wait3A_419] : memref<640x16xf32, #tpu.memory_space<vmem>> -> memref<400x16xf32, #tpu.memory_space<vmem>>
        %dma_wait3A_421 = arith.constant 9600 : i32
        %dma_wait3A_422 = arith.constant 0 : i32
        %dma_wait3A_423 = tpu.memref_slice %arg6[%arg0, %dma_wait3A_421, %dma_wait3A_422] : memref<2x10000x16xf32, #tpu.memory_space<hbm>> -> memref<1x400x16xf32, #tpu.memory_space<hbm>>
        %dma_wait3A_424 = tpu.memref_squeeze %dma_wait3A_423 : memref<1x400x16xf32, #tpu.memory_space<hbm>> -> memref<400x16xf32, #tpu.memory_space<hbm>>
        %dma_wait3A_425 = arith.constant 9600 : i32
        %dma_wait3A_426 = arith.constant 0 : i32
        %dma_wait3A_427 = tpu.memref_slice %arg6[%arg0, %dma_wait3A_425, %dma_wait3A_426] : memref<2x10000x16xf32, #tpu.memory_space<hbm>> -> memref<1x400x16xf32, #tpu.memory_space<hbm>>
        %dma_wait3A_428 = tpu.memref_squeeze %dma_wait3A_427 : memref<1x400x16xf32, #tpu.memory_space<hbm>> -> memref<400x16xf32, #tpu.memory_space<hbm>>
        %dma_wait3A_429 = arith.constant 0 : i32
        %dma_wait3A_430 = arith.constant 0 : i32
        %dma_wait3A_431 = tpu.memref_slice %arg11[%dma_wait3A_429, %dma_wait3A_430] : memref<640x16xf32, #tpu.memory_space<vmem>> -> memref<400x16xf32, #tpu.memory_space<vmem>>
        tpu.wait_dma2 semaphore(%run_scoped3A_403 : memref<!tpu.dma_semaphore, #tpu.memory_space<semaphore_mem>>) src(%dma_wait3A_431 : memref<400x16xf32, #tpu.memory_space<vmem>>) dst(%dma_wait3A_428 : memref<400x16xf32, #tpu.memory_space<hbm>>)
        tpu.yield
      }) : () -> ()
    } else {
    }
    return
  }
}

module attributes {stable_mosaic.version = 14 : i64} {
  func.func @_matmul_h_body(%arg0: i32, %arg1: memref<2000x128xf32, #tpu.memory_space<vmem>>, %arg2: memref<128x16xf32, #tpu.memory_space<vmem>>, %arg3: memref<2000x16xf32, #tpu.memory_space<vmem>>) attributes {dimension_semantics = [#tpu.dimension_semantics<arbitrary>], iteration_bounds = array<i64: 5>, scalar_prefetch = 0 : i64, scratch_operands = 0 : i64, tpu.core_type = #tpu.core_type<tc>, window_params = [{transform_indices = @transform_0, window_bounds = array<i64: 2000, 128>}, {pipeline_mode = #tpu.pipeline_mode<synchronous>, transform_indices = @transform_1, window_bounds = array<i64: 128, 16>}, {transform_indices = @transform_2, window_bounds = array<i64: 2000, 16>}]} {
    %get3A = arith.constant 0 : index
    %get3A_0 = arith.constant 0 : index
    %get3A_1 = vector.load %arg1[%get3A, %get3A_0] : memref<2000x128xf32, #tpu.memory_space<vmem>>, vector<2000x128xf32>
    %get3A_2 = arith.constant 0 : index
    %get3A_3 = arith.constant 0 : index
    %get3A_4 = vector.load %arg2[%get3A_2, %get3A_3] : memref<128x16xf32, #tpu.memory_space<vmem>>, vector<128x16xf32>
    %dot_general3A = arith.constant dense<0.000000e+00> : vector<2000x16xf32>
    %dot_general3A_5 = tpu.matmul %get3A_1, %get3A_4, %dot_general3A {dimension_numbers = #tpu.dot_dimension_numbers<[1], [0], [0], [1], [0, 0, 1, 1], [], []>, transpose_lhs_hint = false} : vector<2000x128xf32>, vector<128x16xf32>, vector<2000x16xf32> -> vector<2000x16xf32>
    %swap3A = arith.constant 0 : index
    %swap3A_6 = arith.constant 0 : index
    %swap3A_7 = vector.load %arg3[%swap3A, %swap3A_6] : memref<2000x16xf32, #tpu.memory_space<vmem>>, vector<2000x16xf32>
    tpu.vector_store %arg3[%swap3A, %swap3A_6], %dot_general3A_5 {strides = array<i32>} : memref<2000x16xf32, #tpu.memory_space<vmem>>, vector<2000x16xf32>,
    return
  }
  func.func @transform_0(%arg0: i32) -> (i32, i32) {
    %c0_i32 = arith.constant 0 : i32
    %c0_i32_0 = arith.constant 0 : i32
    return %arg0, %c0_i32 : i32, i32
  }
  func.func @transform_1(%arg0: i32) -> (i32, i32) {
    %c0_i32 = arith.constant 0 : i32
    %c0_i32_0 = arith.constant 0 : i32
    %c0_i32_1 = arith.constant 0 : i32
    return %c0_i32, %c0_i32_0 : i32, i32
  }
  func.func @transform_2(%arg0: i32) -> (i32, i32) {
    %c0_i32 = arith.constant 0 : i32
    %c0_i32_0 = arith.constant 0 : i32
    return %arg0, %c0_i32 : i32, i32
  }
}

module attributes {stable_mosaic.version = 14 : i64} {
  func.func @_dense_out_body(%arg0: memref<2x1250x128xf32, #tpu.memory_space<vmem>>, %arg1: memref<1x128xf32, #tpu.memory_space<vmem>>, %arg2: memref<128x128xf32, #tpu.memory_space<vmem>>, %arg3: memref<1x128xf32, #tpu.memory_space<vmem>>, %arg4: memref<1250x128xf32, #tpu.memory_space<vmem>>) attributes {dimension_semantics = [], scalar_prefetch = 0 : i64, scratch_operands = 0 : i64, tpu.core_type = #tpu.core_type<tc>} {
    %get3A = arith.constant 0 : index
    %get3A_0 = arith.constant 0 : index
    %get3A_1 = arith.constant 0 : index
    %get3A_2 = vector.load %arg0[%get3A, %get3A_0, %get3A_1] : memref<2x1250x128xf32, #tpu.memory_space<vmem>>, vector<1x1250x128xf32>
    %get3A_3 = vector.shape_cast %get3A_2 : vector<1x1250x128xf32> to vector<1250x128xf32>
    %get3A_4 = arith.constant 1 : index
    %get3A_5 = arith.constant 0 : index
    %get3A_6 = arith.constant 0 : index
    %get3A_7 = vector.load %arg0[%get3A_4, %get3A_5, %get3A_6] : memref<2x1250x128xf32, #tpu.memory_space<vmem>>, vector<1x1250x128xf32>
    %get3A_8 = vector.shape_cast %get3A_7 : vector<1x1250x128xf32> to vector<1250x128xf32>
    %add3A = arith.addf %get3A_3, %get3A_8 : vector<1250x128xf32>
    %get3A_9 = arith.constant 0 : index
    %get3A_10 = arith.constant 0 : index
    %get3A_11 = vector.load %arg1[%get3A_9, %get3A_10] : memref<1x128xf32, #tpu.memory_space<vmem>>, vector<1x128xf32>
    %add3A_12 = vector.broadcast %get3A_11 : vector<1x128xf32> to vector<1250x128xf32>
    %add3A_13 = arith.addf %add3A, %add3A_12 : vector<1250x128xf32>
    %max3A = arith.constant 0.000000e+00 : f32
    %max3A_14 = vector.broadcast %max3A : f32 to vector<1250x128xf32>
    %max3A_15 = arith.maximumf %add3A_13, %max3A_14 : vector<1250x128xf32>
    %get3A_16 = arith.constant 0 : index
    %get3A_17 = arith.constant 0 : index
    %get3A_18 = vector.load %arg2[%get3A_16, %get3A_17] : memref<128x128xf32, #tpu.memory_space<vmem>>, vector<128x128xf32>
    %dot_general3A = arith.constant dense<0.000000e+00> : vector<1250x128xf32>
    %dot_general3A_19 = tpu.matmul %max3A_15, %get3A_18, %dot_general3A {dimension_numbers = #tpu.dot_dimension_numbers<[1], [0], [0], [1], [0, 0, 1, 1], [], []>, transpose_lhs_hint = false} : vector<1250x128xf32>, vector<128x128xf32>, vector<1250x128xf32> -> vector<1250x128xf32>
    %get3A_20 = arith.constant 0 : index
    %get3A_21 = arith.constant 0 : index
    %get3A_22 = vector.load %arg3[%get3A_20, %get3A_21] : memref<1x128xf32, #tpu.memory_space<vmem>>, vector<1x128xf32>
    %add3A_23 = vector.broadcast %get3A_22 : vector<1x128xf32> to vector<1250x128xf32>
    %add3A_24 = arith.addf %dot_general3A_19, %add3A_23 : vector<1250x128xf32>
    %swap3A = arith.constant 0 : index
    %swap3A_25 = arith.constant 0 : index
    %swap3A_26 = vector.load %arg4[%swap3A, %swap3A_25] : memref<1250x128xf32, #tpu.memory_space<vmem>>, vector<1250x128xf32>
    tpu.vector_store %arg4[%swap3A, %swap3A_25], %add3A_24 {strides = array<i32>} : memref<1250x128xf32, #tpu.memory_space<vmem>>, vector<1250x128xf32>,
    return
  }
}

</mosaic_0001>

<sc_bundles>
// kernel: kernel.6.cloned.1.call-start
scs
__scs_entry_jumppad:
0x0: {  	(pc) =	sbr.rel $0x88, $3  }
0x1: {  	(tag) =	ssettag $0x0;
	lr =	simm.s32 $0x1  }
0x2: {  	[smem:$0x3F9B] =	sst lr;
	_ =	strace $0xD0000000  }
0x3: {  	_ = 	snop  }
0x4: {  	_ = 	snop  }
0x5: {  	_ = 	snop  }
0x6: {  	_ = 	snop  }
0x7: {  	_ = 	snop  }
__scs_overlays_trampoline_lowered:
0x8: {  	[smem:$0x3FAA] =	sst s0  }
0x9: {  	[smem:$0x3FAB] =	sst s1  }
0xa: {  	[smem:$0x3FAC] =	sst s2  }
0xb: {  	[smem:$0x3FAD] =	sst s3  }
0xc: {  	[smem:$0x3FAE] =	sst s4  }
0xd: {  	[smem:$0x3FAF] =	sst s5  }
0xe: {  	[smem:$0x3FB0] =	sst s6  }
0xf: {  	[smem:$0x3FB1] =	sst s7  }
0x10: {  	[smem:$0x3FB2] =	sst s8  }
0x11: {  	[smem:$0x3FB3] =	sst s9;
	s0 =	simm.s32 @!p0 $0x0  }
0x12: {  	s1 =	sld [smem:$0x3F99];
	s0 =	simm.s32 @p0 $0x1  }
0x13: {  	[smem:$0x3FB4] =	sst s0;
	s0 =	simm.s32 @!p1 $0x0  }
0x14: {  	s2 =	sld [smem:$0x3F98];
	s0 =	simm.s32 @p1 $0x1  }
0x15: {  	[smem:$0x3FB5] =	sst s0;
	s0 =	simm.s32 @!p2 $0x0  }
0x16: {  	s3 =	sld [smem:$0x3FDB];
	s0 =	simm.s32 @p2 $0x1  }
0x17: {  	s4 =	simm.s32 $0x1BF5;
	[smem:$0x3FB7] =	sst s0  }
0x18: {  	s0 =	sld [smem:$0x3F9A];
	_ =	swait.ge [sflag:s4], $0x0  }
0x19: {  	s7 =	sld [smem:$0x3F9B]  }
0x1a: {  	s8 =	sadd.s32 $0xFFFFE003, lr  }
0x1b: {  	s9 =	sadd.s32 $0xFFFFFEF7, lr;
	s5 =	simm.s32 $0xFFFFFFFF;
	p2 =	slt.u32 s8, $0xFFFFF086  }
0x1c: {  	p1 =	slt.u32 s9, $0xF7A;
	s5 =	simm.s32 @!p2 $0x0  }
0x1d: {  	s5 =	simm.s32 @p1 $0x1;
	p0 =	seq.s32 s7, s2  }
0x1e: {  	s7 =	smul.u32 @!p0 $0xF7A, s2;
	p2 =	seq.s32 @!p0 s5, $0x0  }
0x1f: {  	s9 =	smul.u32 $0xF7A, s1;
	s8 =	simm.s32 @!p0 $0x1BF5;
	p2 =	por !p2, p0  }
0x20: {  	[sflag:s8] =	ssyncset.s32 @!p0 $0xFFFFF086;
	s6 =	sadd.s32 @!p0 s3, s7;
	s7 =	simm.s32 @!p0 $0x108  }
0x21: {  	s3 =	sadd.s32 s3, s9;
	s6 =	sadd.s32 @!p0 $0x88, s6;
	s7 =	simm.s32 @p2 $0x1082  }
0x22: {  	[simem:s7], [sflag:s8] =	dma.local @!p0 [hbm:s6], $0xF7A  }
0x23: {  	s9 =	sor.u32 $0xD0000000, s2;
	s6 =	simm.s32 $0x108;
	_ =	swait.ge @!p0 [sflag:s8], $0x0  }
0x24: {  	s3 =	sadd.s32 $0x88, s3;
	s6 =	simm.s32 @!p1 $0x1082;
	[sflag:s4] =	ssyncset.s32 $0xFFFFF086  }
0x25: {  	[simem:s6], [sflag:s4] =	dma.local [hbm:s3], $0xF7A  }
0x26: {  	[smem:$0x3F9B] =	sst s1;
	(tag) =	ssettag s2;
	_ =	strace s9  }
0x27: {  	s1 =	sld [smem:$0x3FAB]  }
0x28: {  	s2 =	sld [smem:$0x3FAC]  }
0x29: {  	s4 =	sld [smem:$0x3FAE]  }
0x2a: {  	p0 =	seq.s32 s5, $0x0;
	s5 =	sld [smem:$0x3FAF]  }
0x2b: {  	s6 =	sld [smem:$0x3FB0]  }
0x2c: {  	s7 =	sld [smem:$0x3FB1]  }
0x2d: {  	s3 =	simm.s32 $0x108;
	s8 =	sld [smem:$0x3FB2]  }
0x2e: {  	s3 =	simm.s32 @!p0 $0x1082;
	s9 =	sld [smem:$0x3FB3]  }
0x2f: {  	lr =	sadd.s32 s0, s3;
	s0 =	sld [smem:$0x3FAA]  }
0x30: {  	s3 =	sld [smem:$0x3FAD]  }
0x31: {  	[smem:$0x3FB6] =	sst s10  }
0x32: {  	s10 =	sld [smem:$0x3FB4];
	_ =	sdelay $0x3  }
0x33: {  	p0 =	seq.s32 s10, $0x1;
	s10 =	sld [smem:$0x3FB6];
	_ =	sdelay $0x3  }
0x34: {  	[smem:$0x3FB6] =	sst s10  }
0x35: {  	s10 =	sld [smem:$0x3FB5];
	_ =	sdelay $0x3  }
0x36: {  	p1 =	seq.s32 s10, $0x1;
	s10 =	sld [smem:$0x3FB6];
	_ =	sdelay $0x3  }
0x37: {  	[smem:$0x3FB6] =	sst s10  }
0x38: {  	s10 =	sld [smem:$0x3FB7]  }
0x39: {  	_ = 	snop;
	(pc) =	sbr.ind lr, $3  }
0x3a: {  	_ = 	snop  }
0x3b: {  	_ = 	snop  }
0x3c: {  	p2 =	seq.s32 s10, $0x1;
	s10 =	sld [smem:$0x3FB6]  }
0x3d: {  	_ =	shalt  }
0x3e: {  	_ =	shalt  }
0x3f: {  	_ =	shalt  }
0x40: {  	_ =	shalt  }
0x41: {  	_ =	shalt  }
0x42: {  	_ =	shalt  }
0x43: {  	_ =	shalt  }
0x44: {  	_ =	shalt  }
0x45: {  	_ =	shalt  }
0x46: {  	_ =	shalt  }
0x47: {  	_ =	shalt  }
0x48: {  	_ =	shalt  }
0x49: {  	_ =	shalt  }
0x4a: {  	_ =	shalt  }
0x4b: {  	_ =	shalt  }
0x4c: {  	_ =	shalt  }
0x4d: {  	_ =	shalt  }
0x4e: {  	_ =	shalt  }
0x4f: {  	_ =	shalt  }
0x50: {  	_ =	shalt  }
0x51: {  	_ =	shalt  }
0x52: {  	_ =	shalt  }
0x53: {  	_ =	shalt  }
0x54: {  	_ =	shalt  }
0x55: {  	_ =	shalt  }
0x56: {  	_ =	shalt  }
0x57: {  	_ =	shalt  }
0x58: {  	_ =	shalt  }
0x59: {  	_ =	shalt  }
0x5a: {  	_ =	shalt  }
0x5b: {  	_ =	shalt  }
0x5c: {  	_ =	shalt  }
0x5d: {  	_ =	shalt  }
0x5e: {  	_ =	shalt  }
0x5f: {  	_ =	shalt  }
0x60: {  	_ =	shalt  }
0x61: {  	_ =	shalt  }
0x62: {  	_ =	shalt  }
0x63: {  	_ =	shalt  }
0x64: {  	_ =	shalt  }
0x65: {  	_ =	shalt  }
0x66: {  	_ =	shalt  }
0x67: {  	_ =	shalt  }
0x68: {  	_ =	shalt  }
0x69: {  	_ =	shalt  }
0x6a: {  	_ =	shalt  }
0x6b: {  	_ =	shalt  }
0x6c: {  	_ =	shalt  }
0x6d: {  	_ =	shalt  }
0x6e: {  	_ =	shalt  }
0x6f: {  	_ =	shalt  }
0x70: {  	_ =	shalt  }
0x71: {  	_ =	shalt  }
0x72: {  	_ =	shalt  }
0x73: {  	_ =	shalt  }
0x74: {  	_ =	shalt  }
0x75: {  	_ =	shalt  }
0x76: {  	_ =	shalt  }
0x77: {  	_ =	shalt  }
0x78: {  	_ =	shalt  }
0x79: {  	_ =	shalt  }
0x7a: {  	_ =	shalt  }
0x7b: {  	_ =	shalt  }
0x7c: {  	_ =	shalt  }
0x7d: {  	_ =	shalt  }
0x7e: {  	_ =	shalt  }
0x7f: {  	_ =	shalt  }
0x80: {  	_ =	shalt  }
0x81: {  	_ =	shalt  }
0x82: {  	_ =	shalt  }
0x83: {  	_ =	shalt  }
0x84: {  	_ =	shalt  }
0x85: {  	_ =	shalt  }
0x86: {  	_ =	shalt  }
0x87: {  	_ =	shalt  }
.Lfunc_end0:
.L_simem_size_0:
called_computation_lowered:
.L_overlay_start_0:
0x88: {  	s2 =	sld [smem:$0x3FD9]  }
0x89: {  	s3 =	sld [smem:$0x3FFE];
	_ =	sdelay $0x1  }
0x8a: {  	s1 =	srdreg.scid  }
0x8b: {  	s0 =	sand.u32 $0x1, s1  }
0x8c: {  	s16 =	sshll.u32 s0, $0xA;
	s2 =	sadd.s32 s3, s2  }
0x8d: {  	s2 =	sadd.s32 s2, s16  }
0x8e: {  	[smem:$0x3FC2] =	sst s2  }
0x8f: {  	_ = 	snop  }
0x90: {  	(tm) =	ssettm $0x1  }
0x91: {  	s17 =	sld [smem:$0x3FFB];
	_ =	sdelay $0x3  }
0x92: {  	_ =	strace s17  }
0x93: {  	s2 =	sld [smem:$0x3FFC];
	_ =	sdelay $0x3  }
0x94: {  	_ =	strace s2  }
0x95: {  	s2 =	sld [smem:$0x3FFD];
	_ =	sdelay $0x3  }
0x96: {  	_ =	strace s2  }
0x97: {  	_ =	strace $0x8FFFFFFF  }
0x98: {  	s18 =	sld [smem:$0x3FDB];
	_ =	sdelay $0x1  }
0x99: {  	s19 =	simm.s32 $_scs_section_size  }
0x9a: {  	s4 =	simm.s32 $_size__tile_overlayer_lowered;
	s5 =	simm.s32 $_tile_overlayer_lowered  }
0x9b: {  	s22 =	simm.s32 $0x1BFF;
	s21 =	sshll.u32 s5, $0x1;
	s2 =	sadd.s32 s19, s18  }
0x9c: {  	s6 =	simm.s32 $0x0;
	s20 =	sshll.u32 s4, $0x1;
	s4 =	sadd.s32 s21, s2  }
0x9d: {  	[timem:s6], [sflag:s22] =	dma.local [hbm:s4], s20  }
0x9e: {  	_ =	swait.ge [sflag:s22], s20  }
0x9f: {  	s3 =	ssub.s32 $0x0, s20;
	[sflag:s22] =	ssyncset.done $0x0  }
0xa0: {  	[sflag:s22] =	ssyncadd.s32 s3;
	_ =	sdelay $0x1  }
0xa1: {  	s23 =	simm.s32 $0x1B8B  }
0xa2: {  	_ =	swait.ge [sflag:s23], $0x1  }
0xa3: {  	[sflag:s23] =	ssyncset.done $0x0  }
0xa4: {  	s25 =	simm.s32 $0x1B8E;
	s24 =	sld [smem:$0x3FFE];
	[sflag:s23] =	ssyncadd.s32 $0xFFFFFFFF  }
0xa5: {  	s26 =	simm.s32 $execute0_lowered;
	[smem:$0x3FD2] =	sst s25  }
0xa6: {  	s4 =	sshll.u32 s26, $0x1;
	_ =	strace $0x80000046;
	[dreg:$0x1] =	wrdreg $0xFFFFFFFF  }
0xa7: {  	s28 =	simm.s32 $_size_execute0_lowered;
	s2 =	sadd.s32 s2, s4;
	[dreg:$0x0] =	wrdreg $0x0  }
0xa8: {  	s4 =	sshll.u32 s28, $0x1;
	[dreg:$0x2] =	wrdreg s2  }
0xa9: {  	[dreg:$0x3] =	wrdreg s4  }
0xaa: {  	[dreg:$0x4] =	wrdreg $0xC0  }
0xab: {  	_ =	task [dreg:s6], $0x5FFFF  }
0xac: {  	[dreg:$0x1] =	wrdreg $0xFFFFFFFF  }
0xad: {  	[dreg:$0x0] =	wrdreg $0x60  }
0xae: {  	[dreg:$0x2] =	wrdreg s24  }
0xaf: {  	[dreg:$0x3] =	wrdreg $0x28300  }
0xb0: {  	[dreg:$0x4] =	wrdreg $0x9  }
0xb1: {  	_ =	task.clear_ibuf [dreg:s6], $0x5FFFF;
	_ =	strace $0x90000046  }
0xb2: {  	s29 =	simm.s32 $0x9;
	_ =	strace $0x80000048  }
0xb3: {  	_ =	swait.ge [sflag:s29], $0x1  }
0xb4: {  	[sflag:s29] =	ssyncadd.s32 $0xFFFFFFFF  }
0xb5: {  	_ =	strace $0x90000048  }
0xb6: {  	_ =	sfence  }
0xb7: {  	s30 =	sld [smem:$0x0];
	_ =	sdelay $0x2  }
0xb8: {  	s31 =	sshll.u32 s1, $0xD;
	s1 =	sshrl.u32 s1, $0x2  }
0xb9: {  	s3 =	sand.u32 $0x4000, s31;
	s1 =	sadd.s32 s1, s30  }
0xba: {  	s0 =	sor.u32 s3, s0;
	s1 =	sshll.u32 s1, $0x11  }
0xbb: {  	s0 =	sor.u32 s1, s0  }
0xbc: {  	s0 =	sadd.s32 $0x8F2B, s0  }
0xbd: {  	[sflag:s0] =	ssyncadd.remote.s32 $0x1  }
0xbe: {  	_ =	sfence.sel $0xFFFF  }
0xbf: {  	[dreg:$0x0] =	wrdreg $0xFFFFFFFF;
	(pc) =	sbr.abs _section_cstart, $3  }
0xc0: {  	[dreg:$0x1] =	wrdreg $0xFFFFFFFF  }
0xc1: {  	_ =	task.clear_ibuf [dreg:s6], $0x2FFFF;
	_ =	strace $0x9FFFFFFF  }
0xc2: {  	(tm) =	ssettm $0x7FFFFFFF  }
0xc3: {  	_ =	shalt  }
tec
execute0_lowered:
.L_overlay_start_1:
0x0: {  	(tag) =	ssettag $0x1  }
0x1: {  	s0 =	rddreg [dreg:$0x0]  }
0x2: {  	s2 =	rddreg [dreg:$0x1]  }
0x3: {  	s1 =	srdreg.scid;
	s9 =	stileid.u32;
	s3 =	simm.s32 $0x0  }
0x4: {  	s13 =	simm.s32 $0x2710;
	s14 =	simm.s32 $0x9;
	s15 =	simm.s32 $0x27B0  }
0x5: {  	s16 =	simm.s32 $0x80;
	s23 =	simm.s32 $0x1;
	s24 =	simm.s32 $0x2  }
0x6: {  	s25 =	simm.s32 $0x3;
	s28 =	simm.s32 $0x5;
	s29 =	simm.s32 $0x6  }
0x7: {  	s30 =	simm.s32 $0x7;
	s31 =	simm.s32 $0x8;
	s19 =	simm.s32 $0x2600  }
0x8: {  	s20 =	simm.s32 $0x2680;
	s21 =	simm.s32 $0x10;
	s22 =	simm.s32 $0x2700  }
0x9: {  	s1 =	sand.u32 $0x1, s1;
	s6 =	smul.u32 $0x280, s9;
	[smem:$0x7FF] =	sst s3  }
0xa: {  	s4 =	sadd.s32 $0x15200, s0;
	s5 =	sadd.s32 $0x15400, s0;
	s7 =	smul.u32 $0x2800, s1  }
0xb: {  	_ =	strace $0x80000047;
	s8 =	sshll.u32 s1, $0x4;
	s1 =	ssub.s32 $0x2, s1  }
0xc: {  	s8 =	sor.u32 s9, s8;
	s26 =	sshrl.u32 s1, $0x1;
	s7 =	sadd.s32 s6, s7  }
0xd: {  	s8 =	smul.u32 $0x2710, s8;
	s6 =	sadd.s32 s6, s2;
	s1 =	ssub.s32 s1, s26  }
0xe: {  	s26 =	simm.s32 $0x4;
	s7 =	sshrl.u32 s7, $0x3;
	s9 =	sadd.s32 $0x1E0, s6  }
0xf: {  	s12 =	smax.u32 s1, $0x1;
	s11 =	sadd.s32 s7, s0;
	s10 =	sshrl.u32 s8, $0x3  }
0x10: {  	s7 =	sadd.s32 $0xA0, s6;
	s8 =	sadd.s32 $0x140, s6;
	s0 =	sadd.s32 s0, s10  }
0x11: {  	s11 =	sadd.s32 $0x15600, s11;
	s10 =	sadd.s32 $0xB440, s0;
	s0 =	simm.s32 $0x0  }
.LBB2_1:
0x12: {  	[tilespmem:s13], [sflag:$0x9] =	stream.linear.gather [hbm4b:s4+s3], $0xA0, $0x38;
	[tilespmem:$0x2AB0] =	vst v63  }
0x13: {  	_ =	swait.ge [sflag:s14], $0xA0  }
0x14: {  	[sflag:s14] =	ssyncset.done $0x0  }
0x15: {  	[sflag:s14] =	ssyncadd.s32 $0xFFFFFF60  }
0x16: {  	[spmem:s6] =	stream.linear.scatter [tilespmem:s13], [sflag:$0x9], $0xA0, $0x38;
	[tilespmem:$0x2AB0] =	vst v63  }
0x17: {  	_ =	swait.ge [sflag:s14], $0xA0  }
0x18: {  	[sflag:s14] =	ssyncset.done $0x0  }
0x19: {  	[sflag:s14] =	ssyncadd.s32 $0xFFFFFF60  }
0x1a: {  	[spmem:s7] =	stream.linear.scatter [tilespmem:s13], [sflag:$0x9], $0xA0, $0x38;
	[tilespmem:$0x2AB0] =	vst v63  }
0x1b: {  	_ =	swait.ge [sflag:s14], $0xA0  }
0x1c: {  	[sflag:s14] =	ssyncset.done $0x0  }
0x1d: {  	[sflag:s14] =	ssyncadd.s32 $0xFFFFFF60  }
0x1e: {  	[spmem:s8] =	stream.linear.scatter [tilespmem:s13], [sflag:$0x9], $0xA0, $0x38;
	[tilespmem:$0x2AB0] =	vst v63  }
0x1f: {  	_ =	swait.ge [sflag:s14], $0xA0  }
0x20: {  	[sflag:s14] =	ssyncset.done $0x0  }
0x21: {  	[sflag:s14] =	ssyncadd.s32 $0xFFFFFF60  }
0x22: {  	[spmem:s9] =	stream.linear.scatter [tilespmem:s13], [sflag:$0x9], $0xA0, $0x38;
	[tilespmem:$0x2AB0] =	vst v63  }
0x23: {  	_ =	swait.ge [sflag:s14], $0xA0  }
0x24: {  	[sflag:s14] =	ssyncset.done $0x0  }
0x25: {  	[sflag:s14] =	ssyncadd.s32 $0xFFFFFF60  }
0x26: {  	[tilespmem:s15], [sflag:$0x9] =	stream.linear.gather [hbm4b:s5+s3], $0x80, $0x38;
	[tilespmem:$0x2AB0] =	vst v63  }
0x27: {  	_ =	swait.ge [sflag:s14], $0x80  }
0x28: {  	[sflag:s14] =	ssyncset.done $0x0  }
0x29: {  	[sflag:s14] =	ssyncadd.s32 $0xFFFFFF80  }
0x2a: {  	[tilespmem:s3], [sflag:$0x9] =	stream.linear.gather [hbm4b:s10+s3], $0x2710, $0x38;
	[tilespmem:$0x2AB0] =	vst v63  }
0x2b: {  	_ =	swait.ge [sflag:s14], $0x2710  }
0x2c: {  	[sflag:s14] =	ssyncset.done $0x0  }
0x2d: {  	[sflag:s14] =	ssyncadd.s32 $0xFFFFD8F0  }
0x2e: {  	[bflag:$0x0] =	sbarrier.arrive $0xFFFF  }
0x2f: {  	[spmem:s2] =	stream.indirect.scatter.add.f32 [tilespmem:s15], [sflag:$0x1], $0x1, s3, s16, $0xb8;
	[tilespmem:$0x2AB0] =	vst v63  }
0x30: {  	_ = 	snop  }
0x31: {  	[spmem:s2] =	stream.indirect.scatter.add.f32 [tilespmem:s15], [sflag:$0x2], $0x1, s16, s16, $0xb8;
	[tilespmem:$0x2AB0] =	vst v63  }
0x32: {  	s1 =	simm.s32 $0x100  }
0x33: {  	[spmem:s2] =	stream.indirect.scatter.add.f32 [tilespmem:s15], [sflag:$0x3], $0x1, s1, s16, $0xb8;
	[tilespmem:$0x2AB0] =	vst v63  }
0x34: {  	s17 =	simm.s32 $0x180  }
0x35: {  	[spmem:s2] =	stream.indirect.scatter.add.f32 [tilespmem:s15], [sflag:$0x4], $0x1, s17, s16, $0xb8;
	[tilespmem:$0x2AB0] =	vst v63  }
0x36: {  	s18 =	simm.s32 $0x200  }
0x37: {  	[spmem:s2] =	stream.indirect.scatter.add.f32 [tilespmem:s15], [sflag:$0x5], $0x1, s18, s16, $0xb8;
	[tilespmem:$0x2AB0] =	vst v63  }
0x38: {  	s17 =	simm.s32 $0x280  }
0x39: {  	[spmem:s2] =	stream.indirect.scatter.add.f32 [tilespmem:s15], [sflag:$0x6], $0x1, s17, s16, $0xb8;
	[tilespmem:$0x2AB0] =	vst v63  }
0x3a: {  	s18 =	simm.s32 $0x300  }
0x3b: {  	[spmem:s2] =	stream.indirect.scatter.add.f32 [tilespmem:s15], [sflag:$0x7], $0x1, s18, s16, $0xb8;
	[tilespmem:$0x2AB0] =	vst v63  }
0x3c: {  	s17 =	simm.s32 $0x380  }
0x3d: {  	[spmem:s2] =	stream.indirect.scatter.add.f32 [tilespmem:s15], [sflag:$0x8], $0x1, s17, s16, $0xb8;
	[tilespmem:$0x2AB0] =	vst v63  }
0x3e: {  	_ =	swait.ge [sflag:s23], $0x80  }
0x3f: {  	[sflag:s23] =	ssyncset.done $0x0  }
0x40: {  	s18 =	simm.s32 $0x400;
	[sflag:s23] =	ssyncadd.s32 $0xFFFFFF80  }
0x41: {  	[spmem:s2] =	stream.indirect.scatter.add.f32 [tilespmem:s15], [sflag:$0x1], $0x1, s18, s16, $0xb8;
	[tilespmem:$0x2AB0] =	vst v63  }
0x42: {  	_ =	swait.ge [sflag:s24], $0x80  }
0x43: {  	[sflag:s24] =	ssyncset.done $0x0  }
0x44: {  	s17 =	simm.s32 $0x480;
	[sflag:s24] =	ssyncadd.s32 $0xFFFFFF80  }
0x45: {  	[spmem:s2] =	stream.indirect.scatter.add.f32 [tilespmem:s15], [sflag:$0x2], $0x1, s17, s16, $0xb8;
	[tilespmem:$0x2AB0] =	vst v63  }
0x46: {  	_ =	swait.ge [sflag:s25], $0x80  }
0x47: {  	[sflag:s25] =	ssyncset.done $0x0  }
0x48: {  	s18 =	simm.s32 $0x500;
	[sflag:s25] =	ssyncadd.s32 $0xFFFFFF80  }
0x49: {  	[spmem:s2] =	stream.indirect.scatter.add.f32 [tilespmem:s15], [sflag:$0x3], $0x1, s18, s16, $0xb8;
	[tilespmem:$0x2AB0] =	vst v63  }
0x4a: {  	_ =	swait.ge [sflag:s26], $0x80  }
0x4b: {  	[sflag:s26] =	ssyncset.done $0x0  }
0x4c: {  	s17 =	simm.s32 $0x580;
	[sflag:s26] =	ssyncadd.s32 $0xFFFFFF80  }
0x4d: {  	[spmem:s2] =	stream.indirect.scatter.add.f32 [tilespmem:s15], [sflag:$0x4], $0x1, s17, s16, $0xb8;
	[tilespmem:$0x2AB0] =	vst v63  }
0x4e: {  	_ =	swait.ge [sflag:s28], $0x80  }
0x4f: {  	[sflag:s28] =	ssyncset.done $0x0  }
0x50: {  	s18 =	simm.s32 $0x600;
	[sflag:s28] =	ssyncadd.s32 $0xFFFFFF80  }
0x51: {  	[spmem:s2] =	stream.indirect.scatter.add.f32 [tilespmem:s15], [sflag:$0x5], $0x1, s18, s16, $0xb8;
	[tilespmem:$0x2AB0] =	vst v63  }
0x52: {  	_ =	swait.ge [sflag:s29], $0x80  }
0x53: {  	[sflag:s29] =	ssyncset.done $0x0  }
0x54: {  	s17 =	simm.s32 $0x680;
	[sflag:s29] =	ssyncadd.s32 $0xFFFFFF80  }
0x55: {  	[spmem:s2] =	stream.indirect.scatter.add.f32 [tilespmem:s15], [sflag:$0x6], $0x1, s17, s16, $0xb8;
	[tilespmem:$0x2AB0] =	vst v63  }
0x56: {  	_ =	swait.ge [sflag:s30], $0x80  }
0x57: {  	[sflag:s30] =	ssyncset.done $0x0  }
0x58: {  	s18 =	simm.s32 $0x700;
	[sflag:s30] =	ssyncadd.s32 $0xFFFFFF80  }
0x59: {  	[spmem:s2] =	stream.indirect.scatter.add.f32 [tilespmem:s15], [sflag:$0x7], $0x1, s18, s16, $0xb8;
	[tilespmem:$0x2AB0] =	vst v63  }
0x5a: {  	_ =	swait.ge [sflag:s31], $0x80  }
0x5b: {  	[sflag:s31] =	ssyncset.done $0x0  }
0x5c: {  	s1 =	simm.s32 $0x1000;
	s17 =	simm.s32 $0x780;
	[sflag:s31] =	ssyncadd.s32 $0xFFFFFF80  }
.LBB2_2:
0x5d: {  	[spmem:s2] =	stream.indirect.scatter.add.f32 [tilespmem:s15], [sflag:$0x8], $0x1, s17, s16, $0xb8;
	[tilespmem:$0x2AB0] =	vst v63  }
0x5e: {  	s17 =	smov.u32 s1  }
0x5f: {  	p0 =	sne.s32 s1, $0x7000;
	s1 =	sadd.s32 $0x1000, s1;
	_ =	swait.ge [sflag:s23], $0x80  }
0x60: {  	s17 =	sshra.s32 s17, $0x2;
	[sflag:s23] =	ssyncset.done $0x0  }
0x61: {  	s18 =	sadd.s32 $0x400, s17;
	[sflag:s23] =	ssyncadd.s32 $0xFFFFFF80  }
0x62: {  	[spmem:s2] =	stream.indirect.scatter.add.f32 [tilespmem:s15], [sflag:$0x1], $0x1, s18, s16, $0xb8;
	[tilespmem:$0x2AB0] =	vst v63  }
0x63: {  	_ =	swait.ge [sflag:s24], $0x80  }
0x64: {  	[sflag:s24] =	ssyncset.done $0x0  }
0x65: {  	s18 =	sadd.s32 $0x480, s17;
	[sflag:s24] =	ssyncadd.s32 $0xFFFFFF80  }
0x66: {  	[spmem:s2] =	stream.indirect.scatter.add.f32 [tilespmem:s15], [sflag:$0x2], $0x1, s18, s16, $0xb8;
	[tilespmem:$0x2AB0] =	vst v63  }
0x67: {  	_ =	swait.ge [sflag:s25], $0x80  }
0x68: {  	[sflag:s25] =	ssyncset.done $0x0  }
0x69: {  	s18 =	sadd.s32 $0x500, s17;
	[sflag:s25] =	ssyncadd.s32 $0xFFFFFF80  }
0x6a: {  	[spmem:s2] =	stream.indirect.scatter.add.f32 [tilespmem:s15], [sflag:$0x3], $0x1, s18, s16, $0xb8;
	[tilespmem:$0x2AB0] =	vst v63  }
0x6b: {  	_ =	swait.ge [sflag:s26], $0x80  }
0x6c: {  	[sflag:s26] =	ssyncset.done $0x0  }
0x6d: {  	s18 =	sadd.s32 $0x580, s17;
	[sflag:s26] =	ssyncadd.s32 $0xFFFFFF80  }
0x6e: {  	[spmem:s2] =	stream.indirect.scatter.add.f32 [tilespmem:s15], [sflag:$0x4], $0x1, s18, s16, $0xb8;
	[tilespmem:$0x2AB0] =	vst v63  }
0x6f: {  	_ =	swait.ge [sflag:s28], $0x80  }
0x70: {  	[sflag:s28] =	ssyncset.done $0x0  }
0x71: {  	s18 =	sadd.s32 $0x600, s17;
	[sflag:s28] =	ssyncadd.s32 $0xFFFFFF80  }
0x72: {  	[spmem:s2] =	stream.indirect.scatter.add.f32 [tilespmem:s15], [sflag:$0x5], $0x1, s18, s16, $0xb8;
	[tilespmem:$0x2AB0] =	vst v63  }
0x73: {  	_ =	swait.ge [sflag:s29], $0x80  }
0x74: {  	[sflag:s29] =	ssyncset.done $0x0  }
0x75: {  	s18 =	sadd.s32 $0x680, s17;
	[sflag:s29] =	ssyncadd.s32 $0xFFFFFF80  }
0x76: {  	[spmem:s2] =	stream.indirect.scatter.add.f32 [tilespmem:s15], [sflag:$0x6], $0x1, s18, s16, $0xb8;
	[tilespmem:$0x2AB0] =	vst v63  }
0x77: {  	_ =	swait.ge [sflag:s30], $0x80  }
0x78: {  	[sflag:s30] =	ssyncset.done $0x0  }
.Ltmp0:
0x79: {  	s18 =	sadd.s32 $0x700, s17;
	[sflag:s30] =	ssyncadd.s32 $0xFFFFFF80;
	(pc) =	sbr.rel @p0 .LBB2_2-.Ltmp0, $4  }
0x7a: {  	[spmem:s2] =	stream.indirect.scatter.add.f32 [tilespmem:s15], [sflag:$0x7], $0x1, s18, s16, $0xb8;
	[tilespmem:$0x2AB0] =	vst v63  }
0x7b: {  	_ =	swait.ge [sflag:s31], $0x80  }
0x7c: {  	[sflag:s31] =	ssyncset.done $0x0  }
0x7d: {  	s17 =	sadd.s32 $0x780, s17;
	[sflag:s31] =	ssyncadd.s32 $0xFFFFFF80  }
0x7e: {  	[spmem:s2] =	stream.indirect.scatter.add.f32 [tilespmem:s15], [sflag:$0x8], $0x1, s17, s16, $0xb8;
	[tilespmem:$0x2AB0] =	vst v63  }
0x7f: {  	_ =	swait.ge [sflag:s23], $0x80  }
0x80: {  	[sflag:s23] =	ssyncset.done $0x0  }
0x81: {  	s1 =	simm.s32 $0x2400;
	[sflag:s23] =	ssyncadd.s32 $0xFFFFFF80  }
0x82: {  	[spmem:s2] =	stream.indirect.scatter.add.f32 [tilespmem:s15], [sflag:$0x1], $0x1, s1, s16, $0xb8;
	[tilespmem:$0x2AB0] =	vst v63  }
0x83: {  	_ =	swait.ge [sflag:s24], $0x80  }
0x84: {  	[sflag:s24] =	ssyncset.done $0x0  }
0x85: {  	s18 =	simm.s32 $0x2480;
	[sflag:s24] =	ssyncadd.s32 $0xFFFFFF80  }
0x86: {  	[spmem:s2] =	stream.indirect.scatter.add.f32 [tilespmem:s15], [sflag:$0x2], $0x1, s18, s16, $0xb8;
	[tilespmem:$0x2AB0] =	vst v63  }
0x87: {  	_ =	swait.ge [sflag:s25], $0x80  }
0x88: {  	[sflag:s25] =	ssyncset.done $0x0  }
0x89: {  	s17 =	simm.s32 $0x2500;
	[sflag:s25] =	ssyncadd.s32 $0xFFFFFF80  }
0x8a: {  	[spmem:s2] =	stream.indirect.scatter.add.f32 [tilespmem:s15], [sflag:$0x3], $0x1, s17, s16, $0xb8;
	[tilespmem:$0x2AB0] =	vst v63  }
0x8b: {  	_ =	swait.ge [sflag:s26], $0x80  }
0x8c: {  	[sflag:s26] =	ssyncset.done $0x0  }
0x8d: {  	s18 =	simm.s32 $0x2580;
	[sflag:s26] =	ssyncadd.s32 $0xFFFFFF80  }
0x8e: {  	[spmem:s2] =	stream.indirect.scatter.add.f32 [tilespmem:s15], [sflag:$0x4], $0x1, s18, s16, $0xb8;
	[tilespmem:$0x2AB0] =	vst v63  }
0x8f: {  	_ =	swait.ge [sflag:s28], $0x80  }
0x90: {  	[sflag:s28] =	ssyncset.done $0x0  }
0x91: {  	[sflag:s28] =	ssyncadd.s32 $0xFFFFFF80  }
0x92: {  	[spmem:s2] =	stream.indirect.scatter.add.f32 [tilespmem:s15], [sflag:$0x5], $0x1, s19, s16, $0xb8;
	[tilespmem:$0x2AB0] =	vst v63  }
0x93: {  	_ =	swait.ge [sflag:s29], $0x80  }
0x94: {  	[sflag:s29] =	ssyncset.done $0x0  }
0x95: {  	[sflag:s29] =	ssyncadd.s32 $0xFFFFFF80  }
0x96: {  	[spmem:s2] =	stream.indirect.scatter.add.f32 [tilespmem:s15], [sflag:$0x6], $0x1, s20, s16, $0xb8;
	[tilespmem:$0x2AB0] =	vst v63  }
0x97: {  	_ =	swait.ge [sflag:s30], $0x80  }
0x98: {  	[sflag:s30] =	ssyncset.done $0x0  }
0x99: {  	[sflag:s30] =	ssyncadd.s32 $0xFFFFFF80  }
0x9a: {  	_ =	swait.ge [sflag:s31], $0x80  }
0x9b: {  	[sflag:s31] =	ssyncset.done $0x0  }
0x9c: {  	[sflag:s31] =	ssyncadd.s32 $0xFFFFFF80  }
0x9d: {  	_ =	swait.ge [sflag:s23], $0x80  }
0x9e: {  	[sflag:s23] =	ssyncset.done $0x0  }
0x9f: {  	[sflag:s23] =	ssyncadd.s32 $0xFFFFFF80  }
0xa0: {  	_ =	swait.ge [sflag:s24], $0x80  }
0xa1: {  	[sflag:s24] =	ssyncset.done $0x0  }
0xa2: {  	[sflag:s24] =	ssyncadd.s32 $0xFFFFFF80  }
0xa3: {  	_ =	swait.ge [sflag:s25], $0x80  }
0xa4: {  	[sflag:s25] =	ssyncset.done $0x0  }
0xa5: {  	[sflag:s25] =	ssyncadd.s32 $0xFFFFFF80  }
0xa6: {  	_ =	swait.ge [sflag:s26], $0x80  }
0xa7: {  	[sflag:s26] =	ssyncset.done $0x0  }
0xa8: {  	[sflag:s26] =	ssyncadd.s32 $0xFFFFFF80  }
0xa9: {  	_ =	swait.ge [sflag:s28], $0x80  }
0xaa: {  	[sflag:s28] =	ssyncset.done $0x0  }
0xab: {  	[sflag:s28] =	ssyncadd.s32 $0xFFFFFF80  }
0xac: {  	_ =	swait.ge [sflag:s29], $0x80  }
0xad: {  	[sflag:s29] =	ssyncset.done $0x0  }
0xae: {  	[sflag:s29] =	ssyncadd.s32 $0xFFFFFF80  }
0xaf: {  	[spmem:s2] =	stream.indirect.scatter.add.f32 [tilespmem:s15], [sflag:$0x1], $0x1, s22, s21, $0xb8;
	[tilespmem:$0x2AB0] =	vst v63  }
0xb0: {  	s17 =	stileid.u32;
	_ =	swait.ge [sflag:s23], $0x10  }
0xb1: {  	s0 =	sadd.s32 $0x1, s0;
	s1 =	sshll.u32 s17, $0x6;
	[sflag:s23] =	ssyncset.done $0x0  }
0xb2: {  	p0 =	sne.s32 s0, s12;
	s1 =	sor.u32 $0x1C09, s1;
	[sflag:s23] =	ssyncadd.s32 $0xFFFFFFF0  }
.Ltmp1:
0xb3: {  	s18 =	sshrl.u32 s6, $0x3;
	[bflag:$0x0] =	sbarrier.arrive $0xFFFF;
	(pc) =	sbr.rel @p0 .LBB2_1-.Ltmp1, $4  }
0xb4: {  	[hbm:s11], [sflag:s1] =	dma.local [spmem:s18], $0x50  }
0xb5: {  	_ =	swait.ge [sflag:s14], $0x50  }
0xb6: {  	[sflag:s14] =	ssyncset.done $0x0  }
0xb7: {  	[sflag:s14] =	ssyncadd.s32 $0xFFFFFFB0  }
0xb8: {  	_ =	sfence.sel $0x180000  }
0xb9: {  	[bflag:$0x0] =	sbarrier.arrive $0xFFFF  }
0xba: {  	_ =	strace $0x90000047  }
0xbb: {  	s0 =	stileid.u32;
	[bflag:$0x2] =	sbarrier.arrive $0xFFFF  }
0xbc: {  	p0 =	sne.s32 s0, $0x0;
	s0 =	rddreg [dreg:$0x2]  }
0xbd: {  	s0 =	sadd.s32 @!p0 $0x100000, s0  }
0xbe: {  	[sflag:s0] =	ssyncadd.tile.s32 @!p0 $0x1;
	_ =	shalt  }
.Lfunc_end2:
_tile_overlayer_lowered:
.L_overlay_start_2:
0xbf: {  	(tag) =	ssettag $0x2  }
0xc0: {  	s0 =	rddreg [dreg:$0x0];
	s2 =	stileid.u32  }
0xc1: {  	s1 =	rddreg [dreg:$0x1];
	p0 =	sne.s32 s2, $0x0  }
0xc2: {  	s3 =	rddreg [dreg:$0x2];
	[bflag:$0x3] =	sbarrier.arrive $0xFFFF;
	s2 =	simm.s32 @!p0 $0x1C09  }
0xc3: {  	[timem:s3], [sflag:s2] =	dma.local @!p0 [hbm:s0], s1  }
0xc4: {  	s0 =	simm.s32 @!p0 $0x9  }
0xc5: {  	_ =	swait.ge @!p0 [sflag:s0], s1  }
0xc6: {  	s1 =	ssub.s32 @!p0 $0x0, s1;
	[sflag:s0] =	ssyncset.done @!p0 $0x0  }
0xc7: {  	[sflag:s0] =	ssyncadd.s32 @!p0 s1  }
0xc8: {  	[bflag:$0x3] =	sbarrier.arrive $0xFFFF  }
0xc9: {  	_ =	shalt  }

// kernel: kernel.9.cloned.1.call-start
scs
__scs_entry_jumppad:
0x0: {  	(pc) =	sbr.rel $0x88, $3  }
0x1: {  	(tag) =	ssettag $0x0;
	lr =	simm.s32 $0x1  }
0x2: {  	[smem:$0x3F9B] =	sst lr;
	_ =	strace $0xD0000000  }
0x3: {  	_ = 	snop  }
0x4: {  	_ = 	snop  }
0x5: {  	_ = 	snop  }
0x6: {  	_ = 	snop  }
0x7: {  	_ = 	snop  }
__scs_overlays_trampoline_lowered:
0x8: {  	[smem:$0x3FAA] =	sst s0  }
0x9: {  	[smem:$0x3FAB] =	sst s1  }
0xa: {  	[smem:$0x3FAC] =	sst s2  }
0xb: {  	[smem:$0x3FAD] =	sst s3  }
0xc: {  	[smem:$0x3FAE] =	sst s4  }
0xd: {  	[smem:$0x3FAF] =	sst s5  }
0xe: {  	[smem:$0x3FB0] =	sst s6  }
0xf: {  	[smem:$0x3FB1] =	sst s7  }
0x10: {  	[smem:$0x3FB2] =	sst s8  }
0x11: {  	[smem:$0x3FB3] =	sst s9;
	s0 =	simm.s32 @!p0 $0x0  }
0x12: {  	s1 =	sld [smem:$0x3F99];
	s0 =	simm.s32 @p0 $0x1  }
0x13: {  	[smem:$0x3FB4] =	sst s0;
	s0 =	simm.s32 @!p1 $0x0  }
0x14: {  	s2 =	sld [smem:$0x3F98];
	s0 =	simm.s32 @p1 $0x1  }
0x15: {  	[smem:$0x3FB5] =	sst s0;
	s0 =	simm.s32 @!p2 $0x0  }
0x16: {  	s3 =	sld [smem:$0x3FDB];
	s0 =	simm.s32 @p2 $0x1  }
0x17: {  	s4 =	simm.s32 $0x1BF5;
	[smem:$0x3FB7] =	sst s0  }
0x18: {  	s0 =	sld [smem:$0x3F9A];
	_ =	swait.ge [sflag:s4], $0x0  }
0x19: {  	s7 =	sld [smem:$0x3F9B]  }
0x1a: {  	s8 =	sadd.s32 $0xFFFFE003, lr  }
0x1b: {  	s9 =	sadd.s32 $0xFFFFFEF7, lr;
	s5 =	simm.s32 $0xFFFFFFFF;
	p2 =	slt.u32 s8, $0xFFFFF086  }
0x1c: {  	p1 =	slt.u32 s9, $0xF7A;
	s5 =	simm.s32 @!p2 $0x0  }
0x1d: {  	s5 =	simm.s32 @p1 $0x1;
	p0 =	seq.s32 s7, s2  }
0x1e: {  	s7 =	smul.u32 @!p0 $0xF7A, s2;
	p2 =	seq.s32 @!p0 s5, $0x0  }
0x1f: {  	s9 =	smul.u32 $0xF7A, s1;
	s8 =	simm.s32 @!p0 $0x1BF5;
	p2 =	por !p2, p0  }
0x20: {  	[sflag:s8] =	ssyncset.s32 @!p0 $0xFFFFF086;
	s6 =	sadd.s32 @!p0 s3, s7;
	s7 =	simm.s32 @!p0 $0x108  }
0x21: {  	s3 =	sadd.s32 s3, s9;
	s6 =	sadd.s32 @!p0 $0x88, s6;
	s7 =	simm.s32 @p2 $0x1082  }
0x22: {  	[simem:s7], [sflag:s8] =	dma.local @!p0 [hbm:s6], $0xF7A  }
0x23: {  	s9 =	sor.u32 $0xD0000000, s2;
	s6 =	simm.s32 $0x108;
	_ =	swait.ge @!p0 [sflag:s8], $0x0  }
0x24: {  	s3 =	sadd.s32 $0x88, s3;
	s6 =	simm.s32 @!p1 $0x1082;
	[sflag:s4] =	ssyncset.s32 $0xFFFFF086  }
0x25: {  	[simem:s6], [sflag:s4] =	dma.local [hbm:s3], $0xF7A  }
0x26: {  	[smem:$0x3F9B] =	sst s1;
	(tag) =	ssettag s2;
	_ =	strace s9  }
0x27: {  	s1 =	sld [smem:$0x3FAB]  }
0x28: {  	s2 =	sld [smem:$0x3FAC]  }
0x29: {  	s4 =	sld [smem:$0x3FAE]  }
0x2a: {  	p0 =	seq.s32 s5, $0x0;
	s5 =	sld [smem:$0x3FAF]  }
0x2b: {  	s6 =	sld [smem:$0x3FB0]  }
0x2c: {  	s7 =	sld [smem:$0x3FB1]  }
0x2d: {  	s3 =	simm.s32 $0x108;
	s8 =	sld [smem:$0x3FB2]  }
0x2e: {  	s3 =	simm.s32 @!p0 $0x1082;
	s9 =	sld [smem:$0x3FB3]  }
0x2f: {  	lr =	sadd.s32 s0, s3;
	s0 =	sld [smem:$0x3FAA]  }
0x30: {  	s3 =	sld [smem:$0x3FAD]  }
0x31: {  	[smem:$0x3FB6] =	sst s10  }
0x32: {  	s10 =	sld [smem:$0x3FB4];
	_ =	sdelay $0x3  }
0x33: {  	p0 =	seq.s32 s10, $0x1;
	s10 =	sld [smem:$0x3FB6];
	_ =	sdelay $0x3  }
0x34: {  	[smem:$0x3FB6] =	sst s10  }
0x35: {  	s10 =	sld [smem:$0x3FB5];
	_ =	sdelay $0x3  }
0x36: {  	p1 =	seq.s32 s10, $0x1;
	s10 =	sld [smem:$0x3FB6];
	_ =	sdelay $0x3  }
0x37: {  	[smem:$0x3FB6] =	sst s10  }
0x38: {  	s10 =	sld [smem:$0x3FB7]  }
0x39: {  	_ = 	snop;
	(pc) =	sbr.ind lr, $3  }
0x3a: {  	_ = 	snop  }
0x3b: {  	_ = 	snop  }
0x3c: {  	p2 =	seq.s32 s10, $0x1;
	s10 =	sld [smem:$0x3FB6]  }
0x3d: {  	_ =	shalt  }
0x3e: {  	_ =	shalt  }
0x3f: {  	_ =	shalt  }
0x40: {  	_ =	shalt  }
0x41: {  	_ =	shalt  }
0x42: {  	_ =	shalt  }
0x43: {  	_ =	shalt  }
0x44: {  	_ =	shalt  }
0x45: {  	_ =	shalt  }
0x46: {  	_ =	shalt  }
0x47: {  	_ =	shalt  }
0x48: {  	_ =	shalt  }
0x49: {  	_ =	shalt  }
0x4a: {  	_ =	shalt  }
0x4b: {  	_ =	shalt  }
0x4c: {  	_ =	shalt  }
0x4d: {  	_ =	shalt  }
0x4e: {  	_ =	shalt  }
0x4f: {  	_ =	shalt  }
0x50: {  	_ =	shalt  }
0x51: {  	_ =	shalt  }
0x52: {  	_ =	shalt  }
0x53: {  	_ =	shalt  }
0x54: {  	_ =	shalt  }
0x55: {  	_ =	shalt  }
0x56: {  	_ =	shalt  }
0x57: {  	_ =	shalt  }
0x58: {  	_ =	shalt  }
0x59: {  	_ =	shalt  }
0x5a: {  	_ =	shalt  }
0x5b: {  	_ =	shalt  }
0x5c: {  	_ =	shalt  }
0x5d: {  	_ =	shalt  }
0x5e: {  	_ =	shalt  }
0x5f: {  	_ =	shalt  }
0x60: {  	_ =	shalt  }
0x61: {  	_ =	shalt  }
0x62: {  	_ =	shalt  }
0x63: {  	_ =	shalt  }
0x64: {  	_ =	shalt  }
0x65: {  	_ =	shalt  }
0x66: {  	_ =	shalt  }
0x67: {  	_ =	shalt  }
0x68: {  	_ =	shalt  }
0x69: {  	_ =	shalt  }
0x6a: {  	_ =	shalt  }
0x6b: {  	_ =	shalt  }
0x6c: {  	_ =	shalt  }
0x6d: {  	_ =	shalt  }
0x6e: {  	_ =	shalt  }
0x6f: {  	_ =	shalt  }
0x70: {  	_ =	shalt  }
0x71: {  	_ =	shalt  }
0x72: {  	_ =	shalt  }
0x73: {  	_ =	shalt  }
0x74: {  	_ =	shalt  }
0x75: {  	_ =	shalt  }
0x76: {  	_ =	shalt  }
0x77: {  	_ =	shalt  }
0x78: {  	_ =	shalt  }
0x79: {  	_ =	shalt  }
0x7a: {  	_ =	shalt  }
0x7b: {  	_ =	shalt  }
0x7c: {  	_ =	shalt  }
0x7d: {  	_ =	shalt  }
0x7e: {  	_ =	shalt  }
0x7f: {  	_ =	shalt  }
0x80: {  	_ =	shalt  }
0x81: {  	_ =	shalt  }
0x82: {  	_ =	shalt  }
0x83: {  	_ =	shalt  }
0x84: {  	_ =	shalt  }
0x85: {  	_ =	shalt  }
0x86: {  	_ =	shalt  }
0x87: {  	_ =	shalt  }
.Lfunc_end0:
.L_simem_size_0:
called_computation.1_lowered:
.L_overlay_start_0:
0x88: {  	s2 =	sld [smem:$0x3FD9]  }
0x89: {  	s3 =	sld [smem:$0x3FFE];
	_ =	sdelay $0x1  }
0x8a: {  	s1 =	srdreg.scid  }
0x8b: {  	s0 =	sand.u32 $0x1, s1  }
0x8c: {  	s17 =	sshll.u32 s0, $0xA;
	s2 =	sadd.s32 s3, s2  }
0x8d: {  	s2 =	sadd.s32 s2, s17  }
0x8e: {  	[smem:$0x3FC2] =	sst s2  }
0x8f: {  	_ = 	snop  }
0x90: {  	s2 =	sld [smem:$0x3FD0];
	(tm) =	ssettm $0x1  }
0x91: {  	s18 =	sld [smem:$0x3FFB];
	_ =	sdelay $0x3  }
0x92: {  	_ =	strace s18  }
0x93: {  	s3 =	sld [smem:$0x3FFC];
	_ =	sdelay $0x3  }
0x94: {  	_ =	strace s3  }
0x95: {  	s3 =	sld [smem:$0x3FFD];
	_ =	sdelay $0x3  }
0x96: {  	_ =	strace s3  }
0x97: {  	_ =	strace $0x8FFFFFFF  }
0x98: {  	s19 =	sld [smem:$0x3FDB];
	_ =	sdelay $0x1  }
0x99: {  	s4 =	simm.s32 $_scs_section_size  }
0x9a: {  	s5 =	simm.s32 $_size__tile_overlayer_lowered;
	s6 =	simm.s32 $_tile_overlayer_lowered  }
0x9b: {  	s22 =	simm.s32 $0x1BFF;
	s21 =	sshll.u32 s6, $0x1;
	s3 =	sadd.s32 s4, s19  }
0x9c: {  	s7 =	simm.s32 $0x0;
	s20 =	sshll.u32 s5, $0x1;
	s5 =	sadd.s32 s21, s3  }
0x9d: {  	[timem:s7], [sflag:s22] =	dma.local [hbm:s5], s20  }
0x9e: {  	_ =	swait.ge [sflag:s22], s20  }
0x9f: {  	s4 =	ssub.s32 $0x0, s20;
	[sflag:s22] =	ssyncset.done $0x0  }
0xa0: {  	[sflag:s22] =	ssyncadd.s32 s4;
	_ =	sdelay $0x1  }
0xa1: {  	s23 =	simm.s32 $0x1B8B  }
0xa2: {  	_ =	swait.ge [sflag:s23], $0x1  }
0xa3: {  	[sflag:s23] =	ssyncset.done $0x0  }
0xa4: {  	s25 =	simm.s32 $0x1B8E;
	s24 =	sld [smem:$0x3FFE];
	[sflag:s23] =	ssyncadd.s32 $0xFFFFFFFF  }
0xa5: {  	s26 =	simm.s32 $execute0_lowered;
	[smem:$0x3FD2] =	sst s25  }
0xa6: {  	s5 =	sshll.u32 s26, $0x1;
	_ =	strace $0x80000049;
	[dreg:$0x1] =	wrdreg $0xFFFFFFFF  }
0xa7: {  	s28 =	simm.s32 $_size_execute0_lowered;
	s3 =	sadd.s32 s3, s5;
	[dreg:$0x0] =	wrdreg $0x0  }
0xa8: {  	s5 =	sshll.u32 s28, $0x1;
	[dreg:$0x2] =	wrdreg s3  }
0xa9: {  	[dreg:$0x3] =	wrdreg s5  }
0xaa: {  	[dreg:$0x4] =	wrdreg $0xC0  }
0xab: {  	_ =	task [dreg:s7], $0x5FFFF  }
0xac: {  	[dreg:$0x1] =	wrdreg $0xFFFFFFFF  }
0xad: {  	[dreg:$0x0] =	wrdreg $0x60  }
0xae: {  	[dreg:$0x2] =	wrdreg s24  }
0xaf: {  	[dreg:$0x3] =	wrdreg s2  }
0xb0: {  	[dreg:$0x4] =	wrdreg $0x10CB00  }
0xb1: {  	[dreg:$0x5] =	wrdreg $0xE5A00  }
0xb2: {  	[dreg:$0x6] =	wrdreg $0x9  }
0xb3: {  	_ =	task.clear_ibuf [dreg:s7], $0x7FFFF;
	_ =	strace $0x90000049  }
0xb4: {  	s29 =	simm.s32 $0x9;
	_ =	strace $0x8000004B  }
0xb5: {  	_ =	swait.ge [sflag:s29], $0x1  }
0xb6: {  	[sflag:s29] =	ssyncadd.s32 $0xFFFFFFFF  }
0xb7: {  	_ =	strace $0x9000004B  }
0xb8: {  	_ =	sfence  }
0xb9: {  	s30 =	sld [smem:$0x0];
	_ =	sdelay $0x2  }
0xba: {  	s31 =	sshll.u32 s1, $0xD;
	s1 =	sshrl.u32 s1, $0x2  }
0xbb: {  	s3 =	sand.u32 $0x4000, s31;
	s1 =	sadd.s32 s1, s30  }
0xbc: {  	s0 =	sor.u32 s3, s0;
	s1 =	sshll.u32 s1, $0x11  }
0xbd: {  	s0 =	sor.u32 s1, s0  }
0xbe: {  	s0 =	sadd.s32 $0x8F2B, s0  }
0xbf: {  	[sflag:s0] =	ssyncadd.remote.s32 $0x1  }
0xc0: {  	_ =	sfence.sel $0xFFFF  }
0xc1: {  	[dreg:$0x0] =	wrdreg $0xFFFFFFFF;
	(pc) =	sbr.abs _section_cstart, $3  }
0xc2: {  	[dreg:$0x1] =	wrdreg $0xFFFFFFFF  }
0xc3: {  	_ =	task.clear_ibuf [dreg:s7], $0x2FFFF;
	_ =	strace $0x9FFFFFFF  }
0xc4: {  	(tm) =	ssettm $0x7FFFFFFF  }
0xc5: {  	_ =	shalt  }
tec
execute0_lowered:
.L_overlay_start_1:
0x0: {  	(tag) =	ssettag $0x1  }
0x1: {  	s0 =	srdreg.scid;
	s1 =	rddreg [dreg:$0x0]  }
0x2: {  	s4 =	rddreg [dreg:$0x1];
	s11 =	stileid.u32  }
0x3: {  	s2 =	rddreg [dreg:$0x2];
	s7 =	simm.s32 $0x0;
	s29 =	simm.s32 $0x5E20  }
0x4: {  	s31 =	simm.s32 $0x6620;
	s28 =	simm.s32 $0x3;
	s6 =	smul.u32 $0x280, s11  }
0x5: {  	s30 =	simm.s32 $0x7E20;
	s12 =	simm.s32 $0x7;
	s8 =	smul.u32 $0x500, s11  }
0x6: {  	s0 =	sand.u32 $0x1, s0;
	[smem:$0x7FF] =	sst s7;
	s10 =	smul.u32 $0xA000, s11  }
0x7: {  	s9 =	sadd.s32 $0x16000, s1;
	s20 =	sadd.s32 $0x25800, s2;
	s19 =	smul.u32 $0x2800, s11  }
0x8: {  	s3 =	sshll.u32 s0, $0x4;
	s13 =	ssub.s32 $0x2, s0;
	s17 =	smul.u32 $0x27100, s0  }
0x9: {  	p0 =	seq.s32 s0, $0x0;
	s5 =	sor.u32 s11, s3;
	s3 =	rddreg [dreg:$0x3]  }
0xa: {  	_ =	strace $0x8000004A;
	s6 =	sshrl.u32 s6, $0x3;
	[dreg:$0x5] =	wrdreg s9  }
0xb: {  	s14 =	sshrl.u32 s13, $0x1;
	s8 =	sadd.s32 s4, s8;
	s4 =	sadd.s32 $0x4B00, s4  }
0xc: {  	s16 =	sshrl.u32 s10, $0x2;
	s9 =	simm.s32 $0xA;
	[dreg:$0xb] =	wrdreg s20  }
0xd: {  	s5 =	smul.u32 $0x2710, s5;
	s6 =	sadd.s32 s6, s1;
	[dreg:$0x6] =	wrdreg s8  }
0xe: {  	s7 =	ssub.s32 s13, s14;
	[dreg:$0x7] =	wrdreg s4;
	s18 =	sadd.s32 s16, s2  }
0xf: {  	s4 =	sadd.s32 s16, s3;
	s21 =	sadd.s32 $0x25800, s3;
	s23 =	sadd.s32 s19, s17  }
0x10: {  	s24 =	sshrl.u32 s17, $0x3;
	s19 =	simm.s32 $0x6E20;
	s8 =	simm.s32 $0x6  }
0x11: {  	s13 =	simm.s32 $0xB;
	s14 =	simm.s32 $0x8;
	[dreg:$0xc] =	wrdreg s4  }
0x12: {  	s15 =	sadd.s32 $0x15600, s6;
	s6 =	sadd.s32 $0x15B00, s6;
	[dreg:$0xd] =	wrdreg s21  }
0x13: {  	s0 =	sshrl.u32 s23, $0x3;
	s26 =	smax.u32 s7, $0x1;
	[dreg:$0xa] =	wrdreg s18  }
0x14: {  	s21 =	simm.s32 $0x2;
	s23 =	simm.s32 $0x7620;
	[dreg:$0x8] =	wrdreg s15  }
0x15: {  	s7 =	simm.s32 $0x9;
	s5 =	sshrl.u32 s5, $0x3;
	[dreg:$0x9] =	wrdreg s6  }
0x16: {  	[dreg:$0x12] =	wrdreg s26;
	s6 =	simm.s32 $0x5;
	s5 =	sadd.s32 s5, s1  }
0x17: {  	s15 =	simm.s32 $0xC;
	s1 =	sadd.s32 $0x16600, s1;
	s22 =	sadd.s32 $0x1800, s5  }
0x18: {  	s5 =	sadd.s32 $0xB440, s5;
	s4 =	sadd.s32 s1, s24;
	[dreg:$0xe] =	wrdreg s22  }
0x19: {  	s0 =	sadd.s32 s1, s0;
	s24 =	simm.s32 $0x80;
	[dreg:$0xf] =	wrdreg s5  }
0x1a: {  	s1 =	simm.s32 $0x1;
	s5 =	simm.f32 $1.000000000e+00;
	[dreg:$0x10] =	wrdreg s0  }
0x1b: {  	s25 =	sadd.s32 $0x4B00, s4;
	s22 =	simm.s32 $0xE320;
	s0 =	simm.s32 $0x4  }
0x1c: {  	s4 =	simm.s32 $0x8620;
	s5 =	simm.s32 @!p0 $0x0;
	[dreg:$0x11] =	wrdreg s25  }
0x1d: {  	p0 =	seq.s32 s11, $0xF;
	s25 =	simm.s32 $0x11;
	s11 =	simm.s32 $0x0;
	v0 =	vmov s5  }
.LBB2_1:
0x1e: {  	[dreg:$0x13] =	wrdreg s11  }
0x1f: {  	s5 =	simm.s32 @p0 $0x0;
	s10 =	simm.s32 @p0 $0x8E20;
	s11 =	rddreg [dreg:$0x7]  }
0x20: {  	[tilespmem:s10], [sflag:$0x11] =	stream.linear.gather @p0 [hbm4b:s11+s5], $0x1900, $0x38;
	[tilespmem:$0x133C0] =	vst v63  }
0x21: {  	s5 =	simm.s32 @p0 $0x11  }
0x22: {  	_ =	swait.ge @p0 [sflag:s5], $0x1900  }
0x23: {  	s10 =	simm.s32 @!p0 $0x0;
	[sflag:s5] =	ssyncset.done @p0 $0x0  }
0x24: {  	s11 =	simm.s32 @!p0 $0x8E20;
	s16 =	rddreg [dreg:$0x6];
	[sflag:s5] =	ssyncadd.s32 @p0 $0xFFFFE700  }
0x25: {  	[tilespmem:s11], [sflag:$0x11] =	stream.linear.gather @!p0 [hbm4b:s16+s10], $0x2800, $0x38;
	[tilespmem:$0x133C0] =	vst v63  }
0x26: {  	s10 =	simm.s32 @!p0 $0x11  }
0x27: {  	_ =	swait.ge @!p0 [sflag:s10], $0x2800  }
0x28: {  	s17 =	simm.s32 $0xDE20;
	[sflag:s10] =	ssyncset.done @!p0 $0x0  }
0x29: {  	s11 =	simm.s32 $0x0;
	s26 =	rddreg [dreg:$0x8];
	[sflag:s10] =	ssyncadd.s32 @!p0 $0xFFFFD800  }
0x2a: {  	[tilespmem:s17], [sflag:$0x11] =	stream.linear.gather [hbm4b:s26+s11], $0x280, $0x38;
	[tilespmem:$0x133C0] =	vst v63  }
0x2b: {  	_ =	swait.ge [sflag:s25], $0x280  }
0x2c: {  	[sflag:s25] =	ssyncset.done $0x0  }
0x2d: {  	s26 =	simm.s32 $0xE0A0;
	s17 =	rddreg [dreg:$0x9];
	[sflag:s25] =	ssyncadd.s32 $0xFFFFFD80  }
0x2e: {  	[tilespmem:s26], [sflag:$0x11] =	stream.linear.gather [hbm4b:s17+s11], $0x280, $0x38;
	[tilespmem:$0x133C0] =	vst v63  }
0x2f: {  	_ =	swait.ge [sflag:s25], $0x280  }
0x30: {  	s16 =	simm.s32 @p0 $0x1FD1;
	[sflag:s25] =	ssyncset.done $0x0  }
0x31: {  	s11 =	sshrl.u32 @p0 s20, $0x3;
	s17 =	rddreg [dreg:$0x5];
	[sflag:s25] =	ssyncadd.s32 $0xFFFFFD80  }
0x32: {  	[spmem:s11], [sflag:s16] =	dma.local @p0 [hbm:s17], $0x320  }
0x33: {  	s11 =	stileid.u32;
	_ =	swait.ge @p0 [sflag:s5], $0x320  }
0x34: {  	s11 =	sshll.u32 @!p0 s11, $0x6;
	[sflag:s5] =	ssyncset.done @p0 $0x0  }
0x35: {  	[sflag:s5] =	ssyncadd.s32 @p0 $0xFFFFFCE0;
	s5 =	sor.u32 @!p0 $0x1C11, s11;
	s11 =	sshrl.u32 @!p0 s18, $0x3  }
0x36: {  	[spmem:s11], [sflag:s5] =	dma.local @!p0 [hbm:s17], $0x500  }
0x37: {  	_ =	swait.ge @!p0 [sflag:s10], $0x500  }
0x38: {  	[sflag:s10] =	ssyncset.done @!p0 $0x0  }
0x39: {  	s18 =	simm.s32 $0x0;
	[sflag:s10] =	ssyncadd.s32 @!p0 $0xFFFFFB00  }
0x3a: {  	v1 =	vld [tilespmem:s18+$0xE0A0]  }
0x3b: {  	v2 =	vld [tilespmem:s18+$0xDE20];
	_ =	sdelay $0x2  }
0x3c: {  	s10 =	simm.s32 $0x10  }
0x3d: {  	v3 =	vld [tilespmem:s10+$0xE0A0]  }
0x3e: {  	v1 =	vadd.f32 v1, v2;
	v2 =	vld [tilespmem:s10+$0xDE20];
	_ =	sdelay $0x1  }
0x3f: {  	v1 =	vadd.f32 $1.000000000e+00, v1;
	_ =	sdelay $0x1  }
0x40: {  	s11 =	simm.s32 $0x20;
	v4 =	vshra.s32 v1, $0x1;
	v5 =	vmul.f32 $5.000000000e-01, v1  }
0x41: {  	v6 =	vld [tilespmem:s11+$0xDE20];
	v1 =	vsub.s32 $0x5F3759DF, v4;
	v2 =	vadd.f32 v3, v2  }
0x42: {  	v4 =	vld [tilespmem:s11+$0xE0A0];
	v3 =	vmul.f32 v1, v5  }
0x43: {  	v2 =	vadd.f32 $1.000000000e+00, v2  }
0x44: {  	v3 =	vmul.f32 v1, v3  }
0x45: {  	s16 =	simm.s32 $0x30;
	v7 =	vshra.s32 v2, $0x1;
	v14 =	vmul.f32 $5.000000000e-01, v2  }
0x46: {  	v8 =	vld [tilespmem:s16+$0xDE20];
	v2 =	vsub.f32 $1.500000000e+00, v3;
	v3 =	vsub.s32 $0x5F3759DF, v7  }
0x47: {  	v7 =	vld [tilespmem:s16+$0xE0A0];
	v4 =	vadd.f32 v4, v6;
	v6 =	vmul.f32 v3, v14  }
0x48: {  	v2 =	vmul.f32 v1, v2  }
0x49: {  	v1 =	vadd.f32 $1.000000000e+00, v4;
	v4 =	vmul.f32 v3, v6  }
0x4a: {  	v6 =	vmul.f32 v2, v5  }
0x4b: {  	s17 =	simm.s32 $0x40;
	v9 =	vshra.s32 v1, $0x1;
	v1 =	vmul.f32 $5.000000000e-01, v1;
	v4 =	vsub.f32 $1.500000000e+00, v4  }
0x4c: {  	v10 =	vld [tilespmem:s17+$0xE0A0];
	v9 =	vsub.s32 $0x5F3759DF, v9;
	v7 =	vadd.f32 v7, v8;
	v6 =	vmul.f32 v6, v2  }
0x4d: {  	v11 =	vld [tilespmem:s17+$0xDE20];
	v8 =	vmul.f32 v9, v1  }
0x4e: {  	v3 =	vmul.f32 v3, v4;
	v4 =	vsub.f32 $1.500000000e+00, v6;
	v6 =	vadd.f32 $1.000000000e+00, v7  }
0x4f: {  	v7 =	vmul.f32 v9, v8  }
0x50: {  	v4 =	vmul.f32 v4, v2;
	v12 =	vshra.s32 v6, $0x1;
	v2 =	vmul.f32 $5.000000000e-01, v6  }
0x51: {  	v8 =	vmul.f32 v3, v14;
	v6 =	vsub.f32 $1.500000000e+00, v7;
	v7 =	vsub.s32 $0x5F3759DF, v12  }
0x52: {  	v10 =	vadd.f32 v10, v11;
	v11 =	vmul.f32 v7, v2  }
0x53: {  	v8 =	vmul.f32 v8, v3  }
0x54: {  	s20 =	simm.s32 $0x50;
	v12 =	vmul.f32 v4, v5;
	v11 =	vmul.f32 v7, v11  }
0x55: {  	v10 =	vadd.f32 $1.000000000e+00, v10;
	v5 =	vmul.f32 v9, v6;
	v9 =	vld [tilespmem:s20+$0xE0A0]  }
0x56: {  	v6 =	vsub.f32 $1.500000000e+00, v8;
	v8 =	vmul.f32 v12, v4;
	v12 =	vsub.f32 $1.500000000e+00, v11;
	v11 =	vld [tilespmem:s20+$0xDE20];
	_ =	sdelay $0x1  }
0x57: {  	v15 =	vshra.s32 v10, $0x1;
	v13 =	vmul.f32 v5, v1;
	v3 =	vmul.f32 v6, v3  }
0x58: {  	v6 =	vmul.f32 $5.000000000e-01, v10;
	v10 =	vsub.s32 $0x5F3759DF, v15  }
0x59: {  	s25 =	simm.s32 $0x1C0;
	s5 =	simm.s32 $0x60;
	v8 =	vsub.f32 $1.500000000e+00, v8;
	v13 =	vmul.f32 v13, v5;
	v14 =	vmul.f32 v3, v14  }
.LBB2_2:
0x5a: {  	s26 =	sshra.s32 s25, $0x2;
	p1 =	sne.s32 s25, $0x9C0;
	s25 =	sadd.s32 $0x40, s25;
	v15 =	vadd.f32 v9, v11;
	v9 =	vld [tilespmem:s5+$0xE0A0];
	v16 =	vmul.f32 v10, v6;
	v12 =	vmul.f32 v7, v12;
	v17 =	vmovc v6  }
.Ltmp0:
0x5b: {  	v7 =	vmovc v10;
	v11 =	vld [tilespmem:s5+$0xDE20];
	v6 =	vsub.f32 $1.500000000e+00, v13;
	v13 =	vmul.f32 v14, v3;
	v14 =	vmul.f32 v8, v4;
	v4 =	vmovc v3;
	(pc) =	sbr.rel @p1 .LBB2_2-.Ltmp0, $4  }
0x5c: {  	v10 =	vadd.f32 $1.000000000e+00, v15;
	v15 =	vmul.f32 v7, v16;
	v16 =	vmul.f32 v12, v2  }
0x5d: {  	v3 =	vmul.f32 v6, v5;
	v8 =	vsub.f32 $1.500000000e+00, v13;
	[tilespmem:s18+$0xE320] =	vst v14;
	v5 =	vmov v12;
	s18 =	smov.u32 s10;
	s10 =	smov.u32 s11;
	s11 =	smov.u32 s16  }
0x5e: {  	s16 =	smov.u32 s17;
	s17 =	smov.u32 s20;
	s20 =	smov.u32 s5;
	v13 =	vshra.s32 v10, $0x1;
	v6 =	vmul.f32 $5.000000000e-01, v10;
	v12 =	vsub.f32 $1.500000000e+00, v15  }
0x5f: {  	s5 =	smov.u32 s26;
	v10 =	vsub.s32 $0x5F3759DF, v13;
	v13 =	vmul.f32 v16, v5;
	v14 =	vmul.f32 v3, v1;
	v1 =	vmovc v2;
	v2 =	vmovc v17  }
0x60: {  	v15 =	vld [tilespmem:s5+$0xE0A0]  }
0x61: {  	v16 =	vld [tilespmem:s5+$0xDE20];
	_ =	sdelay $0x3  }
0x62: {  	v9 =	vadd.f32 v9, v11  }
0x63: {  	v45 =	vadd.f32 v15, v16  }
0x64: {  	v9 =	vadd.f32 $1.000000000e+00, v9  }
0x65: {  	v11 =	vadd.f32 $1.000000000e+00, v45  }
0x66: {  	v46 =	vmul.f32 v10, v6;
	v47 =	vshra.s32 v9, $0x1;
	v9 =	vmul.f32 $5.000000000e-01, v9  }
0x67: {  	v16 =	vsub.s32 $0x5F3759DF, v47;
	v17 =	vshra.s32 v11, $0x1;
	v11 =	vmul.f32 $5.000000000e-01, v11  }
0x68: {  	v18 =	vmul.f32 v16, v9;
	v17 =	vsub.s32 $0x5F3759DF, v17  }
0x69: {  	v15 =	vmul.f32 v10, v46;
	v19 =	vmul.f32 v17, v11  }
0x6a: {  	v48 =	vmul.f32 v16, v18  }
0x6b: {  	v7 =	vmul.f32 v7, v12;
	v49 =	vsub.f32 $1.500000000e+00, v15;
	v50 =	vmul.f32 v17, v19  }
0x6c: {  	v4 =	vmul.f32 v8, v4;
	v13 =	vsub.f32 $1.500000000e+00, v13;
	v12 =	vsub.f32 $1.500000000e+00, v48  }
0x6d: {  	v51 =	vmul.f32 v7, v2;
	v8 =	vmul.f32 v10, v49;
	v15 =	vsub.f32 $1.500000000e+00, v50  }
0x6e: {  	v5 =	vmul.f32 v13, v5;
	v12 =	vmul.f32 v16, v12  }
0x6f: {  	v52 =	vmul.f32 v8, v6;
	v15 =	vmul.f32 v17, v15  }
0x70: {  	v10 =	vmul.f32 v51, v7;
	v16 =	vmul.f32 v12, v9  }
0x71: {  	v13 =	vmul.f32 v52, v8;
	v17 =	vmul.f32 v15, v11  }
0x72: {  	v10 =	vsub.f32 $1.500000000e+00, v10;
	v16 =	vmul.f32 v16, v12  }
0x73: {  	v1 =	vmul.f32 v5, v1;
	v13 =	vsub.f32 $1.500000000e+00, v13;
	v17 =	vmul.f32 v17, v15  }
0x74: {  	v14 =	vmul.f32 v14, v3;
	v7 =	vmul.f32 v10, v7;
	v53 =	vsub.f32 $1.500000000e+00, v16  }
0x75: {  	s25 =	simm.s32 $0x0;
	v1 =	vmul.f32 v1, v5;
	v8 =	vmul.f32 v13, v8;
	v54 =	vsub.f32 $1.500000000e+00, v17  }
0x76: {  	v57 =	vmov s25;
	v2 =	vmul.f32 v7, v2;
	v10 =	vmul.f32 v53, v12  }
0x77: {  	v61 =	vand.u32 $0xFFFFFFFC, v57;
	v55 =	vmul.f32 v8, v6;
	v56 =	vmul.f32 v54, v15  }
0x78: {  	v14 =	vsub.f32 $1.500000000e+00, v14;
	v2 =	vmul.f32 v2, v7;
	v9 =	vmul.f32 v10, v9  }
0x79: {  	v1 =	vsub.f32 $1.500000000e+00, v1;
	v6 =	vmul.f32 v55, v8;
	v11 =	vmul.f32 v56, v11  }
0x7a: {  	v3 =	vmul.f32 v14, v3;
	v2 =	vsub.f32 $1.500000000e+00, v2;
	v58 =	vmul.f32 v9, v10  }
0x7b: {  	[tilespmem:s18+$0xE320] =	vst v4;
	v1 =	vmul.f32 v1, v5;
	v59 =	vsub.f32 $1.500000000e+00, v6;
	v60 =	vmul.f32 v11, v56  }
0x7c: {  	v62 =	vbroadcast v61, $0x0;
	[tilespmem:s10+$0xE320] =	vst v3;
	v2 =	vmul.f32 v2, v7;
	v3 =	vsub.f32 $1.500000000e+00, v58  }
0x7d: {  	[tilespmem:s11+$0xE320] =	vst v1;
	v1 =	vmul.f32 v59, v8;
	v63 =	vsub.f32 $1.500000000e+00, v60  }
0x7e: {  	[tilespmem:s16+$0xE320] =	vst v2;
	v2 =	vmul.f32 v3, v10  }
0x7f: {  	[tilespmem:s17+$0xE320] =	vst v1;
	v1 =	vmul.f32 v63, v56  }
0x80: {  	[tilespmem:s20+$0xE320] =	vst v2  }
0x81: {  	[tilespmem:s5+$0xE320] =	vst v1  }
0x82: {  	s20 =	simm.s32 $0x1;
	s5 =	simm.s32 $0x8E40;
	v1 =	vld.idx.msk [tilespmem:v62+s22+$0x0], $0xffff  }
0x83: {  	v3 =	vmov s20;
	v2 =	vld [tilespmem:s5+$0xFFFFFFE0]  }
0x84: {  	v3 =	vand.u32 $0xFFFFFFFD, v3  }
0x85: {  	v3 =	vbroadcast v3, $0x0;
	_ =	sdelay $0x2  }
0x86: {  	v1 =	vmul.f32 v2, v1;
	_ =	sdelay $0x1  }
0x87: {  	s25 =	simm.s32 $0x2;
	v2 =	vld [tilespmem:s5+$0xFFFFFFF0];
	[tilespmem:s5+$0xFFFFFFE0] =	vst v1  }
0x88: {  	v1 =	vld.idx.msk [tilespmem:v3+s22+$0x0], $0xffff;
	v3 =	vmov s25  }
0x89: {  	v3 =	vand.u32 $0xFFFFFFFE, v3  }
0x8a: {  	v3 =	vbroadcast v3, $0x0;
	_ =	sdelay $0x2  }
0x8b: {  	v1 =	vmul.f32 v2, v1;
	_ =	sdelay $0x1  }
0x8c: {  	v2 =	vld [tilespmem:s5+$0x0];
	[tilespmem:s5+$0xFFFFFFF0] =	vst v1  }
0x8d: {  	v1 =	vld.idx.msk [tilespmem:v3+s22+$0x0], $0xffff;
	_ =	sdelay $0x1  }
0x8e: {  	s26 =	simm.s32 $0x3  }
0x8f: {  	v3 =	vmov s26;
	_ =	sdelay $0x1  }
0x90: {  	v1 =	vmul.f32 v2, v1;
	_ =	sdelay $0x1  }
0x91: {  	[tilespmem:s5+$0x0] =	vst v1  }
0x92: {  	s10 =	simm.s32 $0x7;
	s11 =	simm.s32 $0xB;
	s16 =	simm.s32 $0x4;
	v1 =	vld.idx.msk [tilespmem:v3+s22+$0x0], $0xffff  }
.LBB2_4:
0x93: {  	p1 =	sne.s32 s11, $0x27F;
	v2 =	vmov s16;
	v3 =	vld [tilespmem:s5+$0x10]  }
0x94: {  	v2 =	vand.u32 $0xFFFFFFFC, v2  }
0x95: {  	v2 =	vbroadcast v2, $0x0;
	_ =	sdelay $0x2  }
0x96: {  	v1 =	vmul.f32 v3, v1;
	_ =	sdelay $0x1  }
0x97: {  	[tilespmem:s5+$0x10] =	vst v1  }
0x98: {  	s16 =	sadd.s32 $0xFFFFFFFE, s10;
	s5 =	sadd.s32 $0x40, s5;
	v1 =	vld.idx.msk [tilespmem:v2+s22+$0x0], $0xffff  }
0x99: {  	v3 =	vmov s16;
	v2 =	vld [tilespmem:s5+$0xFFFFFFE0]  }
0x9a: {  	v3 =	vand.u32 $0xFFFFFFFD, v3  }
0x9b: {  	v3 =	vbroadcast v3, $0x0;
	_ =	sdelay $0x2  }
0x9c: {  	v1 =	vmul.f32 v2, v1;
	_ =	sdelay $0x1  }
0x9d: {  	[tilespmem:s5+$0xFFFFFFE0] =	vst v1  }
0x9e: {  	s16 =	sadd.s32 $0xFFFFFFFF, s10;
	v1 =	vld.idx.msk [tilespmem:v3+s22+$0x0], $0xffff  }
0x9f: {  	v3 =	vmov s16;
	v2 =	vld [tilespmem:s5+$0xFFFFFFF0]  }
0xa0: {  	v3 =	vand.u32 $0xFFFFFFFE, v3  }
0xa1: {  	v3 =	vbroadcast v3, $0x0;
	_ =	sdelay $0x2  }
0xa2: {  	v1 =	vmul.f32 v2, v1;
	_ =	sdelay $0x1  }
0xa3: {  	[tilespmem:s5+$0xFFFFFFF0] =	vst v1  }
0xa4: {  	v1 =	vld.idx.msk [tilespmem:v3+s22+$0x0], $0xffff  }
0xa5: {  	v2 =	vld [tilespmem:s5+$0x0];
	_ =	sdelay $0x2  }
0xa6: {  	v3 =	vmov s10;
	s10 =	smov.u32 s11  }
.Ltmp1:
0xa7: {  	(pc) =	sbr.rel @p1 .LBB2_4-.Ltmp1, $3  }
0xa8: {  	v1 =	vmul.f32 v2, v1;
	_ =	sdelay $0x1  }
0xa9: {  	[tilespmem:s5+$0x0] =	vst v1  }
0xaa: {  	s11 =	sadd.s32 $0x4, s11;
	s16 =	sadd.s32 $0xFFFFFFFD, s10;
	v1 =	vld.idx.msk [tilespmem:v3+s22+$0x0], $0xffff  }
0xab: {  	v2 =	vmov s16;
	v3 =	vld [tilespmem:s5+$0x10]  }
0xac: {  	v2 =	vand.u32 $0xFFFFFFFC, v2  }
0xad: {  	v2 =	vbroadcast v2, $0x0;
	_ =	sdelay $0x2  }
0xae: {  	v1 =	vmul.f32 v3, v1;
	_ =	sdelay $0x1  }
0xaf: {  	[tilespmem:s5+$0x10] =	vst v1  }
0xb0: {  	s11 =	sadd.s32 $0xFFFFFFFE, s10;
	s25 =	sadd.s32 $0x40, s5;
	v1 =	vld.idx.msk [tilespmem:v2+s22+$0x0], $0xffff  }
0xb1: {  	v3 =	vmov s11;
	v2 =	vld [tilespmem:s25+$0xFFFFFFE0]  }
0xb2: {  	v3 =	vand.u32 $0xFFFFFFFD, v3  }
0xb3: {  	v3 =	vbroadcast v3, $0x0;
	_ =	sdelay $0x2  }
0xb4: {  	v1 =	vmul.f32 v2, v1;
	_ =	sdelay $0x1  }
0xb5: {  	[tilespmem:s25+$0xFFFFFFE0] =	vst v1  }
0xb6: {  	s26 =	sadd.s32 $0xFFFFFFFF, s10;
	v1 =	vld.idx.msk [tilespmem:v3+s22+$0x0], $0xffff  }
0xb7: {  	v2 =	vmov s26;
	v3 =	vld [tilespmem:s25+$0xFFFFFFF0]  }
0xb8: {  	v2 =	vand.u32 $0xFFFFFFFE, v2  }
0xb9: {  	v2 =	vbroadcast v2, $0x0;
	_ =	sdelay $0x2  }
0xba: {  	v1 =	vmul.f32 v3, v1;
	_ =	sdelay $0x1  }
0xbb: {  	[tilespmem:s25+$0xFFFFFFF0] =	vst v1  }
0xbc: {  	v1 =	vld.idx.msk [tilespmem:v2+s22+$0x0], $0xffff  }
0xbd: {  	v2 =	vld [tilespmem:s25+$0x0];
	_ =	sdelay $0x2  }
0xbe: {  	v3 =	vmov s10;
	_ =	sdelay $0x1  }
0xbf: {  	v1 =	vmul.f32 v2, v1;
	_ =	sdelay $0x1  }
0xc0: {  	v2 =	vld [tilespmem:s25+$0x10];
	[tilespmem:s25+$0x0] =	vst v1  }
0xc1: {  	v1 =	vld.idx.msk [tilespmem:v3+s22+$0x0], $0xffff;
	_ =	sdelay $0x4  }
0xc2: {  	v1 =	vmul.f32 v2, v1;
	_ =	sdelay $0x1  }
0xc3: {  	s5 =	simm.s32 @p0 $0x8E20;
	s10 =	rddreg [dreg:$0xd];
	[tilespmem:s25+$0x10] =	vst v1  }
0xc4: {  	[spmem:s10] =	stream.linear.scatter @p0 [tilespmem:s5], [sflag:$0x11], $0x1900, $0x38;
	[tilespmem:$0x133C0] =	vst v63  }
0xc5: {  	s5 =	simm.s32 @p0 $0x11  }
0xc6: {  	_ =	swait.ge @p0 [sflag:s5], $0x1900  }
0xc7: {  	[sflag:s5] =	ssyncset.done @p0 $0x0  }
0xc8: {  	s10 =	rddreg [dreg:$0xc];
	[sflag:s5] =	ssyncadd.s32 @p0 $0xFFFFE700;
	s5 =	simm.s32 @!p0 $0x8E20  }
0xc9: {  	[spmem:s10] =	stream.linear.scatter @!p0 [tilespmem:s5], [sflag:$0x11], $0x2800, $0x38;
	[tilespmem:$0x133C0] =	vst v63  }
0xca: {  	s5 =	simm.s32 @!p0 $0x11  }
0xcb: {  	_ =	swait.ge @!p0 [sflag:s5], $0x2800  }
0xcc: {  	s16 =	simm.s32 $0x0;
	[sflag:s5] =	ssyncset.done @!p0 $0x0  }
0xcd: {  	s25 =	simm.s32 $0x11;
	s18 =	rddreg [dreg:$0xe];
	[sflag:s5] =	ssyncadd.s32 @!p0 $0xFFFFD800  }
0xce: {  	[tilespmem:s16], [sflag:$0x11] =	stream.linear.gather [hbm4b:s18+s16], $0x2710, $0x38;
	[tilespmem:$0x133C0] =	vst v63  }
0xcf: {  	_ =	swait.ge [sflag:s25], $0x2710  }
0xd0: {  	[sflag:s25] =	ssyncset.done $0x0  }
0xd1: {  	s26 =	simm.s32 $0x2710;
	s20 =	rddreg [dreg:$0xf];
	[sflag:s25] =	ssyncadd.s32 $0xFFFFD8F0  }
0xd2: {  	[tilespmem:s26], [sflag:$0x11] =	stream.linear.gather [hbm4b:s20+s16], $0x2710, $0x38;
	[tilespmem:$0x133C0] =	vst v63  }
0xd3: {  	_ =	swait.ge [sflag:s25], $0x2710  }
0xd4: {  	[sflag:s25] =	ssyncset.done $0x0  }
0xd5: {  	[sflag:s25] =	ssyncadd.s32 $0xFFFFD8F0  }
0xd6: {  	s17 =	simm.s32 $0x4E20;
	[bflag:$0x0] =	sbarrier.arrive $0xFFFF  }
0xd7: {  	[tilespmem:s17], [sflag:$0x1] =	stream.indirect.gather [spmem:s3], $0x10, s16, s24, $0xb8;
	[tilespmem:$0x133C0] =	vst v63  }
0xd8: {  	s26 =	simm.s32 $0x5620  }
0xd9: {  	[tilespmem:s26], [sflag:$0x2] =	stream.indirect.gather [spmem:s3], $0x10, s24, s24, $0xb8;
	[tilespmem:$0x133C0] =	vst v63  }
0xda: {  	s11 =	simm.s32 $0x100  }
0xdb: {  	[tilespmem:s29], [sflag:$0x3] =	stream.indirect.gather [spmem:s3], $0x10, s11, s24, $0xb8;
	[tilespmem:$0x133C0] =	vst v63  }
0xdc: {  	s16 =	simm.s32 $0x180  }
0xdd: {  	[tilespmem:s31], [sflag:$0x4] =	stream.indirect.gather [spmem:s3], $0x10, s16, s24, $0xb8;
	[tilespmem:$0x133C0] =	vst v63  }
0xde: {  	_ =	swait.ge [sflag:s1], $0x800  }
0xdf: {  	p1 =	por $0x1, $0x1;
	[sflag:s1] =	ssyncset.done $0x0  }
0xe0: {  	s10 =	simm.s32 @!p1 $0xD;
	s18 =	simm.s32 $0x2710;
	[sflag:s1] =	ssyncadd.s32 $0xFFFFF800  }
0xe1: {  	[spmem:s2] =	stream.indirect.scatter.add.f32 [tilespmem:s17], [sflag:$0x9], $0x10, s18, s24, $0xb8;
	[tilespmem:$0x133C0] =	vst v63  }
0xe2: {  	_ =	swait.ge @!p1 [sflag:s10], $0x800  }
0xe3: {  	[sflag:s10] =	ssyncset.done @!p1 $0x0  }
0xe4: {  	s20 =	simm.s32 $0x200;
	[sflag:s10] =	ssyncadd.s32 @!p1 $0xFFFFF800  }
0xe5: {  	[tilespmem:s19], [sflag:$0x5] =	stream.indirect.gather [spmem:s3], $0x10, s20, s24, $0xb8;
	[tilespmem:$0x133C0] =	vst v63  }
0xe6: {  	_ =	swait.ge [sflag:s21], $0x800  }
0xe7: {  	[sflag:s21] =	ssyncset.done $0x0  }
0xe8: {  	s11 =	simm.s32 $0x2790;
	s10 =	simm.s32 @!p1 $0xE;
	[sflag:s21] =	ssyncadd.s32 $0xFFFFF800  }
0xe9: {  	[spmem:s2] =	stream.indirect.scatter.add.f32 [tilespmem:s26], [sflag:$0xA], $0x10, s11, s24, $0xb8;
	[tilespmem:$0x133C0] =	vst v63  }
0xea: {  	_ =	swait.ge @!p1 [sflag:s10], $0x800  }
0xeb: {  	[sflag:s10] =	ssyncset.done @!p1 $0x0  }
0xec: {  	s16 =	simm.s32 $0x280;
	[sflag:s10] =	ssyncadd.s32 @!p1 $0xFFFFF800  }
0xed: {  	[tilespmem:s23], [sflag:$0x6] =	stream.indirect.gather [spmem:s3], $0x10, s16, s24, $0xb8;
	[tilespmem:$0x133C0] =	vst v63  }
0xee: {  	_ =	swait.ge [sflag:s28], $0x800  }
0xef: {  	[sflag:s28] =	ssyncset.done $0x0  }
0xf0: {  	s18 =	simm.s32 $0x2810;
	s10 =	simm.s32 @!p1 $0xF;
	[sflag:s28] =	ssyncadd.s32 $0xFFFFF800  }
0xf1: {  	[spmem:s2] =	stream.indirect.scatter.add.f32 [tilespmem:s29], [sflag:$0xB], $0x10, s18, s24, $0xb8;
	[tilespmem:$0x133C0] =	vst v63  }
0xf2: {  	_ =	swait.ge @!p1 [sflag:s10], $0x800  }
0xf3: {  	[sflag:s10] =	ssyncset.done @!p1 $0x0  }
0xf4: {  	s20 =	simm.s32 $0x300;
	[sflag:s10] =	ssyncadd.s32 @!p1 $0xFFFFF800  }
0xf5: {  	[tilespmem:s30], [sflag:$0x7] =	stream.indirect.gather [spmem:s3], $0x10, s20, s24, $0xb8;
	[tilespmem:$0x133C0] =	vst v63  }
0xf6: {  	_ =	swait.ge [sflag:s0], $0x800  }
0xf7: {  	[sflag:s0] =	ssyncset.done $0x0  }
0xf8: {  	s11 =	simm.s32 $0x2890;
	s10 =	simm.s32 @!p1 $0x10;
	[sflag:s0] =	ssyncadd.s32 $0xFFFFF800  }
0xf9: {  	[spmem:s2] =	stream.indirect.scatter.add.f32 [tilespmem:s31], [sflag:$0xC], $0x10, s11, s24, $0xb8;
	[tilespmem:$0x133C0] =	vst v63  }
0xfa: {  	_ =	swait.ge @!p1 [sflag:s10], $0x800  }
0xfb: {  	[sflag:s10] =	ssyncset.done @!p1 $0x0  }
0xfc: {  	s16 =	simm.s32 $0x380;
	[sflag:s10] =	ssyncadd.s32 @!p1 $0xFFFFF800  }
0xfd: {  	[tilespmem:s4], [sflag:$0x8] =	stream.indirect.gather [spmem:s3], $0x10, s16, s24, $0xb8;
	[tilespmem:$0x133C0] =	vst v63  }
0xfe: {  	_ =	swait.ge [sflag:s6], $0x800  }
0xff: {  	[sflag:s6] =	ssyncset.done $0x0  }
0x100: {  	s18 =	simm.s32 $0x2910;
	[sflag:s6] =	ssyncadd.s32 $0xFFFFF800  }
0x101: {  	[spmem:s2] =	stream.indirect.scatter.add.f32 [tilespmem:s19], [sflag:$0xD], $0x10, s18, s24, $0xb8;
	[tilespmem:$0x133C0] =	vst v63  }
0x102: {  	_ =	swait.ge [sflag:s7], $0x800  }
0x103: {  	[sflag:s7] =	ssyncset.done $0x0  }
0x104: {  	s20 =	simm.s32 $0x400;
	[sflag:s7] =	ssyncadd.s32 $0xFFFFF800  }
0x105: {  	[tilespmem:s17], [sflag:$0x1] =	stream.indirect.gather [spmem:s3], $0x10, s20, s24, $0xb8;
	[tilespmem:$0x133C0] =	vst v63  }
0x106: {  	_ =	swait.ge [sflag:s8], $0x800  }
0x107: {  	[sflag:s8] =	ssyncset.done $0x0  }
0x108: {  	s10 =	simm.s32 $0x2990;
	[sflag:s8] =	ssyncadd.s32 $0xFFFFF800  }
0x109: {  	[spmem:s2] =	stream.indirect.scatter.add.f32 [tilespmem:s23], [sflag:$0xE], $0x10, s10, s24, $0xb8;
	[tilespmem:$0x133C0] =	vst v63  }
0x10a: {  	_ =	swait.ge [sflag:s9], $0x800  }
0x10b: {  	[sflag:s9] =	ssyncset.done $0x0  }
0x10c: {  	s11 =	simm.s32 $0x480;
	[sflag:s9] =	ssyncadd.s32 $0xFFFFF800  }
0x10d: {  	[tilespmem:s26], [sflag:$0x2] =	stream.indirect.gather [spmem:s3], $0x10, s11, s24, $0xb8;
	[tilespmem:$0x133C0] =	vst v63  }
0x10e: {  	_ =	swait.ge [sflag:s12], $0x800  }
0x10f: {  	[sflag:s12] =	ssyncset.done $0x0  }
0x110: {  	s16 =	simm.s32 $0x2A10;
	[sflag:s12] =	ssyncadd.s32 $0xFFFFF800  }
0x111: {  	[spmem:s2] =	stream.indirect.scatter.add.f32 [tilespmem:s30], [sflag:$0xF], $0x10, s16, s24, $0xb8;
	[tilespmem:$0x133C0] =	vst v63  }
0x112: {  	_ =	swait.ge [sflag:s13], $0x800  }
0x113: {  	[sflag:s13] =	ssyncset.done $0x0  }
0x114: {  	s18 =	simm.s32 $0x500;
	[sflag:s13] =	ssyncadd.s32 $0xFFFFF800  }
0x115: {  	[tilespmem:s29], [sflag:$0x3] =	stream.indirect.gather [spmem:s3], $0x10, s18, s24, $0xb8;
	[tilespmem:$0x133C0] =	vst v63  }
0x116: {  	_ =	swait.ge [sflag:s14], $0x800  }
0x117: {  	[sflag:s14] =	ssyncset.done $0x0  }
0x118: {  	s20 =	simm.s32 $0x2A90;
	[sflag:s14] =	ssyncadd.s32 $0xFFFFF800  }
0x119: {  	[spmem:s2] =	stream.indirect.scatter.add.f32 [tilespmem:s4], [sflag:$0x10], $0x10, s20, s24, $0xb8;
	[tilespmem:$0x133C0] =	vst v63  }
0x11a: {  	_ =	swait.ge [sflag:s15], $0x800  }
0x11b: {  	s5 =	simm.s32 $0x580;
	s18 =	rddreg [dreg:$0xa]  }
0x11c: {  	s10 =	simm.s32 $0x1000;
	[sflag:s15] =	ssyncset.done $0x0;
	s20 =	rddreg [dreg:$0xb]  }
.LBB2_6:
0x11d: {  	[sflag:s15] =	ssyncadd.s32 $0xFFFFF800;
	s16 =	smov.u32 s10;
	s10 =	sadd.s32 $0x1000, s10  }
0x11e: {  	[tilespmem:s31], [sflag:$0x4] =	stream.indirect.gather [spmem:s3], $0x10, s5, s24, $0xb8;
	[tilespmem:$0x133C0] =	vst v63  }
0x11f: {  	s11 =	sshra.s32 s16, $0x2;
	p1 =	sne.s32 s10, $0x9000;
	_ =	swait.ge [sflag:s1], $0x800  }
0x120: {  	p2 =	seq.s32 s16, $0x0;
	s5 =	sadd.s32 $0x2710, s11;
	[sflag:s1] =	ssyncset.done $0x0  }
0x121: {  	s16 =	simm.s32 @!p2 $0xD;
	[sflag:s1] =	ssyncadd.s32 $0xFFFFF800  }
0x122: {  	[spmem:s2] =	stream.indirect.scatter.add.f32 [tilespmem:s17], [sflag:$0x9], $0x10, s5, s24, $0xb8;
	[tilespmem:$0x133C0] =	vst v63  }
0x123: {  	_ =	swait.ge @!p2 [sflag:s16], $0x800  }
0x124: {  	s5 =	sadd.s32 $0x200, s11;
	[sflag:s16] =	ssyncset.done @!p2 $0x0  }
0x125: {  	[sflag:s16] =	ssyncadd.s32 @!p2 $0xFFFFF800  }
0x126: {  	[tilespmem:s19], [sflag:$0x5] =	stream.indirect.gather [spmem:s3], $0x10, s5, s24, $0xb8;
	[tilespmem:$0x133C0] =	vst v63  }
0x127: {  	_ =	swait.ge [sflag:s21], $0x800  }
0x128: {  	s5 =	sadd.s32 $0x2790, s11;
	[sflag:s21] =	ssyncset.done $0x0  }
0x129: {  	s16 =	simm.s32 @!p2 $0xE;
	[sflag:s21] =	ssyncadd.s32 $0xFFFFF800  }
0x12a: {  	[spmem:s2] =	stream.indirect.scatter.add.f32 [tilespmem:s26], [sflag:$0xA], $0x10, s5, s24, $0xb8;
	[tilespmem:$0x133C0] =	vst v63  }
0x12b: {  	_ =	swait.ge @!p2 [sflag:s16], $0x800  }
0x12c: {  	s5 =	sadd.s32 $0x280, s11;
	[sflag:s16] =	ssyncset.done @!p2 $0x0  }
0x12d: {  	[sflag:s16] =	ssyncadd.s32 @!p2 $0xFFFFF800  }
0x12e: {  	[tilespmem:s23], [sflag:$0x6] =	stream.indirect.gather [spmem:s3], $0x10, s5, s24, $0xb8;
	[tilespmem:$0x133C0] =	vst v63  }
0x12f: {  	_ =	swait.ge [sflag:s28], $0x800  }
0x130: {  	s5 =	sadd.s32 $0x2810, s11;
	[sflag:s28] =	ssyncset.done $0x0  }
0x131: {  	s16 =	simm.s32 @!p2 $0xF;
	[sflag:s28] =	ssyncadd.s32 $0xFFFFF800  }
0x132: {  	[spmem:s2] =	stream.indirect.scatter.add.f32 [tilespmem:s29], [sflag:$0xB], $0x10, s5, s24, $0xb8;
	[tilespmem:$0x133C0] =	vst v63  }
0x133: {  	_ =	swait.ge @!p2 [sflag:s16], $0x800  }
0x134: {  	s5 =	sadd.s32 $0x300, s11;
	[sflag:s16] =	ssyncset.done @!p2 $0x0  }
0x135: {  	[sflag:s16] =	ssyncadd.s32 @!p2 $0xFFFFF800  }
0x136: {  	[tilespmem:s30], [sflag:$0x7] =	stream.indirect.gather [spmem:s3], $0x10, s5, s24, $0xb8;
	[tilespmem:$0x133C0] =	vst v63  }
0x137: {  	_ =	swait.ge [sflag:s0], $0x800  }
0x138: {  	s5 =	sadd.s32 $0x2890, s11;
	[sflag:s0] =	ssyncset.done $0x0  }
0x139: {  	s16 =	simm.s32 @!p2 $0x10;
	[sflag:s0] =	ssyncadd.s32 $0xFFFFF800  }
0x13a: {  	[spmem:s2] =	stream.indirect.scatter.add.f32 [tilespmem:s31], [sflag:$0xC], $0x10, s5, s24, $0xb8;
	[tilespmem:$0x133C0] =	vst v63  }
0x13b: {  	_ =	swait.ge @!p2 [sflag:s16], $0x800  }
0x13c: {  	s5 =	sadd.s32 $0x380, s11;
	[sflag:s16] =	ssyncset.done @!p2 $0x0  }
0x13d: {  	[sflag:s16] =	ssyncadd.s32 @!p2 $0xFFFFF800  }
0x13e: {  	[tilespmem:s4], [sflag:$0x8] =	stream.indirect.gather [spmem:s3], $0x10, s5, s24, $0xb8;
	[tilespmem:$0x133C0] =	vst v63  }
0x13f: {  	_ =	swait.ge [sflag:s6], $0x800  }
0x140: {  	s5 =	sadd.s32 $0x2910, s11;
	[sflag:s6] =	ssyncset.done $0x0  }
0x141: {  	[sflag:s6] =	ssyncadd.s32 $0xFFFFF800  }
0x142: {  	[spmem:s2] =	stream.indirect.scatter.add.f32 [tilespmem:s19], [sflag:$0xD], $0x10, s5, s24, $0xb8;
	[tilespmem:$0x133C0] =	vst v63  }
0x143: {  	_ =	swait.ge [sflag:s7], $0x800  }
0x144: {  	s5 =	sadd.s32 $0x400, s11;
	[sflag:s7] =	ssyncset.done $0x0  }
0x145: {  	[sflag:s7] =	ssyncadd.s32 $0xFFFFF800  }
0x146: {  	[tilespmem:s17], [sflag:$0x1] =	stream.indirect.gather [spmem:s3], $0x10, s5, s24, $0xb8;
	[tilespmem:$0x133C0] =	vst v63  }
0x147: {  	_ =	swait.ge [sflag:s8], $0x800  }
0x148: {  	s5 =	sadd.s32 $0x2990, s11;
	[sflag:s8] =	ssyncset.done $0x0  }
0x149: {  	[sflag:s8] =	ssyncadd.s32 $0xFFFFF800  }
0x14a: {  	[spmem:s2] =	stream.indirect.scatter.add.f32 [tilespmem:s23], [sflag:$0xE], $0x10, s5, s24, $0xb8;
	[tilespmem:$0x133C0] =	vst v63  }
0x14b: {  	_ =	swait.ge [sflag:s9], $0x800  }
0x14c: {  	s5 =	sadd.s32 $0x480, s11;
	[sflag:s9] =	ssyncset.done $0x0  }
0x14d: {  	[sflag:s9] =	ssyncadd.s32 $0xFFFFF800  }
0x14e: {  	[tilespmem:s26], [sflag:$0x2] =	stream.indirect.gather [spmem:s3], $0x10, s5, s24, $0xb8;
	[tilespmem:$0x133C0] =	vst v63  }
0x14f: {  	_ =	swait.ge [sflag:s12], $0x800  }
0x150: {  	s5 =	sadd.s32 $0x2A10, s11;
	[sflag:s12] =	ssyncset.done $0x0  }
0x151: {  	[sflag:s12] =	ssyncadd.s32 $0xFFFFF800  }
0x152: {  	[spmem:s2] =	stream.indirect.scatter.add.f32 [tilespmem:s30], [sflag:$0xF], $0x10, s5, s24, $0xb8;
	[tilespmem:$0x133C0] =	vst v63  }
0x153: {  	_ =	swait.ge [sflag:s13], $0x800  }
0x154: {  	s5 =	sadd.s32 $0x500, s11;
	[sflag:s13] =	ssyncset.done $0x0  }
0x155: {  	[sflag:s13] =	ssyncadd.s32 $0xFFFFF800  }
0x156: {  	[tilespmem:s29], [sflag:$0x3] =	stream.indirect.gather [spmem:s3], $0x10, s5, s24, $0xb8;
	[tilespmem:$0x133C0] =	vst v63  }
0x157: {  	_ =	swait.ge [sflag:s14], $0x800  }
.Ltmp2:
0x158: {  	s5 =	sadd.s32 $0x2A90, s11;
	[sflag:s14] =	ssyncset.done $0x0;
	(pc) =	sbr.rel @p1 .LBB2_6-.Ltmp2, $4  }
0x159: {  	[sflag:s14] =	ssyncadd.s32 $0xFFFFF800  }
0x15a: {  	[spmem:s2] =	stream.indirect.scatter.add.f32 [tilespmem:s4], [sflag:$0x10], $0x10, s5, s24, $0xb8;
	[tilespmem:$0x133C0] =	vst v63  }
0x15b: {  	_ =	swait.ge [sflag:s15], $0x800  }
0x15c: {  	s5 =	sadd.s32 $0x580, s11;
	[sflag:s15] =	ssyncset.done $0x0  }
0x15d: {  	[sflag:s15] =	ssyncadd.s32 $0xFFFFF800  }
0x15e: {  	[tilespmem:s31], [sflag:$0x4] =	stream.indirect.gather [spmem:s3], $0x10, s5, s24, $0xb8;
	[tilespmem:$0x133C0] =	vst v63  }
0x15f: {  	_ =	swait.ge [sflag:s1], $0x800  }
0x160: {  	[sflag:s1] =	ssyncset.done $0x0  }
0x161: {  	s10 =	simm.s32 $0x4B10;
	s5 =	simm.s32 $0xD;
	[sflag:s1] =	ssyncadd.s32 $0xFFFFF800  }
0x162: {  	[spmem:s2] =	stream.indirect.scatter.add.f32 [tilespmem:s17], [sflag:$0x9], $0x10, s10, s24, $0xb8;
	[tilespmem:$0x133C0] =	vst v63  }
0x163: {  	_ =	swait.ge [sflag:s5], $0x800  }
0x164: {  	[sflag:s5] =	ssyncset.done $0x0  }
0x165: {  	s10 =	simm.s32 $0x2600;
	[sflag:s5] =	ssyncadd.s32 $0xFFFFF800  }
0x166: {  	[tilespmem:s19], [sflag:$0x5] =	stream.indirect.gather [spmem:s3], $0x10, s10, s24, $0xb8;
	[tilespmem:$0x133C0] =	vst v63  }
0x167: {  	_ =	swait.ge [sflag:s21], $0x800  }
0x168: {  	[sflag:s21] =	ssyncset.done $0x0  }
0x169: {  	s11 =	simm.s32 $0x4B90;
	s10 =	simm.s32 $0xE;
	[sflag:s21] =	ssyncadd.s32 $0xFFFFF800  }
0x16a: {  	[spmem:s2] =	stream.indirect.scatter.add.f32 [tilespmem:s26], [sflag:$0xA], $0x10, s11, s24, $0xb8;
	[tilespmem:$0x133C0] =	vst v63  }
0x16b: {  	_ =	swait.ge [sflag:s10], $0x800  }
0x16c: {  	[sflag:s10] =	ssyncset.done $0x0  }
0x16d: {  	s11 =	simm.s32 $0x2680;
	[sflag:s10] =	ssyncadd.s32 $0xFFFFF800  }
0x16e: {  	[tilespmem:s23], [sflag:$0x6] =	stream.indirect.gather [spmem:s3], $0x10, s11, s24, $0xb8;
	[tilespmem:$0x133C0] =	vst v63  }
0x16f: {  	_ =	swait.ge [sflag:s28], $0x800  }
0x170: {  	[sflag:s28] =	ssyncset.done $0x0  }
0x171: {  	s16 =	simm.s32 $0x4C10;
	s26 =	simm.s32 $0xF;
	[sflag:s28] =	ssyncadd.s32 $0xFFFFF800  }
0x172: {  	[spmem:s2] =	stream.indirect.scatter.add.f32 [tilespmem:s29], [sflag:$0xB], $0x10, s16, s24, $0xb8;
	[tilespmem:$0x133C0] =	vst v63  }
0x173: {  	_ =	swait.ge [sflag:s26], $0x800  }
0x174: {  	[sflag:s26] =	ssyncset.done $0x0  }
0x175: {  	[sflag:s26] =	ssyncadd.s32 $0xFFFFF800  }
0x176: {  	_ =	swait.ge [sflag:s0], $0x800  }
0x177: {  	[sflag:s0] =	ssyncset.done $0x0  }
0x178: {  	s11 =	simm.s32 $0x10;
	s16 =	simm.s32 $0x4C90;
	[sflag:s0] =	ssyncadd.s32 $0xFFFFF800  }
0x179: {  	[spmem:s2] =	stream.indirect.scatter.add.f32 [tilespmem:s31], [sflag:$0xC], $0x10, s16, s24, $0xb8;
	[tilespmem:$0x133C0] =	vst v63  }
0x17a: {  	_ =	swait.ge [sflag:s11], $0x800  }
0x17b: {  	[sflag:s11] =	ssyncset.done $0x0  }
0x17c: {  	[sflag:s11] =	ssyncadd.s32 $0xFFFFF800  }
0x17d: {  	_ =	swait.ge [sflag:s6], $0x800  }
0x17e: {  	[sflag:s6] =	ssyncset.done $0x0  }
0x17f: {  	s16 =	simm.s32 $0x4D10;
	[sflag:s6] =	ssyncadd.s32 $0xFFFFF800  }
0x180: {  	[spmem:s2] =	stream.indirect.scatter.add.f32 [tilespmem:s19], [sflag:$0xD], $0x10, s16, s24, $0xb8;
	[tilespmem:$0x133C0] =	vst v63  }
0x181: {  	_ =	swait.ge [sflag:s7], $0x800  }
0x182: {  	[sflag:s7] =	ssyncset.done $0x0  }
0x183: {  	[sflag:s7] =	ssyncadd.s32 $0xFFFFF800  }
0x184: {  	_ =	swait.ge [sflag:s8], $0x800  }
0x185: {  	[sflag:s8] =	ssyncset.done $0x0  }
0x186: {  	s26 =	simm.s32 $0x4D90;
	[sflag:s8] =	ssyncadd.s32 $0xFFFFF800  }
0x187: {  	[spmem:s2] =	stream.indirect.scatter.add.f32 [tilespmem:s23], [sflag:$0xE], $0x10, s26, s24, $0xb8;
	[tilespmem:$0x133C0] =	vst v63  }
0x188: {  	_ =	swait.ge [sflag:s9], $0x800  }
0x189: {  	[sflag:s9] =	ssyncset.done $0x0  }
0x18a: {  	[sflag:s9] =	ssyncadd.s32 $0xFFFFF800  }
0x18b: {  	_ =	swait.ge [sflag:s13], $0x800  }
0x18c: {  	[sflag:s13] =	ssyncset.done $0x0  }
0x18d: {  	[sflag:s13] =	ssyncadd.s32 $0xFFFFF800  }
0x18e: {  	_ =	swait.ge [sflag:s15], $0x800  }
0x18f: {  	[sflag:s15] =	ssyncset.done $0x0  }
0x190: {  	[sflag:s15] =	ssyncadd.s32 $0xFFFFF800  }
0x191: {  	_ =	swait.ge [sflag:s5], $0x800  }
0x192: {  	[sflag:s5] =	ssyncset.done $0x0  }
0x193: {  	[sflag:s5] =	ssyncadd.s32 $0xFFFFF800  }
0x194: {  	_ =	swait.ge [sflag:s10], $0x800  }
0x195: {  	[sflag:s10] =	ssyncset.done $0x0  }
0x196: {  	[sflag:s10] =	ssyncadd.s32 $0xFFFFF800;
	s10 =	simm.s32 $0x2700  }
0x197: {  	[tilespmem:s17], [sflag:$0x1] =	stream.indirect.gather [spmem:s3], $0x10, s10, s11, $0xb8;
	[tilespmem:$0x133C0] =	vst v63  }
0x198: {  	_ =	swait.ge [sflag:s1], $0x100  }
0x199: {  	[sflag:s1] =	ssyncset.done $0x0  }
0x19a: {  	s16 =	simm.s32 $0x4E10;
	[sflag:s1] =	ssyncadd.s32 $0xFFFFFF00  }
0x19b: {  	[spmem:s2] =	stream.indirect.scatter.add.f32 [tilespmem:s17], [sflag:$0x9], $0x10, s16, s11, $0xb8;
	[tilespmem:$0x133C0] =	vst v63  }
0x19c: {  	_ =	swait.ge [sflag:s7], $0x100  }
0x19d: {  	[sflag:s7] =	ssyncset.done $0x0  }
0x19e: {  	[sflag:s7] =	ssyncadd.s32 $0xFFFFFF00  }
0x19f: {  	s5 =	simm.s32 @p0 $0xB620;
	[bflag:$0x0] =	sbarrier.arrive $0xFFFF  }
0x1a0: {  	[tilespmem:s5], [sflag:$0x11] =	stream.linear.gather @p0 [spmem:s20], $0x1900, $0x38;
	[tilespmem:$0x133C0] =	vst v63  }
0x1a1: {  	s5 =	simm.s32 @p0 $0x11  }
0x1a2: {  	_ =	swait.ge @p0 [sflag:s5], $0x1900  }
0x1a3: {  	s10 =	simm.s32 @!p0 $0x11;
	[sflag:s5] =	ssyncset.done @p0 $0x0  }
0x1a4: {  	s17 =	simm.s32 $0x0;
	[sflag:s5] =	ssyncadd.s32 @p0 $0xFFFFE700;
	s5 =	simm.s32 @!p0 $0xB620  }
0x1a5: {  	v1 =	vmov s17;
	[tilespmem:s5], [sflag:$0x11] =	stream.linear.gather @!p0 [spmem:s18], $0x2800, $0x38;
	[tilespmem:$0x133C0] =	vst v63  }
0x1a6: {  	v1 =	vand.u32 $0xFFFFFFFC, v1;
	_ =	swait.ge @!p0 [sflag:s10], $0x2800  }
0x1a7: {  	v1 =	vbroadcast v1, $0x0;
	[sflag:s10] =	ssyncset.done @!p0 $0x0  }
0x1a8: {  	s11 =	simm.s32 $0x8E40;
	[sflag:s10] =	ssyncadd.s32 @!p0 $0xFFFFD800  }
0x1a9: {  	v2 =	vld [tilespmem:s11+$0xFFFFFFE0]  }
0x1aa: {  	s10 =	simm.s32 $0xB640  }
0x1ab: {  	v3 =	vld [tilespmem:s10+$0xFFFFFFE0];
	_ =	sdelay $0x1  }
0x1ac: {  	v1 =	vld.idx.msk [tilespmem:v1+s22+$0x0], $0xffff  }
0x1ad: {  	v2 =	vmul.f32 v2, v0;
	_ =	sdelay $0x1  }
0x1ae: {  	s26 =	simm.s32 $0x1;
	v2 =	vadd.f32 v2, v3  }
0x1af: {  	v3 =	vmov s26  }
0x1b0: {  	v3 =	vand.u32 $0xFFFFFFFD, v3;
	v1 =	vmul.f32 v2, v1  }
0x1b1: {  	v2 =	vbroadcast v3, $0x0  }
0x1b2: {  	[tilespmem:s10+$0xFFFFFFE0] =	vst v1  }
0x1b3: {  	v1 =	vld [tilespmem:s11+$0xFFFFFFF0];
	_ =	sdelay $0x1  }
0x1b4: {  	v3 =	vld [tilespmem:s10+$0xFFFFFFF0];
	_ =	sdelay $0x1  }
0x1b5: {  	v2 =	vld.idx.msk [tilespmem:v2+s22+$0x0], $0xffff  }
0x1b6: {  	v1 =	vmul.f32 v1, v0;
	_ =	sdelay $0x1  }
0x1b7: {  	s16 =	simm.s32 $0x2;
	v1 =	vadd.f32 v1, v3  }
0x1b8: {  	v3 =	vmov s16  }
0x1b9: {  	v3 =	vand.u32 $0xFFFFFFFE, v3;
	v1 =	vmul.f32 v1, v2  }
0x1ba: {  	v2 =	vbroadcast v3, $0x0  }
0x1bb: {  	[tilespmem:s10+$0xFFFFFFF0] =	vst v1  }
0x1bc: {  	v1 =	vld [tilespmem:s11+$0x0];
	_ =	sdelay $0x1  }
0x1bd: {  	v3 =	vld [tilespmem:s10+$0x0];
	_ =	sdelay $0x1  }
0x1be: {  	v2 =	vld.idx.msk [tilespmem:v2+s22+$0x0], $0xffff  }
0x1bf: {  	v1 =	vmul.f32 v1, v0;
	_ =	sdelay $0x1  }
0x1c0: {  	v1 =	vadd.f32 v1, v3  }
0x1c1: {  	s17 =	simm.s32 $0x3  }
0x1c2: {  	v1 =	vmul.f32 v1, v2;
	v2 =	vmov s17;
	_ =	sdelay $0x2  }
0x1c3: {  	[tilespmem:s10+$0x0] =	vst v1  }
0x1c4: {  	v3 =	vld [tilespmem:s11+$0x10]  }
0x1c5: {  	v1 =	vld.idx.msk [tilespmem:v2+s22+$0x0], $0xffff  }
0x1c6: {  	v2 =	vld [tilespmem:s10+$0x10];
	_ =	sdelay $0x1  }
0x1c7: {  	s26 =	simm.s32 $0x4  }
0x1c8: {  	v4 =	vmov s26;
	v3 =	vmul.f32 v3, v0  }
0x1c9: {  	s5 =	simm.s32 $0xB;
	v4 =	vand.u32 $0xFFFFFFFC, v4;
	s16 =	simm.s32 $0x7  }
.LBB2_8:
0x1ca: {  	p1 =	sne.s32 s5, $0x27F;
	v4 =	vbroadcast v4, $0x0;
	v2 =	vadd.f32 v3, v2;
	_ =	sdelay $0x1  }
0x1cb: {  	v1 =	vmul.f32 v2, v1;
	_ =	sdelay $0x1  }
0x1cc: {  	s11 =	sadd.s32 $0x40, s11;
	[tilespmem:s10+$0x10] =	vst v1  }
0x1cd: {  	v1 =	vld [tilespmem:s11+$0xFFFFFFE0]  }
0x1ce: {  	s10 =	sadd.s32 $0x40, s10;
	v2 =	vld.idx.msk [tilespmem:v4+s22+$0x0], $0xffff  }
0x1cf: {  	v3 =	vld [tilespmem:s10+$0xFFFFFFE0];
	_ =	sdelay $0x2  }
0x1d0: {  	v1 =	vmul.f32 v1, v0  }
0x1d1: {  	s17 =	sadd.s32 $0xFFFFFFFE, s16  }
0x1d2: {  	v1 =	vadd.f32 v1, v3;
	v3 =	vmov s17  }
0x1d3: {  	v3 =	vand.u32 $0xFFFFFFFD, v3  }
0x1d4: {  	v1 =	vmul.f32 v1, v2;
	v2 =	vbroadcast v3, $0x0;
	_ =	sdelay $0x1  }
0x1d5: {  	[tilespmem:s10+$0xFFFFFFE0] =	vst v1  }
0x1d6: {  	v1 =	vld [tilespmem:s11+$0xFFFFFFF0];
	_ =	sdelay $0x1  }
0x1d7: {  	v3 =	vld [tilespmem:s10+$0xFFFFFFF0]  }
0x1d8: {  	v2 =	vld.idx.msk [tilespmem:v2+s22+$0x0], $0xffff;
	_ =	sdelay $0x1  }
0x1d9: {  	v1 =	vmul.f32 v1, v0  }
0x1da: {  	s17 =	sadd.s32 $0xFFFFFFFF, s16  }
0x1db: {  	v1 =	vadd.f32 v1, v3;
	v3 =	vmov s17  }
0x1dc: {  	v3 =	vand.u32 $0xFFFFFFFE, v3  }
0x1dd: {  	v1 =	vmul.f32 v1, v2;
	v2 =	vbroadcast v3, $0x0;
	_ =	sdelay $0x1  }
0x1de: {  	[tilespmem:s10+$0xFFFFFFF0] =	vst v1  }
0x1df: {  	v1 =	vld [tilespmem:s11+$0x0];
	_ =	sdelay $0x1  }
0x1e0: {  	v3 =	vld [tilespmem:s10+$0x0]  }
0x1e1: {  	v2 =	vld.idx.msk [tilespmem:v2+s22+$0x0], $0xffff;
	_ =	sdelay $0x1  }
0x1e2: {  	v1 =	vmul.f32 v1, v0;
	_ =	sdelay $0x1  }
0x1e3: {  	v1 =	vadd.f32 v1, v3  }
0x1e4: {  	v3 =	vmov s16;
	s16 =	smov.u32 s5  }
0x1e5: {  	v1 =	vmul.f32 v1, v2;
	_ =	sdelay $0x1  }
0x1e6: {  	[tilespmem:s10+$0x0] =	vst v1  }
0x1e7: {  	v4 =	vld [tilespmem:s11+$0x10]  }
0x1e8: {  	v1 =	vld.idx.msk [tilespmem:v3+s22+$0x0], $0xffff  }
.Ltmp3:
0x1e9: {  	v2 =	vld [tilespmem:s10+$0x10];
	(pc) =	sbr.rel @p1 .LBB2_8-.Ltmp3, $4  }
0x1ea: {  	_ = 	snop  }
0x1eb: {  	s17 =	sadd.s32 $0xFFFFFFFD, s5  }
0x1ec: {  	v5 =	vmov s17;
	v3 =	vmul.f32 v4, v0  }
0x1ed: {  	s5 =	sadd.s32 $0x4, s5;
	v4 =	vand.u32 $0xFFFFFFFC, v5  }
0x1ee: {  	v2 =	vadd.f32 v3, v2;
	_ =	sdelay $0x1  }
0x1ef: {  	v1 =	vmul.f32 v2, v1  }
0x1f0: {  	v2 =	vbroadcast v4, $0x0  }
0x1f1: {  	s5 =	sadd.s32 $0x40, s11;
	[tilespmem:s10+$0x10] =	vst v1  }
0x1f2: {  	v1 =	vld [tilespmem:s5+$0xFFFFFFE0]  }
0x1f3: {  	s10 =	sadd.s32 $0x40, s10  }
0x1f4: {  	v3 =	vld [tilespmem:s10+$0xFFFFFFE0];
	_ =	sdelay $0x1  }
0x1f5: {  	v2 =	vld.idx.msk [tilespmem:v2+s22+$0x0], $0xffff  }
0x1f6: {  	v1 =	vmul.f32 v1, v0;
	_ =	sdelay $0x1  }
0x1f7: {  	s17 =	sadd.s32 $0xFFFFFFFE, s16;
	v1 =	vadd.f32 v1, v3  }
0x1f8: {  	v3 =	vmov s17  }
0x1f9: {  	v3 =	vand.u32 $0xFFFFFFFD, v3;
	v1 =	vmul.f32 v1, v2  }
0x1fa: {  	v2 =	vbroadcast v3, $0x0  }
0x1fb: {  	[tilespmem:s10+$0xFFFFFFE0] =	vst v1  }
0x1fc: {  	v1 =	vld [tilespmem:s5+$0xFFFFFFF0];
	_ =	sdelay $0x1  }
0x1fd: {  	v3 =	vld [tilespmem:s10+$0xFFFFFFF0];
	_ =	sdelay $0x1  }
0x1fe: {  	v2 =	vld.idx.msk [tilespmem:v2+s22+$0x0], $0xffff  }
0x1ff: {  	v1 =	vmul.f32 v1, v0;
	_ =	sdelay $0x1  }
0x200: {  	s26 =	sadd.s32 $0xFFFFFFFF, s16;
	v1 =	vadd.f32 v1, v3  }
0x201: {  	v3 =	vmov s26  }
0x202: {  	v3 =	vand.u32 $0xFFFFFFFE, v3;
	v1 =	vmul.f32 v1, v2  }
0x203: {  	v2 =	vbroadcast v3, $0x0  }
0x204: {  	[tilespmem:s10+$0xFFFFFFF0] =	vst v1  }
0x205: {  	v1 =	vld [tilespmem:s5+$0x0];
	_ =	sdelay $0x1  }
0x206: {  	v3 =	vld [tilespmem:s10+$0x0];
	_ =	sdelay $0x1  }
0x207: {  	v2 =	vld.idx.msk [tilespmem:v2+s22+$0x0], $0xffff  }
0x208: {  	v1 =	vmul.f32 v1, v0;
	_ =	sdelay $0x1  }
0x209: {  	v1 =	vadd.f32 v1, v3;
	_ =	sdelay $0x1  }
0x20a: {  	v1 =	vmul.f32 v1, v2;
	_ =	sdelay $0x1  }
0x20b: {  	v2 =	vmov s16;
	[tilespmem:s10+$0x0] =	vst v1  }
0x20c: {  	v1 =	vld [tilespmem:s5+$0x10];
	_ =	sdelay $0x1  }
0x20d: {  	v3 =	vld [tilespmem:s10+$0x10];
	_ =	sdelay $0x1  }
0x20e: {  	v2 =	vld.idx.msk [tilespmem:v2+s22+$0x0], $0xffff  }
0x20f: {  	v1 =	vmul.f32 v1, v0;
	_ =	sdelay $0x1  }
0x210: {  	v1 =	vadd.f32 v1, v3;
	_ =	sdelay $0x1  }
0x211: {  	v1 =	vmul.f32 v1, v2;
	_ =	sdelay $0x1  }
0x212: {  	s11 =	rddreg [dreg:$0x11];
	s5 =	simm.s32 @p0 $0x0;
	[tilespmem:s10+$0x10] =	vst v1;
	s10 =	simm.s32 @p0 $0xB620  }
0x213: {  	[hbm4b:s11+s5] =	stream.linear.scatter @p0 [tilespmem:s10], [sflag:$0x11], $0x1900, $0x38;
	[tilespmem:$0x133C0] =	vst v63  }
0x214: {  	s5 =	simm.s32 @p0 $0x11  }
0x215: {  	_ =	swait.ge @p0 [sflag:s5], $0x1900  }
0x216: {  	s10 =	simm.s32 @!p0 $0xB620;
	[sflag:s5] =	ssyncset.done @p0 $0x0  }
0x217: {  	s11 =	rddreg [dreg:$0x10];
	[sflag:s5] =	ssyncadd.s32 @p0 $0xFFFFE700;
	s5 =	simm.s32 @!p0 $0x0  }
0x218: {  	[hbm4b:s11+s5] =	stream.linear.scatter @!p0 [tilespmem:s10], [sflag:$0x11], $0x2800, $0x38;
	[tilespmem:$0x133C0] =	vst v63  }
0x219: {  	s5 =	simm.s32 @!p0 $0x11  }
0x21a: {  	_ =	swait.ge @!p0 [sflag:s5], $0x2800  }
0x21b: {  	s17 =	rddreg [dreg:$0x13]  }
0x21c: {  	s26 =	rddreg [dreg:$0x12];
	s11 =	sadd.s32 $0x1, s17  }
0x21d: {  	p1 =	sne.s32 s11, s26  }
.Ltmp4:
0x21e: {  	_ = 	snop;
	(pc) =	sbr.rel @p1 .LBB2_1-.Ltmp4, $3  }
0x21f: {  	_ =	sdelay $0x1  }
0x220: {  	[sflag:s5] =	ssyncset.done @!p0 $0x0  }
0x221: {  	[sflag:s5] =	ssyncadd.s32 @!p0 $0xFFFFD800  }
0x222: {  	_ =	sfence.sel $0x180000  }
0x223: {  	[bflag:$0x0] =	sbarrier.arrive $0xFFFF  }
0x224: {  	_ =	strace $0x9000004A  }
0x225: {  	s0 =	stileid.u32;
	[bflag:$0x2] =	sbarrier.arrive $0xFFFF  }
0x226: {  	p0 =	sne.s32 s0, $0x0;
	s0 =	rddreg [dreg:$0x4]  }
0x227: {  	s0 =	sadd.s32 @!p0 $0x100000, s0  }
0x228: {  	[sflag:s0] =	ssyncadd.tile.s32 @!p0 $0x1;
	_ =	shalt  }
.Lfunc_end2:
_tile_overlayer_lowered:
.L_overlay_start_2:
0x229: {  	(tag) =	ssettag $0x2  }
0x22a: {  	s0 =	rddreg [dreg:$0x0];
	s2 =	stileid.u32  }
0x22b: {  	s1 =	rddreg [dreg:$0x1];
	p0 =	sne.s32 s2, $0x0  }
0x22c: {  	s3 =	rddreg [dreg:$0x2];
	[bflag:$0x3] =	sbarrier.arrive $0xFFFF;
	s2 =	simm.s32 @!p0 $0x1C11  }
0x22d: {  	[timem:s3], [sflag:s2] =	dma.local @!p0 [hbm:s0], s1  }
0x22e: {  	s0 =	simm.s32 @!p0 $0x11  }
0x22f: {  	_ =	swait.ge @!p0 [sflag:s0], s1  }
0x230: {  	s1 =	ssub.s32 @!p0 $0x0, s1;
	[sflag:s0] =	ssyncset.done @!p0 $0x0  }
0x231: {  	[sflag:s0] =	ssyncadd.s32 @!p0 s1  }
0x232: {  	[bflag:$0x3] =	sbarrier.arrive $0xFFFF  }
0x233: {  	_ =	shalt  }

</sc_bundles>
